<compile_context>
chip_gen: v7x
topology: tpu7x:2x2x1
jax: 0.10.2.dev20260603
libtpu: 0.0.44.dev20260713+nightly
codegen_flags: <defaults>
</compile_context>

<pallas_src>
import functools

import numpy as np
import jax
import jax.numpy as jnp
from jax import lax
from jax.experimental import pallas as pl
from jax.experimental.pallas import tpu as pltpu, tpu_sc as plsc

D_MODEL = 1024
HALF = D_MODEL // 2
NUM_BLOCKS = 3
CLS_TOKEN_TYPE_ID = 2
SEED_ROWS = 8
ROWS_PER_BLK = 512
N_DBL = 6


def _pool_pos(pos, block_index):
    cls_pos = np.array([-(2 ** block_index) + 1], dtype=np.int64)
    pooled = pos[1:-1]
    return np.concatenate([cls_pos, pooled[::2]], 0)


def _rel_pos(pos, stride, pooled_pos=None, shift=1):
    if pooled_pos is None:
        pooled_pos = pos
    ref_point = pooled_pos[0] - pos[0]
    num_remove = shift * len(pooled_pos)
    max_dist = ref_point + num_remove * stride
    min_dist = pooled_pos[0] - pos[-1]
    return np.arange(max_dist, min_dist - 1, -stride, dtype=np.int64)


def _pe_sequences(seq_len):
    pos = np.arange(0, seq_len, dtype=np.int64)
    seqs = []
    for block_index in range(NUM_BLOCKS):
        pool_seq = None
        if block_index > 0:
            pooled_pos = _pool_pos(pos, block_index)
            stride = 2 ** (block_index - 1)
            pool_seq = _rel_pos(pos, stride, pooled_pos, shift=2)
            pos = pooled_pos
        stride = 2 ** block_index
        seqs.append((_rel_pos(pos, stride), pool_seq))
    ordered = [seqs[0][0], seqs[1][0], seqs[1][1], seqs[2][0], seqs[2][1]]
    params = []
    for rp in ordered:
        r0 = int(rp[0])
        step = int(rp[1] - rp[0])
        assert np.all(np.diff(rp) == step)
        params.append((r0, -step, len(rp)))
    return params


def _write_pe_block(o_ref, blk, first_r, stride, s_off, freq_ref, cos_ref, sin_ref):
    row = jax.lax.broadcasted_iota(jnp.int32, (SEED_ROWS, 1), 0).astype(jnp.float32)
    r = (first_r - stride * blk.astype(jnp.float32) * ROWS_PER_BLK) - stride * row
    phase = r * freq_ref[...]
    o_ref[0:SEED_ROWS, :HALF] = jnp.sin(phase)
    o_ref[0:SEED_ROWS, HALF:] = jnp.cos(phase)
    for k in range(N_DBL):
        m = SEED_ROWS << k
        s = o_ref[0:m, :HALF]
        c = o_ref[0:m, HALF:]
        ck = cos_ref[s_off + k:s_off + k + 1, :]
        sk = sin_ref[s_off + k:s_off + k + 1, :]
        o_ref[m:2 * m, :HALF] = s * ck - c * sk
        o_ref[m:2 * m, HALF:] = c * ck + s * sk


def _const_kernel(pe_params, seq_len, freq_ref, cos_ref, sin_ref,
                  *o_refs):
    step = pl.program_id(0)
    pe_refs = o_refs
    start = 0
    for (r0, stride, n_rows), o_ref in zip(pe_params, pe_refs):
        nblk = n_rows // ROWS_PER_BLK
        s_off = stride.bit_length() - 1

        @pl.when((step >= start) & (step < start + nblk))
        def _(o_ref=o_ref, start=start, r0=r0, stride=stride, s_off=s_off):
            _write_pe_block(o_ref, step - start, float(r0), float(stride),
                            s_off, freq_ref, cos_ref, sin_ref)
        start += nblk





S = 2048
NW = 32
ROWS_W = S // NW
CH = 8

mesh = plsc.VectorSubcoreMesh(core_axis_name="c", subcore_axis_name="s")

@functools.partial(
    pl.kernel,
    out_type=jax.ShapeDtypeStruct((S, S), jnp.float32),
    mesh=mesh,
    scratch_types=[pltpu.VMEM((CH, S), jnp.float32),
                   pltpu.VMEM((S,), jnp.float32)],
)
def _cls_sc(out_hbm, buf, zrow):
    wid = lax.axis_index("s") * 2 + lax.axis_index("c")
    lane = lax.iota(jnp.int32, 16)
    edge = jnp.where(lane == 0, 0.0, 1.0)
    ones = jnp.ones((16,), jnp.float32)

    for r in range(CH):
        def fill(j, _, r=r):
            for k in range(8):
                buf[r, pl.ds(j * 128 + k * 16, 16)] = ones
            return 0
        lax.fori_loop(0, S // 128, fill, 0)
        buf[r, pl.ds(0, 16)] = edge

    out4 = out_hbm.reshape(NW, ROWS_W // CH, CH, S)
    for c in range(ROWS_W // CH):
        pltpu.sync_copy(buf, out4.at[wid, c])

    @pl.when(wid == 0)
    def _():
        def zfill(j, _):
            for k in range(8):
                zrow[pl.ds(j * 128 + k * 16, 16)] = jnp.zeros((16,), jnp.float32)
            return 0
        lax.fori_loop(0, S // 128, zfill, 0)
        pltpu.sync_copy(zrow, out_hbm.at[0])




def _clamp_map(start, nblk):
    return lambda i: (jnp.clip(i - start, 0, nblk - 1), 0)


def _ttm_kernel(a_ref, b_ref, o_ref):
    ti = a_ref[0]
    tj = b_ref[0]
    m = (ti == tj) | (((ti | tj) & 2) != 0)
    o_ref[0] = m.astype(jnp.int8)


def kernel(inputs_embeds, attention_mask, token_type_ids):
    batch, seq_len, _ = inputs_embeds.shape
    dtype = inputs_embeds.dtype

    freq_seq = jnp.arange(0, HALF, dtype=dtype)
    inv_freq = (1.0 / (10000.0 ** (freq_seq / HALF))).reshape(1, HALF)
    n_ang = N_DBL + 2
    angles = jnp.asarray(
        [SEED_ROWS << k for k in range(n_ang)], dtype).reshape(n_ang, 1) * inv_freq
    cos_t = jnp.cos(angles)
    sin_t = jnp.sin(angles)

    pe_params = _pe_sequences(seq_len)
    pe_nblks = [n // ROWS_PER_BLK for (_, _, n) in pe_params]
    grid = sum(pe_nblks)

    out_specs = []
    out_shapes = []
    start = 0
    for (r0, stride, n_rows), nblk in zip(pe_params, pe_nblks):
        out_specs.append(
            pl.BlockSpec((ROWS_PER_BLK, D_MODEL), _clamp_map(start, nblk)))
        out_shapes.append(jax.ShapeDtypeStruct((n_rows, D_MODEL), dtype))
        start += nblk

    body = functools.partial(_const_kernel, pe_params, seq_len)
    consts = pl.pallas_call(
        body,
        grid=(grid,),
        in_specs=[
            pl.BlockSpec((1, HALF), lambda i: (0, 0)),
            pl.BlockSpec((n_ang, HALF), lambda i: (0, 0)),
            pl.BlockSpec((n_ang, HALF), lambda i: (0, 0)),
        ],
        out_specs=out_specs,
        out_shape=out_shapes,
    )(inv_freq, cos_t, sin_t)
    pe0, pe1, pe2, pe3, pe4 = consts
    cls_mask = _cls_sc()

    tt = token_type_ids.astype(jnp.int8)
    tt_a = tt.reshape(batch, seq_len, 1)
    tt_b = tt.reshape(batch, 1, seq_len)
    ttm_i8 = pl.pallas_call(
        _ttm_kernel,
        grid=(batch,),
        in_specs=[
            pl.BlockSpec((1, seq_len, 1), lambda b: (b, 0, 0)),
            pl.BlockSpec((1, 1, seq_len), lambda b: (b, 0, 0)),
        ],
        out_specs=pl.BlockSpec((1, seq_len, seq_len), lambda b: (b, 0, 0)),
        out_shape=jax.ShapeDtypeStruct((batch, seq_len, seq_len), jnp.int8),
    )(tt_a, tt_b)
    token_type_mat = ttm_i8.view(jnp.bool_)

    return (pe0, pe1, pe2, pe3, pe4, token_type_mat, attention_mask, cls_mask)

# --- scband reference (transcript-rebuilt; emitter-appended) ---
"""Pipeline reference for scband-funnel-attention-structure-55336358643179 (READ-ONLY COPY).

The authoritative reference and input builder live on the scoring server;
editing this copy changes nothing except your own understanding.
"""

import jax, jax.numpy as jnp
import numpy as np

D_MODEL = 1024
NUM_BLOCKS = 3
SEPARATE_CLS = True
TRUNCATE_SEQ = True
CLS_TOKEN_TYPE_ID = 2


def _stride_pool_pos(pos, block_index):
    if SEPARATE_CLS:
        cls_pos = np.array([-(2 ** block_index) + 1], dtype=np.int64)
        pooled = pos[1:-1] if TRUNCATE_SEQ else pos[1:]
        return np.concatenate([cls_pos, pooled[::2]], 0)
    return pos[::2]


def _relative_pos(pos, stride, pooled_pos=None, shift=1):
    if pooled_pos is None:
        pooled_pos = pos
    ref_point = pooled_pos[0] - pos[0]
    num_remove = shift * len(pooled_pos)
    max_dist = ref_point + num_remove * stride
    min_dist = pooled_pos[0] - pos[-1]
    return np.arange(max_dist, min_dist - 1, -stride, dtype=np.int64)


def _get_position_embeds(seq_len, dtype):
    freq_seq = jnp.arange(0, D_MODEL // 2, dtype=dtype)
    inv_freq = 1.0 / (10000.0 ** (freq_seq / (D_MODEL // 2)))
    rel_pos_id = jnp.arange(-seq_len * 2, seq_len * 2, dtype=dtype)
    zero_offset = seq_len * 2
    sinusoid = rel_pos_id[:, None] * inv_freq[None]
    sin_embed = jnp.sin(sinusoid)
    cos_embed = jnp.cos(sinusoid)
    pos_embed = jnp.concatenate([sin_embed, cos_embed], axis=-1)
    pos = np.arange(0, seq_len, dtype=np.int64)
    pooled_pos = pos
    position_embeds_list = []
    for block_index in range(NUM_BLOCKS):
        if block_index == 0:
            position_embeds_pooling = None
        else:
            pooled_pos = _stride_pool_pos(pos, block_index)
            stride = 2 ** (block_index - 1)
            rel_pos = _relative_pos(pos, stride, pooled_pos, shift=2) + zero_offset
            position_embeds_pooling = jnp.take(pos_embed, jnp.asarray(rel_pos), axis=0)
        pos = pooled_pos
        stride = 2 ** block_index
        rel_pos = _relative_pos(pos, stride) + zero_offset
        position_embeds_no_pooling = jnp.take(pos_embed, jnp.asarray(rel_pos), axis=0)
        position_embeds_list.append([position_embeds_no_pooling, position_embeds_pooling])
    return position_embeds_list


def setup_inputs(seed: int = 0) -> dict:
    key = jax.random.key(seed)
    k1, k2 = jax.random.split(key)
    inputs_embeds = jax.random.normal(k1, (4, 2048, D_MODEL), dtype=jnp.float32)
    attention_mask = jnp.ones((4, 2048), dtype=jnp.float32)
    token_type_ids = jax.random.randint(k2, (4, 2048), 0, 3).astype(jnp.int64)
    return {"inputs_embeds": inputs_embeds, "attention_mask": attention_mask, "token_type_ids": token_type_ids}


def reference(inputs_embeds, attention_mask, token_type_ids):
    seq_len = inputs_embeds.shape[1]
    pe_list = _get_position_embeds(seq_len, inputs_embeds.dtype)
    # token_type_ids -> token_type_mat
    token_type_mat = token_type_ids[:, :, None] == token_type_ids[:, None]
    cls_ids = token_type_ids == CLS_TOKEN_TYPE_ID
    cls_mat = cls_ids[:, :, None] | cls_ids[:, None]
    token_type_mat = cls_mat | token_type_mat
    # cls_mask
    ones = jnp.ones((seq_len - 1, seq_len - 1), dtype=inputs_embeds.dtype)
    cls_mask = jnp.pad(ones, ((1, 0), (1, 0)))
    flat = []
    for no_pool, pooling in pe_list:
        flat.append(no_pool)
        if pooling is not None:
            flat.append(pooling)
    return (*flat, token_type_mat, attention_mask, cls_mask)

if __name__ == "__main__":
    import jax
    _d = setup_inputs()
    print(jax.jit(kernel)(*tuple(_d.values())))

</pallas_src>

<mosaic_0001>
#map = affine_map<(d0, d1) -> (0, 0)>
module attributes {stable_mosaic.version = 14 : i64} {
  func.func @_cls_sc(%arg0: i32, %arg1: i32, %arg2: memref<2048x2048xf32, #tpu.memory_space<hbm>>, %arg3: memref<8x2048xf32, #tpu.memory_space<vmem>>, %arg4: memref<2048xf32, #tpu.memory_space<vmem>>) attributes {dimension_semantics = [#tpu.dimension_semantics<core_parallel>, #tpu.dimension_semantics<subcore_parallel>], iteration_bounds = array<i64: 2, 16>, scalar_prefetch = 0 : i64, scratch_operands = 2 : i64, tpu.core_type = #tpu.core_type<sc_vector_subcore>, window_params = [{transform_indices = #map}]} {
    %mul3A = arith.constant 2 : i32
    %mul3A_0 = arith.muli %arg1, %mul3A : i32
    %add3A = arith.addi %mul3A_0, %arg0 : i32
    %iota3A = tpu.iota {dimensions = array<i32: 0>} : vector<16xi32>
    %eq3A = arith.constant 0 : i32
    %eq3A_1 = vector.broadcast %eq3A : i32 to vector<16xi32>
    %eq3A_2 = arith.cmpi eq, %iota3A, %eq3A_1 : vector<16xi32>
    %jit3A = arith.constant 0.000000e+00 : f32
    %jit3A_3 = arith.constant 1.000000e+00 : f32
    %broadcast_in_dim3A = vector.broadcast %jit3A : f32 to vector<16xf32>
    %broadcast_in_dim3A_4 = vector.broadcast %jit3A_3 : f32 to vector<16xf32>
    %select_n3A = arith.select %eq3A_2, %broadcast_in_dim3A, %broadcast_in_dim3A_4 : vector<16xi1>, vector<16xf32>
    %broadcast_in_dim3A_5 = arith.constant 1.000000e+00 : f32
    %broadcast_in_dim3A_6 = vector.broadcast %broadcast_in_dim3A_5 : f32 to vector<16xf32>
    %scan3A = arith.constant 0 : i32
    %scan3A_7 = arith.constant 0 : i32
    %scan3A_8 = arith.constant 16 : i32
    %scan3A_9 = arith.addi %scan3A_7, %scan3A_8 : i32
    %scan3A_10 = arith.constant 1 : i32
    %scan3A_11 = scf.for %scan3A_119 = %scan3A_7 to %scan3A_9 step %scan3A_10 iter_args(%scan3A_120 = %scan3A) -> (i32)  : i32 {
      %mul3A_121 = arith.constant 128 : i32
      %mul3A_122 = arith.muli %scan3A_119, %mul3A_121 : i32
      %add3A_123 = arith.constant 0 : i32
      %add3A_124 = arith.addi %mul3A_122, %add3A_123 : i32
      %swap3A_125 = arith.constant 0 : i32
      %swap3A_126 = arith.index_cast %swap3A_125 : i32 to index
      %swap3A_127 = arith.index_cast %add3A_124 : i32 to index
      %swap3A_128 = tpu.vector_load %arg3[%swap3A_126, %swap3A_127] {strides = array<i32>} : memref<8x2048xf32, #tpu.memory_space<vmem>>, vector<1x16xf32>,
      %swap3A_129 = vector.shape_cast %swap3A_128 : vector<1x16xf32> to vector<16xf32>
      %swap3A_130 = vector.shape_cast %broadcast_in_dim3A_6 : vector<16xf32> to vector<1x16xf32>
      tpu.vector_store %arg3[%swap3A_126, %swap3A_127], %swap3A_130 {strides = array<i32>} : memref<8x2048xf32, #tpu.memory_space<vmem>>, vector<1x16xf32>,
      %mul3A_131 = arith.constant 128 : i32
      %mul3A_132 = arith.muli %scan3A_119, %mul3A_131 : i32
      %add3A_133 = arith.constant 16 : i32
      %add3A_134 = arith.addi %mul3A_132, %add3A_133 : i32
      %swap3A_135 = arith.constant 0 : i32
      %swap3A_136 = arith.index_cast %swap3A_135 : i32 to index
      %swap3A_137 = arith.index_cast %add3A_134 : i32 to index
      %swap3A_138 = tpu.vector_load %arg3[%swap3A_136, %swap3A_137] {strides = array<i32>} : memref<8x2048xf32, #tpu.memory_space<vmem>>, vector<1x16xf32>,
      %swap3A_139 = vector.shape_cast %swap3A_138 : vector<1x16xf32> to vector<16xf32>
      %swap3A_140 = vector.shape_cast %broadcast_in_dim3A_6 : vector<16xf32> to vector<1x16xf32>
      tpu.vector_store %arg3[%swap3A_136, %swap3A_137], %swap3A_140 {strides = array<i32>} : memref<8x2048xf32, #tpu.memory_space<vmem>>, vector<1x16xf32>,
      %mul3A_141 = arith.constant 128 : i32
      %mul3A_142 = arith.muli %scan3A_119, %mul3A_141 : i32
      %add3A_143 = arith.constant 32 : i32
      %add3A_144 = arith.addi %mul3A_142, %add3A_143 : i32
      %swap3A_145 = arith.constant 0 : i32
      %swap3A_146 = arith.index_cast %swap3A_145 : i32 to index
      %swap3A_147 = arith.index_cast %add3A_144 : i32 to index
      %swap3A_148 = tpu.vector_load %arg3[%swap3A_146, %swap3A_147] {strides = array<i32>} : memref<8x2048xf32, #tpu.memory_space<vmem>>, vector<1x16xf32>,
      %swap3A_149 = vector.shape_cast %swap3A_148 : vector<1x16xf32> to vector<16xf32>
      %swap3A_150 = vector.shape_cast %broadcast_in_dim3A_6 : vector<16xf32> to vector<1x16xf32>
      tpu.vector_store %arg3[%swap3A_146, %swap3A_147], %swap3A_150 {strides = array<i32>} : memref<8x2048xf32, #tpu.memory_space<vmem>>, vector<1x16xf32>,
      %mul3A_151 = arith.constant 128 : i32
      %mul3A_152 = arith.muli %scan3A_119, %mul3A_151 : i32
      %add3A_153 = arith.constant 48 : i32
      %add3A_154 = arith.addi %mul3A_152, %add3A_153 : i32
      %swap3A_155 = arith.constant 0 : i32
      %swap3A_156 = arith.index_cast %swap3A_155 : i32 to index
      %swap3A_157 = arith.index_cast %add3A_154 : i32 to index
      %swap3A_158 = tpu.vector_load %arg3[%swap3A_156, %swap3A_157] {strides = array<i32>} : memref<8x2048xf32, #tpu.memory_space<vmem>>, vector<1x16xf32>,
      %swap3A_159 = vector.shape_cast %swap3A_158 : vector<1x16xf32> to vector<16xf32>
      %swap3A_160 = vector.shape_cast %broadcast_in_dim3A_6 : vector<16xf32> to vector<1x16xf32>
      tpu.vector_store %arg3[%swap3A_156, %swap3A_157], %swap3A_160 {strides = array<i32>} : memref<8x2048xf32, #tpu.memory_space<vmem>>, vector<1x16xf32>,
      %mul3A_161 = arith.constant 128 : i32
      %mul3A_162 = arith.muli %scan3A_119, %mul3A_161 : i32
      %add3A_163 = arith.constant 64 : i32
      %add3A_164 = arith.addi %mul3A_162, %add3A_163 : i32
      %swap3A_165 = arith.constant 0 : i32
      %swap3A_166 = arith.index_cast %swap3A_165 : i32 to index
      %swap3A_167 = arith.index_cast %add3A_164 : i32 to index
      %swap3A_168 = tpu.vector_load %arg3[%swap3A_166, %swap3A_167] {strides = array<i32>} : memref<8x2048xf32, #tpu.memory_space<vmem>>, vector<1x16xf32>,
      %swap3A_169 = vector.shape_cast %swap3A_168 : vector<1x16xf32> to vector<16xf32>
      %swap3A_170 = vector.shape_cast %broadcast_in_dim3A_6 : vector<16xf32> to vector<1x16xf32>
      tpu.vector_store %arg3[%swap3A_166, %swap3A_167], %swap3A_170 {strides = array<i32>} : memref<8x2048xf32, #tpu.memory_space<vmem>>, vector<1x16xf32>,
      %mul3A_171 = arith.constant 128 : i32
      %mul3A_172 = arith.muli %scan3A_119, %mul3A_171 : i32
      %add3A_173 = arith.constant 80 : i32
      %add3A_174 = arith.addi %mul3A_172, %add3A_173 : i32
      %swap3A_175 = arith.constant 0 : i32
      %swap3A_176 = arith.index_cast %swap3A_175 : i32 to index
      %swap3A_177 = arith.index_cast %add3A_174 : i32 to index
      %swap3A_178 = tpu.vector_load %arg3[%swap3A_176, %swap3A_177] {strides = array<i32>} : memref<8x2048xf32, #tpu.memory_space<vmem>>, vector<1x16xf32>,
      %swap3A_179 = vector.shape_cast %swap3A_178 : vector<1x16xf32> to vector<16xf32>
      %swap3A_180 = vector.shape_cast %broadcast_in_dim3A_6 : vector<16xf32> to vector<1x16xf32>
      tpu.vector_store %arg3[%swap3A_176, %swap3A_177], %swap3A_180 {strides = array<i32>} : memref<8x2048xf32, #tpu.memory_space<vmem>>, vector<1x16xf32>,
      %mul3A_181 = arith.constant 128 : i32
      %mul3A_182 = arith.muli %scan3A_119, %mul3A_181 : i32
      %add3A_183 = arith.constant 96 : i32
      %add3A_184 = arith.addi %mul3A_182, %add3A_183 : i32
      %swap3A_185 = arith.constant 0 : i32
      %swap3A_186 = arith.index_cast %swap3A_185 : i32 to index
      %swap3A_187 = arith.index_cast %add3A_184 : i32 to index
      %swap3A_188 = tpu.vector_load %arg3[%swap3A_186, %swap3A_187] {strides = array<i32>} : memref<8x2048xf32, #tpu.memory_space<vmem>>, vector<1x16xf32>,
      %swap3A_189 = vector.shape_cast %swap3A_188 : vector<1x16xf32> to vector<16xf32>
      %swap3A_190 = vector.shape_cast %broadcast_in_dim3A_6 : vector<16xf32> to vector<1x16xf32>
      tpu.vector_store %arg3[%swap3A_186, %swap3A_187], %swap3A_190 {strides = array<i32>} : memref<8x2048xf32, #tpu.memory_space<vmem>>, vector<1x16xf32>,
      %mul3A_191 = arith.constant 128 : i32
      %mul3A_192 = arith.muli %scan3A_119, %mul3A_191 : i32
      %add3A_193 = arith.constant 112 : i32
      %add3A_194 = arith.addi %mul3A_192, %add3A_193 : i32
      %swap3A_195 = arith.constant 0 : i32
      %swap3A_196 = arith.index_cast %swap3A_195 : i32 to index
      %swap3A_197 = arith.index_cast %add3A_194 : i32 to index
      %swap3A_198 = tpu.vector_load %arg3[%swap3A_196, %swap3A_197] {strides = array<i32>} : memref<8x2048xf32, #tpu.memory_space<vmem>>, vector<1x16xf32>,
      %swap3A_199 = vector.shape_cast %swap3A_198 : vector<1x16xf32> to vector<16xf32>
      %swap3A_200 = vector.shape_cast %broadcast_in_dim3A_6 : vector<16xf32> to vector<1x16xf32>
      tpu.vector_store %arg3[%swap3A_196, %swap3A_197], %swap3A_200 {strides = array<i32>} : memref<8x2048xf32, #tpu.memory_space<vmem>>, vector<1x16xf32>,
      %scan3A_201 = arith.constant 0 : i32
      scf.yield %scan3A_201 : i32
    }
    %scan3A_12 = arith.constant 16 : i32
    %swap3A = arith.constant 0 : i32
    %swap3A_13 = arith.index_cast %swap3A : i32 to index
    %swap3A_14 = arith.constant 0 : index
    %swap3A_15 = tpu.vector_load %arg3[%swap3A_13, %swap3A_14] {strides = array<i32>} : memref<8x2048xf32, #tpu.memory_space<vmem>>, vector<1x16xf32>,
    %swap3A_16 = vector.shape_cast %swap3A_15 : vector<1x16xf32> to vector<16xf32>
    %swap3A_17 = vector.shape_cast %select_n3A : vector<16xf32> to vector<1x16xf32>
    tpu.vector_store %arg3[%swap3A_13, %swap3A_14], %swap3A_17 {strides = array<i32>} : memref<8x2048xf32, #tpu.memory_space<vmem>>, vector<1x16xf32>,
    %scan3A_18 = arith.constant 0 : i32
    %scan3A_19 = arith.constant 0 : i32
    %scan3A_20 = arith.constant 16 : i32
    %scan3A_21 = arith.addi %scan3A_19, %scan3A_20 : i32
    %scan3A_22 = arith.constant 1 : i32
    %scan3A_23 = scf.for %scan3A_119 = %scan3A_19 to %scan3A_21 step %scan3A_22 iter_args(%scan3A_120 = %scan3A_18) -> (i32)  : i32 {
      %mul3A_121 = arith.constant 128 : i32
      %mul3A_122 = arith.muli %scan3A_119, %mul3A_121 : i32
      %add3A_123 = arith.constant 0 : i32
      %add3A_124 = arith.addi %mul3A_122, %add3A_123 : i32
      %swap3A_125 = arith.constant 1 : i32
      %swap3A_126 = arith.index_cast %swap3A_125 : i32 to index
      %swap3A_127 = arith.index_cast %add3A_124 : i32 to index
      %swap3A_128 = tpu.vector_load %arg3[%swap3A_126, %swap3A_127] {strides = array<i32>} : memref<8x2048xf32, #tpu.memory_space<vmem>>, vector<1x16xf32>,
      %swap3A_129 = vector.shape_cast %swap3A_128 : vector<1x16xf32> to vector<16xf32>
      %swap3A_130 = vector.shape_cast %broadcast_in_dim3A_6 : vector<16xf32> to vector<1x16xf32>
      tpu.vector_store %arg3[%swap3A_126, %swap3A_127], %swap3A_130 {strides = array<i32>} : memref<8x2048xf32, #tpu.memory_space<vmem>>, vector<1x16xf32>,
      %mul3A_131 = arith.constant 128 : i32
      %mul3A_132 = arith.muli %scan3A_119, %mul3A_131 : i32
      %add3A_133 = arith.constant 16 : i32
      %add3A_134 = arith.addi %mul3A_132, %add3A_133 : i32
      %swap3A_135 = arith.constant 1 : i32
      %swap3A_136 = arith.index_cast %swap3A_135 : i32 to index
      %swap3A_137 = arith.index_cast %add3A_134 : i32 to index
      %swap3A_138 = tpu.vector_load %arg3[%swap3A_136, %swap3A_137] {strides = array<i32>} : memref<8x2048xf32, #tpu.memory_space<vmem>>, vector<1x16xf32>,
      %swap3A_139 = vector.shape_cast %swap3A_138 : vector<1x16xf32> to vector<16xf32>
      %swap3A_140 = vector.shape_cast %broadcast_in_dim3A_6 : vector<16xf32> to vector<1x16xf32>
      tpu.vector_store %arg3[%swap3A_136, %swap3A_137], %swap3A_140 {strides = array<i32>} : memref<8x2048xf32, #tpu.memory_space<vmem>>, vector<1x16xf32>,
      %mul3A_141 = arith.constant 128 : i32
      %mul3A_142 = arith.muli %scan3A_119, %mul3A_141 : i32
      %add3A_143 = arith.constant 32 : i32
      %add3A_144 = arith.addi %mul3A_142, %add3A_143 : i32
      %swap3A_145 = arith.constant 1 : i32
      %swap3A_146 = arith.index_cast %swap3A_145 : i32 to index
      %swap3A_147 = arith.index_cast %add3A_144 : i32 to index
      %swap3A_148 = tpu.vector_load %arg3[%swap3A_146, %swap3A_147] {strides = array<i32>} : memref<8x2048xf32, #tpu.memory_space<vmem>>, vector<1x16xf32>,
      %swap3A_149 = vector.shape_cast %swap3A_148 : vector<1x16xf32> to vector<16xf32>
      %swap3A_150 = vector.shape_cast %broadcast_in_dim3A_6 : vector<16xf32> to vector<1x16xf32>
      tpu.vector_store %arg3[%swap3A_146, %swap3A_147], %swap3A_150 {strides = array<i32>} : memref<8x2048xf32, #tpu.memory_space<vmem>>, vector<1x16xf32>,
      %mul3A_151 = arith.constant 128 : i32
      %mul3A_152 = arith.muli %scan3A_119, %mul3A_151 : i32
      %add3A_153 = arith.constant 48 : i32
      %add3A_154 = arith.addi %mul3A_152, %add3A_153 : i32
      %swap3A_155 = arith.constant 1 : i32
      %swap3A_156 = arith.index_cast %swap3A_155 : i32 to index
      %swap3A_157 = arith.index_cast %add3A_154 : i32 to index
      %swap3A_158 = tpu.vector_load %arg3[%swap3A_156, %swap3A_157] {strides = array<i32>} : memref<8x2048xf32, #tpu.memory_space<vmem>>, vector<1x16xf32>,
      %swap3A_159 = vector.shape_cast %swap3A_158 : vector<1x16xf32> to vector<16xf32>
      %swap3A_160 = vector.shape_cast %broadcast_in_dim3A_6 : vector<16xf32> to vector<1x16xf32>
      tpu.vector_store %arg3[%swap3A_156, %swap3A_157], %swap3A_160 {strides = array<i32>} : memref<8x2048xf32, #tpu.memory_space<vmem>>, vector<1x16xf32>,
      %mul3A_161 = arith.constant 128 : i32
      %mul3A_162 = arith.muli %scan3A_119, %mul3A_161 : i32
      %add3A_163 = arith.constant 64 : i32
      %add3A_164 = arith.addi %mul3A_162, %add3A_163 : i32
      %swap3A_165 = arith.constant 1 : i32
      %swap3A_166 = arith.index_cast %swap3A_165 : i32 to index
      %swap3A_167 = arith.index_cast %add3A_164 : i32 to index
      %swap3A_168 = tpu.vector_load %arg3[%swap3A_166, %swap3A_167] {strides = array<i32>} : memref<8x2048xf32, #tpu.memory_space<vmem>>, vector<1x16xf32>,
      %swap3A_169 = vector.shape_cast %swap3A_168 : vector<1x16xf32> to vector<16xf32>
      %swap3A_170 = vector.shape_cast %broadcast_in_dim3A_6 : vector<16xf32> to vector<1x16xf32>
      tpu.vector_store %arg3[%swap3A_166, %swap3A_167], %swap3A_170 {strides = array<i32>} : memref<8x2048xf32, #tpu.memory_space<vmem>>, vector<1x16xf32>,
      %mul3A_171 = arith.constant 128 : i32
      %mul3A_172 = arith.muli %scan3A_119, %mul3A_171 : i32
      %add3A_173 = arith.constant 80 : i32
      %add3A_174 = arith.addi %mul3A_172, %add3A_173 : i32
      %swap3A_175 = arith.constant 1 : i32
      %swap3A_176 = arith.index_cast %swap3A_175 : i32 to index
      %swap3A_177 = arith.index_cast %add3A_174 : i32 to index
      %swap3A_178 = tpu.vector_load %arg3[%swap3A_176, %swap3A_177] {strides = array<i32>} : memref<8x2048xf32, #tpu.memory_space<vmem>>, vector<1x16xf32>,
      %swap3A_179 = vector.shape_cast %swap3A_178 : vector<1x16xf32> to vector<16xf32>
      %swap3A_180 = vector.shape_cast %broadcast_in_dim3A_6 : vector<16xf32> to vector<1x16xf32>
      tpu.vector_store %arg3[%swap3A_176, %swap3A_177], %swap3A_180 {strides = array<i32>} : memref<8x2048xf32, #tpu.memory_space<vmem>>, vector<1x16xf32>,
      %mul3A_181 = arith.constant 128 : i32
      %mul3A_182 = arith.muli %scan3A_119, %mul3A_181 : i32
      %add3A_183 = arith.constant 96 : i32
      %add3A_184 = arith.addi %mul3A_182, %add3A_183 : i32
      %swap3A_185 = arith.constant 1 : i32
      %swap3A_186 = arith.index_cast %swap3A_185 : i32 to index
      %swap3A_187 = arith.index_cast %add3A_184 : i32 to index
      %swap3A_188 = tpu.vector_load %arg3[%swap3A_186, %swap3A_187] {strides = array<i32>} : memref<8x2048xf32, #tpu.memory_space<vmem>>, vector<1x16xf32>,
      %swap3A_189 = vector.shape_cast %swap3A_188 : vector<1x16xf32> to vector<16xf32>
      %swap3A_190 = vector.shape_cast %broadcast_in_dim3A_6 : vector<16xf32> to vector<1x16xf32>
      tpu.vector_store %arg3[%swap3A_186, %swap3A_187], %swap3A_190 {strides = array<i32>} : memref<8x2048xf32, #tpu.memory_space<vmem>>, vector<1x16xf32>,
      %mul3A_191 = arith.constant 128 : i32
      %mul3A_192 = arith.muli %scan3A_119, %mul3A_191 : i32
      %add3A_193 = arith.constant 112 : i32
      %add3A_194 = arith.addi %mul3A_192, %add3A_193 : i32
      %swap3A_195 = arith.constant 1 : i32
      %swap3A_196 = arith.index_cast %swap3A_195 : i32 to index
      %swap3A_197 = arith.index_cast %add3A_194 : i32 to index
      %swap3A_198 = tpu.vector_load %arg3[%swap3A_196, %swap3A_197] {strides = array<i32>} : memref<8x2048xf32, #tpu.memory_space<vmem>>, vector<1x16xf32>,
      %swap3A_199 = vector.shape_cast %swap3A_198 : vector<1x16xf32> to vector<16xf32>
      %swap3A_200 = vector.shape_cast %broadcast_in_dim3A_6 : vector<16xf32> to vector<1x16xf32>
      tpu.vector_store %arg3[%swap3A_196, %swap3A_197], %swap3A_200 {strides = array<i32>} : memref<8x2048xf32, #tpu.memory_space<vmem>>, vector<1x16xf32>,
      %scan3A_201 = arith.constant 0 : i32
      scf.yield %scan3A_201 : i32
    }
    %scan3A_24 = arith.constant 16 : i32
    %swap3A_25 = arith.constant 1 : i32
    %swap3A_26 = arith.index_cast %swap3A_25 : i32 to index
    %swap3A_27 = arith.constant 0 : index
    %swap3A_28 = tpu.vector_load %arg3[%swap3A_26, %swap3A_27] {strides = array<i32>} : memref<8x2048xf32, #tpu.memory_space<vmem>>, vector<1x16xf32>,
    %swap3A_29 = vector.shape_cast %swap3A_28 : vector<1x16xf32> to vector<16xf32>
    %swap3A_30 = vector.shape_cast %select_n3A : vector<16xf32> to vector<1x16xf32>
    tpu.vector_store %arg3[%swap3A_26, %swap3A_27], %swap3A_30 {strides = array<i32>} : memref<8x2048xf32, #tpu.memory_space<vmem>>, vector<1x16xf32>,
    %scan3A_31 = arith.constant 0 : i32
    %scan3A_32 = arith.constant 0 : i32
    %scan3A_33 = arith.constant 16 : i32
    %scan3A_34 = arith.addi %scan3A_32, %scan3A_33 : i32
    %scan3A_35 = arith.constant 1 : i32
    %scan3A_36 = scf.for %scan3A_119 = %scan3A_32 to %scan3A_34 step %scan3A_35 iter_args(%scan3A_120 = %scan3A_31) -> (i32)  : i32 {
      %mul3A_121 = arith.constant 128 : i32
      %mul3A_122 = arith.muli %scan3A_119, %mul3A_121 : i32
      %add3A_123 = arith.constant 0 : i32
      %add3A_124 = arith.addi %mul3A_122, %add3A_123 : i32
      %swap3A_125 = arith.constant 2 : i32
      %swap3A_126 = arith.index_cast %swap3A_125 : i32 to index
      %swap3A_127 = arith.index_cast %add3A_124 : i32 to index
      %swap3A_128 = tpu.vector_load %arg3[%swap3A_126, %swap3A_127] {strides = array<i32>} : memref<8x2048xf32, #tpu.memory_space<vmem>>, vector<1x16xf32>,
      %swap3A_129 = vector.shape_cast %swap3A_128 : vector<1x16xf32> to vector<16xf32>
      %swap3A_130 = vector.shape_cast %broadcast_in_dim3A_6 : vector<16xf32> to vector<1x16xf32>
      tpu.vector_store %arg3[%swap3A_126, %swap3A_127], %swap3A_130 {strides = array<i32>} : memref<8x2048xf32, #tpu.memory_space<vmem>>, vector<1x16xf32>,
      %mul3A_131 = arith.constant 128 : i32
      %mul3A_132 = arith.muli %scan3A_119, %mul3A_131 : i32
      %add3A_133 = arith.constant 16 : i32
      %add3A_134 = arith.addi %mul3A_132, %add3A_133 : i32
      %swap3A_135 = arith.constant 2 : i32
      %swap3A_136 = arith.index_cast %swap3A_135 : i32 to index
      %swap3A_137 = arith.index_cast %add3A_134 : i32 to index
      %swap3A_138 = tpu.vector_load %arg3[%swap3A_136, %swap3A_137] {strides = array<i32>} : memref<8x2048xf32, #tpu.memory_space<vmem>>, vector<1x16xf32>,
      %swap3A_139 = vector.shape_cast %swap3A_138 : vector<1x16xf32> to vector<16xf32>
      %swap3A_140 = vector.shape_cast %broadcast_in_dim3A_6 : vector<16xf32> to vector<1x16xf32>
      tpu.vector_store %arg3[%swap3A_136, %swap3A_137], %swap3A_140 {strides = array<i32>} : memref<8x2048xf32, #tpu.memory_space<vmem>>, vector<1x16xf32>,
      %mul3A_141 = arith.constant 128 : i32
      %mul3A_142 = arith.muli %scan3A_119, %mul3A_141 : i32
      %add3A_143 = arith.constant 32 : i32
      %add3A_144 = arith.addi %mul3A_142, %add3A_143 : i32
      %swap3A_145 = arith.constant 2 : i32
      %swap3A_146 = arith.index_cast %swap3A_145 : i32 to index
      %swap3A_147 = arith.index_cast %add3A_144 : i32 to index
      %swap3A_148 = tpu.vector_load %arg3[%swap3A_146, %swap3A_147] {strides = array<i32>} : memref<8x2048xf32, #tpu.memory_space<vmem>>, vector<1x16xf32>,
      %swap3A_149 = vector.shape_cast %swap3A_148 : vector<1x16xf32> to vector<16xf32>
      %swap3A_150 = vector.shape_cast %broadcast_in_dim3A_6 : vector<16xf32> to vector<1x16xf32>
      tpu.vector_store %arg3[%swap3A_146, %swap3A_147], %swap3A_150 {strides = array<i32>} : memref<8x2048xf32, #tpu.memory_space<vmem>>, vector<1x16xf32>,
      %mul3A_151 = arith.constant 128 : i32
      %mul3A_152 = arith.muli %scan3A_119, %mul3A_151 : i32
      %add3A_153 = arith.constant 48 : i32
      %add3A_154 = arith.addi %mul3A_152, %add3A_153 : i32
      %swap3A_155 = arith.constant 2 : i32
      %swap3A_156 = arith.index_cast %swap3A_155 : i32 to index
      %swap3A_157 = arith.index_cast %add3A_154 : i32 to index
      %swap3A_158 = tpu.vector_load %arg3[%swap3A_156, %swap3A_157] {strides = array<i32>} : memref<8x2048xf32, #tpu.memory_space<vmem>>, vector<1x16xf32>,
      %swap3A_159 = vector.shape_cast %swap3A_158 : vector<1x16xf32> to vector<16xf32>
      %swap3A_160 = vector.shape_cast %broadcast_in_dim3A_6 : vector<16xf32> to vector<1x16xf32>
      tpu.vector_store %arg3[%swap3A_156, %swap3A_157], %swap3A_160 {strides = array<i32>} : memref<8x2048xf32, #tpu.memory_space<vmem>>, vector<1x16xf32>,
      %mul3A_161 = arith.constant 128 : i32
      %mul3A_162 = arith.muli %scan3A_119, %mul3A_161 : i32
      %add3A_163 = arith.constant 64 : i32
      %add3A_164 = arith.addi %mul3A_162, %add3A_163 : i32
      %swap3A_165 = arith.constant 2 : i32
      %swap3A_166 = arith.index_cast %swap3A_165 : i32 to index
      %swap3A_167 = arith.index_cast %add3A_164 : i32 to index
      %swap3A_168 = tpu.vector_load %arg3[%swap3A_166, %swap3A_167] {strides = array<i32>} : memref<8x2048xf32, #tpu.memory_space<vmem>>, vector<1x16xf32>,
      %swap3A_169 = vector.shape_cast %swap3A_168 : vector<1x16xf32> to vector<16xf32>
      %swap3A_170 = vector.shape_cast %broadcast_in_dim3A_6 : vector<16xf32> to vector<1x16xf32>
      tpu.vector_store %arg3[%swap3A_166, %swap3A_167], %swap3A_170 {strides = array<i32>} : memref<8x2048xf32, #tpu.memory_space<vmem>>, vector<1x16xf32>,
      %mul3A_171 = arith.constant 128 : i32
      %mul3A_172 = arith.muli %scan3A_119, %mul3A_171 : i32
      %add3A_173 = arith.constant 80 : i32
      %add3A_174 = arith.addi %mul3A_172, %add3A_173 : i32
      %swap3A_175 = arith.constant 2 : i32
      %swap3A_176 = arith.index_cast %swap3A_175 : i32 to index
      %swap3A_177 = arith.index_cast %add3A_174 : i32 to index
      %swap3A_178 = tpu.vector_load %arg3[%swap3A_176, %swap3A_177] {strides = array<i32>} : memref<8x2048xf32, #tpu.memory_space<vmem>>, vector<1x16xf32>,
      %swap3A_179 = vector.shape_cast %swap3A_178 : vector<1x16xf32> to vector<16xf32>
      %swap3A_180 = vector.shape_cast %broadcast_in_dim3A_6 : vector<16xf32> to vector<1x16xf32>
      tpu.vector_store %arg3[%swap3A_176, %swap3A_177], %swap3A_180 {strides = array<i32>} : memref<8x2048xf32, #tpu.memory_space<vmem>>, vector<1x16xf32>,
      %mul3A_181 = arith.constant 128 : i32
      %mul3A_182 = arith.muli %scan3A_119, %mul3A_181 : i32
      %add3A_183 = arith.constant 96 : i32
      %add3A_184 = arith.addi %mul3A_182, %add3A_183 : i32
      %swap3A_185 = arith.constant 2 : i32
      %swap3A_186 = arith.index_cast %swap3A_185 : i32 to index
      %swap3A_187 = arith.index_cast %add3A_184 : i32 to index
      %swap3A_188 = tpu.vector_load %arg3[%swap3A_186, %swap3A_187] {strides = array<i32>} : memref<8x2048xf32, #tpu.memory_space<vmem>>, vector<1x16xf32>,
      %swap3A_189 = vector.shape_cast %swap3A_188 : vector<1x16xf32> to vector<16xf32>
      %swap3A_190 = vector.shape_cast %broadcast_in_dim3A_6 : vector<16xf32> to vector<1x16xf32>
      tpu.vector_store %arg3[%swap3A_186, %swap3A_187], %swap3A_190 {strides = array<i32>} : memref<8x2048xf32, #tpu.memory_space<vmem>>, vector<1x16xf32>,
      %mul3A_191 = arith.constant 128 : i32
      %mul3A_192 = arith.muli %scan3A_119, %mul3A_191 : i32
      %add3A_193 = arith.constant 112 : i32
      %add3A_194 = arith.addi %mul3A_192, %add3A_193 : i32
      %swap3A_195 = arith.constant 2 : i32
      %swap3A_196 = arith.index_cast %swap3A_195 : i32 to index
      %swap3A_197 = arith.index_cast %add3A_194 : i32 to index
      %swap3A_198 = tpu.vector_load %arg3[%swap3A_196, %swap3A_197] {strides = array<i32>} : memref<8x2048xf32, #tpu.memory_space<vmem>>, vector<1x16xf32>,
      %swap3A_199 = vector.shape_cast %swap3A_198 : vector<1x16xf32> to vector<16xf32>
      %swap3A_200 = vector.shape_cast %broadcast_in_dim3A_6 : vector<16xf32> to vector<1x16xf32>
      tpu.vector_store %arg3[%swap3A_196, %swap3A_197], %swap3A_200 {strides = array<i32>} : memref<8x2048xf32, #tpu.memory_space<vmem>>, vector<1x16xf32>,
      %scan3A_201 = arith.constant 0 : i32
      scf.yield %scan3A_201 : i32
    }
    %scan3A_37 = arith.constant 16 : i32
    %swap3A_38 = arith.constant 2 : i32
    %swap3A_39 = arith.index_cast %swap3A_38 : i32 to index
    %swap3A_40 = arith.constant 0 : index
    %swap3A_41 = tpu.vector_load %arg3[%swap3A_39, %swap3A_40] {strides = array<i32>} : memref<8x2048xf32, #tpu.memory_space<vmem>>, vector<1x16xf32>,
    %swap3A_42 = vector.shape_cast %swap3A_41 : vector<1x16xf32> to vector<16xf32>
    %swap3A_43 = vector.shape_cast %select_n3A : vector<16xf32> to vector<1x16xf32>
    tpu.vector_store %arg3[%swap3A_39, %swap3A_40], %swap3A_43 {strides = array<i32>} : memref<8x2048xf32, #tpu.memory_space<vmem>>, vector<1x16xf32>,
    %scan3A_44 = arith.constant 0 : i32
    %scan3A_45 = arith.constant 0 : i32
    %scan3A_46 = arith.constant 16 : i32
    %scan3A_47 = arith.addi %scan3A_45, %scan3A_46 : i32
    %scan3A_48 = arith.constant 1 : i32
    %scan3A_49 = scf.for %scan3A_119 = %scan3A_45 to %scan3A_47 step %scan3A_48 iter_args(%scan3A_120 = %scan3A_44) -> (i32)  : i32 {
      %mul3A_121 = arith.constant 128 : i32
      %mul3A_122 = arith.muli %scan3A_119, %mul3A_121 : i32
      %add3A_123 = arith.constant 0 : i32
      %add3A_124 = arith.addi %mul3A_122, %add3A_123 : i32
      %swap3A_125 = arith.constant 3 : i32
      %swap3A_126 = arith.index_cast %swap3A_125 : i32 to index
      %swap3A_127 = arith.index_cast %add3A_124 : i32 to index
      %swap3A_128 = tpu.vector_load %arg3[%swap3A_126, %swap3A_127] {strides = array<i32>} : memref<8x2048xf32, #tpu.memory_space<vmem>>, vector<1x16xf32>,
      %swap3A_129 = vector.shape_cast %swap3A_128 : vector<1x16xf32> to vector<16xf32>
      %swap3A_130 = vector.shape_cast %broadcast_in_dim3A_6 : vector<16xf32> to vector<1x16xf32>
      tpu.vector_store %arg3[%swap3A_126, %swap3A_127], %swap3A_130 {strides = array<i32>} : memref<8x2048xf32, #tpu.memory_space<vmem>>, vector<1x16xf32>,
      %mul3A_131 = arith.constant 128 : i32
      %mul3A_132 = arith.muli %scan3A_119, %mul3A_131 : i32
      %add3A_133 = arith.constant 16 : i32
      %add3A_134 = arith.addi %mul3A_132, %add3A_133 : i32
      %swap3A_135 = arith.constant 3 : i32
      %swap3A_136 = arith.index_cast %swap3A_135 : i32 to index
      %swap3A_137 = arith.index_cast %add3A_134 : i32 to index
      %swap3A_138 = tpu.vector_load %arg3[%swap3A_136, %swap3A_137] {strides = array<i32>} : memref<8x2048xf32, #tpu.memory_space<vmem>>, vector<1x16xf32>,
      %swap3A_139 = vector.shape_cast %swap3A_138 : vector<1x16xf32> to vector<16xf32>
      %swap3A_140 = vector.shape_cast %broadcast_in_dim3A_6 : vector<16xf32> to vector<1x16xf32>
      tpu.vector_store %arg3[%swap3A_136, %swap3A_137], %swap3A_140 {strides = array<i32>} : memref<8x2048xf32, #tpu.memory_space<vmem>>, vector<1x16xf32>,
      %mul3A_141 = arith.constant 128 : i32
      %mul3A_142 = arith.muli %scan3A_119, %mul3A_141 : i32
      %add3A_143 = arith.constant 32 : i32
      %add3A_144 = arith.addi %mul3A_142, %add3A_143 : i32
      %swap3A_145 = arith.constant 3 : i32
      %swap3A_146 = arith.index_cast %swap3A_145 : i32 to index
      %swap3A_147 = arith.index_cast %add3A_144 : i32 to index
      %swap3A_148 = tpu.vector_load %arg3[%swap3A_146, %swap3A_147] {strides = array<i32>} : memref<8x2048xf32, #tpu.memory_space<vmem>>, vector<1x16xf32>,
      %swap3A_149 = vector.shape_cast %swap3A_148 : vector<1x16xf32> to vector<16xf32>
      %swap3A_150 = vector.shape_cast %broadcast_in_dim3A_6 : vector<16xf32> to vector<1x16xf32>
      tpu.vector_store %arg3[%swap3A_146, %swap3A_147], %swap3A_150 {strides = array<i32>} : memref<8x2048xf32, #tpu.memory_space<vmem>>, vector<1x16xf32>,
      %mul3A_151 = arith.constant 128 : i32
      %mul3A_152 = arith.muli %scan3A_119, %mul3A_151 : i32
      %add3A_153 = arith.constant 48 : i32
      %add3A_154 = arith.addi %mul3A_152, %add3A_153 : i32
      %swap3A_155 = arith.constant 3 : i32
      %swap3A_156 = arith.index_cast %swap3A_155 : i32 to index
      %swap3A_157 = arith.index_cast %add3A_154 : i32 to index
      %swap3A_158 = tpu.vector_load %arg3[%swap3A_156, %swap3A_157] {strides = array<i32>} : memref<8x2048xf32, #tpu.memory_space<vmem>>, vector<1x16xf32>,
      %swap3A_159 = vector.shape_cast %swap3A_158 : vector<1x16xf32> to vector<16xf32>
      %swap3A_160 = vector.shape_cast %broadcast_in_dim3A_6 : vector<16xf32> to vector<1x16xf32>
      tpu.vector_store %arg3[%swap3A_156, %swap3A_157], %swap3A_160 {strides = array<i32>} : memref<8x2048xf32, #tpu.memory_space<vmem>>, vector<1x16xf32>,
      %mul3A_161 = arith.constant 128 : i32
      %mul3A_162 = arith.muli %scan3A_119, %mul3A_161 : i32
      %add3A_163 = arith.constant 64 : i32
      %add3A_164 = arith.addi %mul3A_162, %add3A_163 : i32
      %swap3A_165 = arith.constant 3 : i32
      %swap3A_166 = arith.index_cast %swap3A_165 : i32 to index
      %swap3A_167 = arith.index_cast %add3A_164 : i32 to index
      %swap3A_168 = tpu.vector_load %arg3[%swap3A_166, %swap3A_167] {strides = array<i32>} : memref<8x2048xf32, #tpu.memory_space<vmem>>, vector<1x16xf32>,
      %swap3A_169 = vector.shape_cast %swap3A_168 : vector<1x16xf32> to vector<16xf32>
      %swap3A_170 = vector.shape_cast %broadcast_in_dim3A_6 : vector<16xf32> to vector<1x16xf32>
      tpu.vector_store %arg3[%swap3A_166, %swap3A_167], %swap3A_170 {strides = array<i32>} : memref<8x2048xf32, #tpu.memory_space<vmem>>, vector<1x16xf32>,
      %mul3A_171 = arith.constant 128 : i32
      %mul3A_172 = arith.muli %scan3A_119, %mul3A_171 : i32
      %add3A_173 = arith.constant 80 : i32
      %add3A_174 = arith.addi %mul3A_172, %add3A_173 : i32
      %swap3A_175 = arith.constant 3 : i32
      %swap3A_176 = arith.index_cast %swap3A_175 : i32 to index
      %swap3A_177 = arith.index_cast %add3A_174 : i32 to index
      %swap3A_178 = tpu.vector_load %arg3[%swap3A_176, %swap3A_177] {strides = array<i32>} : memref<8x2048xf32, #tpu.memory_space<vmem>>, vector<1x16xf32>,
      %swap3A_179 = vector.shape_cast %swap3A_178 : vector<1x16xf32> to vector<16xf32>
      %swap3A_180 = vector.shape_cast %broadcast_in_dim3A_6 : vector<16xf32> to vector<1x16xf32>
      tpu.vector_store %arg3[%swap3A_176, %swap3A_177], %swap3A_180 {strides = array<i32>} : memref<8x2048xf32, #tpu.memory_space<vmem>>, vector<1x16xf32>,
      %mul3A_181 = arith.constant 128 : i32
      %mul3A_182 = arith.muli %scan3A_119, %mul3A_181 : i32
      %add3A_183 = arith.constant 96 : i32
      %add3A_184 = arith.addi %mul3A_182, %add3A_183 : i32
      %swap3A_185 = arith.constant 3 : i32
      %swap3A_186 = arith.index_cast %swap3A_185 : i32 to index
      %swap3A_187 = arith.index_cast %add3A_184 : i32 to index
      %swap3A_188 = tpu.vector_load %arg3[%swap3A_186, %swap3A_187] {strides = array<i32>} : memref<8x2048xf32, #tpu.memory_space<vmem>>, vector<1x16xf32>,
      %swap3A_189 = vector.shape_cast %swap3A_188 : vector<1x16xf32> to vector<16xf32>
      %swap3A_190 = vector.shape_cast %broadcast_in_dim3A_6 : vector<16xf32> to vector<1x16xf32>
      tpu.vector_store %arg3[%swap3A_186, %swap3A_187], %swap3A_190 {strides = array<i32>} : memref<8x2048xf32, #tpu.memory_space<vmem>>, vector<1x16xf32>,
      %mul3A_191 = arith.constant 128 : i32
      %mul3A_192 = arith.muli %scan3A_119, %mul3A_191 : i32
      %add3A_193 = arith.constant 112 : i32
      %add3A_194 = arith.addi %mul3A_192, %add3A_193 : i32
      %swap3A_195 = arith.constant 3 : i32
      %swap3A_196 = arith.index_cast %swap3A_195 : i32 to index
      %swap3A_197 = arith.index_cast %add3A_194 : i32 to index
      %swap3A_198 = tpu.vector_load %arg3[%swap3A_196, %swap3A_197] {strides = array<i32>} : memref<8x2048xf32, #tpu.memory_space<vmem>>, vector<1x16xf32>,
      %swap3A_199 = vector.shape_cast %swap3A_198 : vector<1x16xf32> to vector<16xf32>
      %swap3A_200 = vector.shape_cast %broadcast_in_dim3A_6 : vector<16xf32> to vector<1x16xf32>
      tpu.vector_store %arg3[%swap3A_196, %swap3A_197], %swap3A_200 {strides = array<i32>} : memref<8x2048xf32, #tpu.memory_space<vmem>>, vector<1x16xf32>,
      %scan3A_201 = arith.constant 0 : i32
      scf.yield %scan3A_201 : i32
    }
    %scan3A_50 = arith.constant 16 : i32
    %swap3A_51 = arith.constant 3 : i32
    %swap3A_52 = arith.index_cast %swap3A_51 : i32 to index
    %swap3A_53 = arith.constant 0 : index
    %swap3A_54 = tpu.vector_load %arg3[%swap3A_52, %swap3A_53] {strides = array<i32>} : memref<8x2048xf32, #tpu.memory_space<vmem>>, vector<1x16xf32>,
    %swap3A_55 = vector.shape_cast %swap3A_54 : vector<1x16xf32> to vector<16xf32>
    %swap3A_56 = vector.shape_cast %select_n3A : vector<16xf32> to vector<1x16xf32>
    tpu.vector_store %arg3[%swap3A_52, %swap3A_53], %swap3A_56 {strides = array<i32>} : memref<8x2048xf32, #tpu.memory_space<vmem>>, vector<1x16xf32>,
    %scan3A_57 = arith.constant 0 : i32
    %scan3A_58 = arith.constant 0 : i32
    %scan3A_59 = arith.constant 16 : i32
    %scan3A_60 = arith.addi %scan3A_58, %scan3A_59 : i32
    %scan3A_61 = arith.constant 1 : i32
    %scan3A_62 = scf.for %scan3A_119 = %scan3A_58 to %scan3A_60 step %scan3A_61 iter_args(%scan3A_120 = %scan3A_57) -> (i32)  : i32 {
      %mul3A_121 = arith.constant 128 : i32
      %mul3A_122 = arith.muli %scan3A_119, %mul3A_121 : i32
      %add3A_123 = arith.constant 0 : i32
      %add3A_124 = arith.addi %mul3A_122, %add3A_123 : i32
      %swap3A_125 = arith.constant 4 : i32
      %swap3A_126 = arith.index_cast %swap3A_125 : i32 to index
      %swap3A_127 = arith.index_cast %add3A_124 : i32 to index
      %swap3A_128 = tpu.vector_load %arg3[%swap3A_126, %swap3A_127] {strides = array<i32>} : memref<8x2048xf32, #tpu.memory_space<vmem>>, vector<1x16xf32>,
      %swap3A_129 = vector.shape_cast %swap3A_128 : vector<1x16xf32> to vector<16xf32>
      %swap3A_130 = vector.shape_cast %broadcast_in_dim3A_6 : vector<16xf32> to vector<1x16xf32>
      tpu.vector_store %arg3[%swap3A_126, %swap3A_127], %swap3A_130 {strides = array<i32>} : memref<8x2048xf32, #tpu.memory_space<vmem>>, vector<1x16xf32>,
      %mul3A_131 = arith.constant 128 : i32
      %mul3A_132 = arith.muli %scan3A_119, %mul3A_131 : i32
      %add3A_133 = arith.constant 16 : i32
      %add3A_134 = arith.addi %mul3A_132, %add3A_133 : i32
      %swap3A_135 = arith.constant 4 : i32
      %swap3A_136 = arith.index_cast %swap3A_135 : i32 to index
      %swap3A_137 = arith.index_cast %add3A_134 : i32 to index
      %swap3A_138 = tpu.vector_load %arg3[%swap3A_136, %swap3A_137] {strides = array<i32>} : memref<8x2048xf32, #tpu.memory_space<vmem>>, vector<1x16xf32>,
      %swap3A_139 = vector.shape_cast %swap3A_138 : vector<1x16xf32> to vector<16xf32>
      %swap3A_140 = vector.shape_cast %broadcast_in_dim3A_6 : vector<16xf32> to vector<1x16xf32>
      tpu.vector_store %arg3[%swap3A_136, %swap3A_137], %swap3A_140 {strides = array<i32>} : memref<8x2048xf32, #tpu.memory_space<vmem>>, vector<1x16xf32>,
      %mul3A_141 = arith.constant 128 : i32
      %mul3A_142 = arith.muli %scan3A_119, %mul3A_141 : i32
      %add3A_143 = arith.constant 32 : i32
      %add3A_144 = arith.addi %mul3A_142, %add3A_143 : i32
      %swap3A_145 = arith.constant 4 : i32
      %swap3A_146 = arith.index_cast %swap3A_145 : i32 to index
      %swap3A_147 = arith.index_cast %add3A_144 : i32 to index
      %swap3A_148 = tpu.vector_load %arg3[%swap3A_146, %swap3A_147] {strides = array<i32>} : memref<8x2048xf32, #tpu.memory_space<vmem>>, vector<1x16xf32>,
      %swap3A_149 = vector.shape_cast %swap3A_148 : vector<1x16xf32> to vector<16xf32>
      %swap3A_150 = vector.shape_cast %broadcast_in_dim3A_6 : vector<16xf32> to vector<1x16xf32>
      tpu.vector_store %arg3[%swap3A_146, %swap3A_147], %swap3A_150 {strides = array<i32>} : memref<8x2048xf32, #tpu.memory_space<vmem>>, vector<1x16xf32>,
      %mul3A_151 = arith.constant 128 : i32
      %mul3A_152 = arith.muli %scan3A_119, %mul3A_151 : i32
      %add3A_153 = arith.constant 48 : i32
      %add3A_154 = arith.addi %mul3A_152, %add3A_153 : i32
      %swap3A_155 = arith.constant 4 : i32
      %swap3A_156 = arith.index_cast %swap3A_155 : i32 to index
      %swap3A_157 = arith.index_cast %add3A_154 : i32 to index
      %swap3A_158 = tpu.vector_load %arg3[%swap3A_156, %swap3A_157] {strides = array<i32>} : memref<8x2048xf32, #tpu.memory_space<vmem>>, vector<1x16xf32>,
      %swap3A_159 = vector.shape_cast %swap3A_158 : vector<1x16xf32> to vector<16xf32>
      %swap3A_160 = vector.shape_cast %broadcast_in_dim3A_6 : vector<16xf32> to vector<1x16xf32>
      tpu.vector_store %arg3[%swap3A_156, %swap3A_157], %swap3A_160 {strides = array<i32>} : memref<8x2048xf32, #tpu.memory_space<vmem>>, vector<1x16xf32>,
      %mul3A_161 = arith.constant 128 : i32
      %mul3A_162 = arith.muli %scan3A_119, %mul3A_161 : i32
      %add3A_163 = arith.constant 64 : i32
      %add3A_164 = arith.addi %mul3A_162, %add3A_163 : i32
      %swap3A_165 = arith.constant 4 : i32
      %swap3A_166 = arith.index_cast %swap3A_165 : i32 to index
      %swap3A_167 = arith.index_cast %add3A_164 : i32 to index
      %swap3A_168 = tpu.vector_load %arg3[%swap3A_166, %swap3A_167] {strides = array<i32>} : memref<8x2048xf32, #tpu.memory_space<vmem>>, vector<1x16xf32>,
      %swap3A_169 = vector.shape_cast %swap3A_168 : vector<1x16xf32> to vector<16xf32>
      %swap3A_170 = vector.shape_cast %broadcast_in_dim3A_6 : vector<16xf32> to vector<1x16xf32>
      tpu.vector_store %arg3[%swap3A_166, %swap3A_167], %swap3A_170 {strides = array<i32>} : memref<8x2048xf32, #tpu.memory_space<vmem>>, vector<1x16xf32>,
      %mul3A_171 = arith.constant 128 : i32
      %mul3A_172 = arith.muli %scan3A_119, %mul3A_171 : i32
      %add3A_173 = arith.constant 80 : i32
      %add3A_174 = arith.addi %mul3A_172, %add3A_173 : i32
      %swap3A_175 = arith.constant 4 : i32
      %swap3A_176 = arith.index_cast %swap3A_175 : i32 to index
      %swap3A_177 = arith.index_cast %add3A_174 : i32 to index
      %swap3A_178 = tpu.vector_load %arg3[%swap3A_176, %swap3A_177] {strides = array<i32>} : memref<8x2048xf32, #tpu.memory_space<vmem>>, vector<1x16xf32>,
      %swap3A_179 = vector.shape_cast %swap3A_178 : vector<1x16xf32> to vector<16xf32>
      %swap3A_180 = vector.shape_cast %broadcast_in_dim3A_6 : vector<16xf32> to vector<1x16xf32>
      tpu.vector_store %arg3[%swap3A_176, %swap3A_177], %swap3A_180 {strides = array<i32>} : memref<8x2048xf32, #tpu.memory_space<vmem>>, vector<1x16xf32>,
      %mul3A_181 = arith.constant 128 : i32
      %mul3A_182 = arith.muli %scan3A_119, %mul3A_181 : i32
      %add3A_183 = arith.constant 96 : i32
      %add3A_184 = arith.addi %mul3A_182, %add3A_183 : i32
      %swap3A_185 = arith.constant 4 : i32
      %swap3A_186 = arith.index_cast %swap3A_185 : i32 to index
      %swap3A_187 = arith.index_cast %add3A_184 : i32 to index
      %swap3A_188 = tpu.vector_load %arg3[%swap3A_186, %swap3A_187] {strides = array<i32>} : memref<8x2048xf32, #tpu.memory_space<vmem>>, vector<1x16xf32>,
      %swap3A_189 = vector.shape_cast %swap3A_188 : vector<1x16xf32> to vector<16xf32>
      %swap3A_190 = vector.shape_cast %broadcast_in_dim3A_6 : vector<16xf32> to vector<1x16xf32>
      tpu.vector_store %arg3[%swap3A_186, %swap3A_187], %swap3A_190 {strides = array<i32>} : memref<8x2048xf32, #tpu.memory_space<vmem>>, vector<1x16xf32>,
      %mul3A_191 = arith.constant 128 : i32
      %mul3A_192 = arith.muli %scan3A_119, %mul3A_191 : i32
      %add3A_193 = arith.constant 112 : i32
      %add3A_194 = arith.addi %mul3A_192, %add3A_193 : i32
      %swap3A_195 = arith.constant 4 : i32
      %swap3A_196 = arith.index_cast %swap3A_195 : i32 to index
      %swap3A_197 = arith.index_cast %add3A_194 : i32 to index
      %swap3A_198 = tpu.vector_load %arg3[%swap3A_196, %swap3A_197] {strides = array<i32>} : memref<8x2048xf32, #tpu.memory_space<vmem>>, vector<1x16xf32>,
      %swap3A_199 = vector.shape_cast %swap3A_198 : vector<1x16xf32> to vector<16xf32>
      %swap3A_200 = vector.shape_cast %broadcast_in_dim3A_6 : vector<16xf32> to vector<1x16xf32>
      tpu.vector_store %arg3[%swap3A_196, %swap3A_197], %swap3A_200 {strides = array<i32>} : memref<8x2048xf32, #tpu.memory_space<vmem>>, vector<1x16xf32>,
      %scan3A_201 = arith.constant 0 : i32
      scf.yield %scan3A_201 : i32
    }
    %scan3A_63 = arith.constant 16 : i32
    %swap3A_64 = arith.constant 4 : i32
    %swap3A_65 = arith.index_cast %swap3A_64 : i32 to index
    %swap3A_66 = arith.constant 0 : index
    %swap3A_67 = tpu.vector_load %arg3[%swap3A_65, %swap3A_66] {strides = array<i32>} : memref<8x2048xf32, #tpu.memory_space<vmem>>, vector<1x16xf32>,
    %swap3A_68 = vector.shape_cast %swap3A_67 : vector<1x16xf32> to vector<16xf32>
    %swap3A_69 = vector.shape_cast %select_n3A : vector<16xf32> to vector<1x16xf32>
    tpu.vector_store %arg3[%swap3A_65, %swap3A_66], %swap3A_69 {strides = array<i32>} : memref<8x2048xf32, #tpu.memory_space<vmem>>, vector<1x16xf32>,
    %scan3A_70 = arith.constant 0 : i32
    %scan3A_71 = arith.constant 0 : i32
    %scan3A_72 = arith.constant 16 : i32
    %scan3A_73 = arith.addi %scan3A_71, %scan3A_72 : i32
    %scan3A_74 = arith.constant 1 : i32
    %scan3A_75 = scf.for %scan3A_119 = %scan3A_71 to %scan3A_73 step %scan3A_74 iter_args(%scan3A_120 = %scan3A_70) -> (i32)  : i32 {
      %mul3A_121 = arith.constant 128 : i32
      %mul3A_122 = arith.muli %scan3A_119, %mul3A_121 : i32
      %add3A_123 = arith.constant 0 : i32
      %add3A_124 = arith.addi %mul3A_122, %add3A_123 : i32
      %swap3A_125 = arith.constant 5 : i32
      %swap3A_126 = arith.index_cast %swap3A_125 : i32 to index
      %swap3A_127 = arith.index_cast %add3A_124 : i32 to index
      %swap3A_128 = tpu.vector_load %arg3[%swap3A_126, %swap3A_127] {strides = array<i32>} : memref<8x2048xf32, #tpu.memory_space<vmem>>, vector<1x16xf32>,
      %swap3A_129 = vector.shape_cast %swap3A_128 : vector<1x16xf32> to vector<16xf32>
      %swap3A_130 = vector.shape_cast %broadcast_in_dim3A_6 : vector<16xf32> to vector<1x16xf32>
      tpu.vector_store %arg3[%swap3A_126, %swap3A_127], %swap3A_130 {strides = array<i32>} : memref<8x2048xf32, #tpu.memory_space<vmem>>, vector<1x16xf32>,
      %mul3A_131 = arith.constant 128 : i32
      %mul3A_132 = arith.muli %scan3A_119, %mul3A_131 : i32
      %add3A_133 = arith.constant 16 : i32
      %add3A_134 = arith.addi %mul3A_132, %add3A_133 : i32
      %swap3A_135 = arith.constant 5 : i32
      %swap3A_136 = arith.index_cast %swap3A_135 : i32 to index
      %swap3A_137 = arith.index_cast %add3A_134 : i32 to index
      %swap3A_138 = tpu.vector_load %arg3[%swap3A_136, %swap3A_137] {strides = array<i32>} : memref<8x2048xf32, #tpu.memory_space<vmem>>, vector<1x16xf32>,
      %swap3A_139 = vector.shape_cast %swap3A_138 : vector<1x16xf32> to vector<16xf32>
      %swap3A_140 = vector.shape_cast %broadcast_in_dim3A_6 : vector<16xf32> to vector<1x16xf32>
      tpu.vector_store %arg3[%swap3A_136, %swap3A_137], %swap3A_140 {strides = array<i32>} : memref<8x2048xf32, #tpu.memory_space<vmem>>, vector<1x16xf32>,
      %mul3A_141 = arith.constant 128 : i32
      %mul3A_142 = arith.muli %scan3A_119, %mul3A_141 : i32
      %add3A_143 = arith.constant 32 : i32
      %add3A_144 = arith.addi %mul3A_142, %add3A_143 : i32
      %swap3A_145 = arith.constant 5 : i32
      %swap3A_146 = arith.index_cast %swap3A_145 : i32 to index
      %swap3A_147 = arith.index_cast %add3A_144 : i32 to index
      %swap3A_148 = tpu.vector_load %arg3[%swap3A_146, %swap3A_147] {strides = array<i32>} : memref<8x2048xf32, #tpu.memory_space<vmem>>, vector<1x16xf32>,
      %swap3A_149 = vector.shape_cast %swap3A_148 : vector<1x16xf32> to vector<16xf32>
      %swap3A_150 = vector.shape_cast %broadcast_in_dim3A_6 : vector<16xf32> to vector<1x16xf32>
      tpu.vector_store %arg3[%swap3A_146, %swap3A_147], %swap3A_150 {strides = array<i32>} : memref<8x2048xf32, #tpu.memory_space<vmem>>, vector<1x16xf32>,
      %mul3A_151 = arith.constant 128 : i32
      %mul3A_152 = arith.muli %scan3A_119, %mul3A_151 : i32
      %add3A_153 = arith.constant 48 : i32
      %add3A_154 = arith.addi %mul3A_152, %add3A_153 : i32
      %swap3A_155 = arith.constant 5 : i32
      %swap3A_156 = arith.index_cast %swap3A_155 : i32 to index
      %swap3A_157 = arith.index_cast %add3A_154 : i32 to index
      %swap3A_158 = tpu.vector_load %arg3[%swap3A_156, %swap3A_157] {strides = array<i32>} : memref<8x2048xf32, #tpu.memory_space<vmem>>, vector<1x16xf32>,
      %swap3A_159 = vector.shape_cast %swap3A_158 : vector<1x16xf32> to vector<16xf32>
      %swap3A_160 = vector.shape_cast %broadcast_in_dim3A_6 : vector<16xf32> to vector<1x16xf32>
      tpu.vector_store %arg3[%swap3A_156, %swap3A_157], %swap3A_160 {strides = array<i32>} : memref<8x2048xf32, #tpu.memory_space<vmem>>, vector<1x16xf32>,
      %mul3A_161 = arith.constant 128 : i32
      %mul3A_162 = arith.muli %scan3A_119, %mul3A_161 : i32
      %add3A_163 = arith.constant 64 : i32
      %add3A_164 = arith.addi %mul3A_162, %add3A_163 : i32
      %swap3A_165 = arith.constant 5 : i32
      %swap3A_166 = arith.index_cast %swap3A_165 : i32 to index
      %swap3A_167 = arith.index_cast %add3A_164 : i32 to index
      %swap3A_168 = tpu.vector_load %arg3[%swap3A_166, %swap3A_167] {strides = array<i32>} : memref<8x2048xf32, #tpu.memory_space<vmem>>, vector<1x16xf32>,
      %swap3A_169 = vector.shape_cast %swap3A_168 : vector<1x16xf32> to vector<16xf32>
      %swap3A_170 = vector.shape_cast %broadcast_in_dim3A_6 : vector<16xf32> to vector<1x16xf32>
      tpu.vector_store %arg3[%swap3A_166, %swap3A_167], %swap3A_170 {strides = array<i32>} : memref<8x2048xf32, #tpu.memory_space<vmem>>, vector<1x16xf32>,
      %mul3A_171 = arith.constant 128 : i32
      %mul3A_172 = arith.muli %scan3A_119, %mul3A_171 : i32
      %add3A_173 = arith.constant 80 : i32
      %add3A_174 = arith.addi %mul3A_172, %add3A_173 : i32
      %swap3A_175 = arith.constant 5 : i32
      %swap3A_176 = arith.index_cast %swap3A_175 : i32 to index
      %swap3A_177 = arith.index_cast %add3A_174 : i32 to index
      %swap3A_178 = tpu.vector_load %arg3[%swap3A_176, %swap3A_177] {strides = array<i32>} : memref<8x2048xf32, #tpu.memory_space<vmem>>, vector<1x16xf32>,
      %swap3A_179 = vector.shape_cast %swap3A_178 : vector<1x16xf32> to vector<16xf32>
      %swap3A_180 = vector.shape_cast %broadcast_in_dim3A_6 : vector<16xf32> to vector<1x16xf32>
      tpu.vector_store %arg3[%swap3A_176, %swap3A_177], %swap3A_180 {strides = array<i32>} : memref<8x2048xf32, #tpu.memory_space<vmem>>, vector<1x16xf32>,
      %mul3A_181 = arith.constant 128 : i32
      %mul3A_182 = arith.muli %scan3A_119, %mul3A_181 : i32
      %add3A_183 = arith.constant 96 : i32
      %add3A_184 = arith.addi %mul3A_182, %add3A_183 : i32
      %swap3A_185 = arith.constant 5 : i32
      %swap3A_186 = arith.index_cast %swap3A_185 : i32 to index
      %swap3A_187 = arith.index_cast %add3A_184 : i32 to index
      %swap3A_188 = tpu.vector_load %arg3[%swap3A_186, %swap3A_187] {strides = array<i32>} : memref<8x2048xf32, #tpu.memory_space<vmem>>, vector<1x16xf32>,
      %swap3A_189 = vector.shape_cast %swap3A_188 : vector<1x16xf32> to vector<16xf32>
      %swap3A_190 = vector.shape_cast %broadcast_in_dim3A_6 : vector<16xf32> to vector<1x16xf32>
      tpu.vector_store %arg3[%swap3A_186, %swap3A_187], %swap3A_190 {strides = array<i32>} : memref<8x2048xf32, #tpu.memory_space<vmem>>, vector<1x16xf32>,
      %mul3A_191 = arith.constant 128 : i32
      %mul3A_192 = arith.muli %scan3A_119, %mul3A_191 : i32
      %add3A_193 = arith.constant 112 : i32
      %add3A_194 = arith.addi %mul3A_192, %add3A_193 : i32
      %swap3A_195 = arith.constant 5 : i32
      %swap3A_196 = arith.index_cast %swap3A_195 : i32 to index
      %swap3A_197 = arith.index_cast %add3A_194 : i32 to index
      %swap3A_198 = tpu.vector_load %arg3[%swap3A_196, %swap3A_197] {strides = array<i32>} : memref<8x2048xf32, #tpu.memory_space<vmem>>, vector<1x16xf32>,
      %swap3A_199 = vector.shape_cast %swap3A_198 : vector<1x16xf32> to vector<16xf32>
      %swap3A_200 = vector.shape_cast %broadcast_in_dim3A_6 : vector<16xf32> to vector<1x16xf32>
      tpu.vector_store %arg3[%swap3A_196, %swap3A_197], %swap3A_200 {strides = array<i32>} : memref<8x2048xf32, #tpu.memory_space<vmem>>, vector<1x16xf32>,
      %scan3A_201 = arith.constant 0 : i32
      scf.yield %scan3A_201 : i32
    }
    %scan3A_76 = arith.constant 16 : i32
    %swap3A_77 = arith.constant 5 : i32
    %swap3A_78 = arith.index_cast %swap3A_77 : i32 to index
    %swap3A_79 = arith.constant 0 : index
    %swap3A_80 = tpu.vector_load %arg3[%swap3A_78, %swap3A_79] {strides = array<i32>} : memref<8x2048xf32, #tpu.memory_space<vmem>>, vector<1x16xf32>,
    %swap3A_81 = vector.shape_cast %swap3A_80 : vector<1x16xf32> to vector<16xf32>
    %swap3A_82 = vector.shape_cast %select_n3A : vector<16xf32> to vector<1x16xf32>
    tpu.vector_store %arg3[%swap3A_78, %swap3A_79], %swap3A_82 {strides = array<i32>} : memref<8x2048xf32, #tpu.memory_space<vmem>>, vector<1x16xf32>,
    %scan3A_83 = arith.constant 0 : i32
    %scan3A_84 = arith.constant 0 : i32
    %scan3A_85 = arith.constant 16 : i32
    %scan3A_86 = arith.addi %scan3A_84, %scan3A_85 : i32
    %scan3A_87 = arith.constant 1 : i32
    %scan3A_88 = scf.for %scan3A_119 = %scan3A_84 to %scan3A_86 step %scan3A_87 iter_args(%scan3A_120 = %scan3A_83) -> (i32)  : i32 {
      %mul3A_121 = arith.constant 128 : i32
      %mul3A_122 = arith.muli %scan3A_119, %mul3A_121 : i32
      %add3A_123 = arith.constant 0 : i32
      %add3A_124 = arith.addi %mul3A_122, %add3A_123 : i32
      %swap3A_125 = arith.constant 6 : i32
      %swap3A_126 = arith.index_cast %swap3A_125 : i32 to index
      %swap3A_127 = arith.index_cast %add3A_124 : i32 to index
      %swap3A_128 = tpu.vector_load %arg3[%swap3A_126, %swap3A_127] {strides = array<i32>} : memref<8x2048xf32, #tpu.memory_space<vmem>>, vector<1x16xf32>,
      %swap3A_129 = vector.shape_cast %swap3A_128 : vector<1x16xf32> to vector<16xf32>
      %swap3A_130 = vector.shape_cast %broadcast_in_dim3A_6 : vector<16xf32> to vector<1x16xf32>
      tpu.vector_store %arg3[%swap3A_126, %swap3A_127], %swap3A_130 {strides = array<i32>} : memref<8x2048xf32, #tpu.memory_space<vmem>>, vector<1x16xf32>,
      %mul3A_131 = arith.constant 128 : i32
      %mul3A_132 = arith.muli %scan3A_119, %mul3A_131 : i32
      %add3A_133 = arith.constant 16 : i32
      %add3A_134 = arith.addi %mul3A_132, %add3A_133 : i32
      %swap3A_135 = arith.constant 6 : i32
      %swap3A_136 = arith.index_cast %swap3A_135 : i32 to index
      %swap3A_137 = arith.index_cast %add3A_134 : i32 to index
      %swap3A_138 = tpu.vector_load %arg3[%swap3A_136, %swap3A_137] {strides = array<i32>} : memref<8x2048xf32, #tpu.memory_space<vmem>>, vector<1x16xf32>,
      %swap3A_139 = vector.shape_cast %swap3A_138 : vector<1x16xf32> to vector<16xf32>
      %swap3A_140 = vector.shape_cast %broadcast_in_dim3A_6 : vector<16xf32> to vector<1x16xf32>
      tpu.vector_store %arg3[%swap3A_136, %swap3A_137], %swap3A_140 {strides = array<i32>} : memref<8x2048xf32, #tpu.memory_space<vmem>>, vector<1x16xf32>,
      %mul3A_141 = arith.constant 128 : i32
      %mul3A_142 = arith.muli %scan3A_119, %mul3A_141 : i32
      %add3A_143 = arith.constant 32 : i32
      %add3A_144 = arith.addi %mul3A_142, %add3A_143 : i32
      %swap3A_145 = arith.constant 6 : i32
      %swap3A_146 = arith.index_cast %swap3A_145 : i32 to index
      %swap3A_147 = arith.index_cast %add3A_144 : i32 to index
      %swap3A_148 = tpu.vector_load %arg3[%swap3A_146, %swap3A_147] {strides = array<i32>} : memref<8x2048xf32, #tpu.memory_space<vmem>>, vector<1x16xf32>,
      %swap3A_149 = vector.shape_cast %swap3A_148 : vector<1x16xf32> to vector<16xf32>
      %swap3A_150 = vector.shape_cast %broadcast_in_dim3A_6 : vector<16xf32> to vector<1x16xf32>
      tpu.vector_store %arg3[%swap3A_146, %swap3A_147], %swap3A_150 {strides = array<i32>} : memref<8x2048xf32, #tpu.memory_space<vmem>>, vector<1x16xf32>,
      %mul3A_151 = arith.constant 128 : i32
      %mul3A_152 = arith.muli %scan3A_119, %mul3A_151 : i32
      %add3A_153 = arith.constant 48 : i32
      %add3A_154 = arith.addi %mul3A_152, %add3A_153 : i32
      %swap3A_155 = arith.constant 6 : i32
      %swap3A_156 = arith.index_cast %swap3A_155 : i32 to index
      %swap3A_157 = arith.index_cast %add3A_154 : i32 to index
      %swap3A_158 = tpu.vector_load %arg3[%swap3A_156, %swap3A_157] {strides = array<i32>} : memref<8x2048xf32, #tpu.memory_space<vmem>>, vector<1x16xf32>,
      %swap3A_159 = vector.shape_cast %swap3A_158 : vector<1x16xf32> to vector<16xf32>
      %swap3A_160 = vector.shape_cast %broadcast_in_dim3A_6 : vector<16xf32> to vector<1x16xf32>
      tpu.vector_store %arg3[%swap3A_156, %swap3A_157], %swap3A_160 {strides = array<i32>} : memref<8x2048xf32, #tpu.memory_space<vmem>>, vector<1x16xf32>,
      %mul3A_161 = arith.constant 128 : i32
      %mul3A_162 = arith.muli %scan3A_119, %mul3A_161 : i32
      %add3A_163 = arith.constant 64 : i32
      %add3A_164 = arith.addi %mul3A_162, %add3A_163 : i32
      %swap3A_165 = arith.constant 6 : i32
      %swap3A_166 = arith.index_cast %swap3A_165 : i32 to index
      %swap3A_167 = arith.index_cast %add3A_164 : i32 to index
      %swap3A_168 = tpu.vector_load %arg3[%swap3A_166, %swap3A_167] {strides = array<i32>} : memref<8x2048xf32, #tpu.memory_space<vmem>>, vector<1x16xf32>,
      %swap3A_169 = vector.shape_cast %swap3A_168 : vector<1x16xf32> to vector<16xf32>
      %swap3A_170 = vector.shape_cast %broadcast_in_dim3A_6 : vector<16xf32> to vector<1x16xf32>
      tpu.vector_store %arg3[%swap3A_166, %swap3A_167], %swap3A_170 {strides = array<i32>} : memref<8x2048xf32, #tpu.memory_space<vmem>>, vector<1x16xf32>,
      %mul3A_171 = arith.constant 128 : i32
      %mul3A_172 = arith.muli %scan3A_119, %mul3A_171 : i32
      %add3A_173 = arith.constant 80 : i32
      %add3A_174 = arith.addi %mul3A_172, %add3A_173 : i32
      %swap3A_175 = arith.constant 6 : i32
      %swap3A_176 = arith.index_cast %swap3A_175 : i32 to index
      %swap3A_177 = arith.index_cast %add3A_174 : i32 to index
      %swap3A_178 = tpu.vector_load %arg3[%swap3A_176, %swap3A_177] {strides = array<i32>} : memref<8x2048xf32, #tpu.memory_space<vmem>>, vector<1x16xf32>,
      %swap3A_179 = vector.shape_cast %swap3A_178 : vector<1x16xf32> to vector<16xf32>
      %swap3A_180 = vector.shape_cast %broadcast_in_dim3A_6 : vector<16xf32> to vector<1x16xf32>
      tpu.vector_store %arg3[%swap3A_176, %swap3A_177], %swap3A_180 {strides = array<i32>} : memref<8x2048xf32, #tpu.memory_space<vmem>>, vector<1x16xf32>,
      %mul3A_181 = arith.constant 128 : i32
      %mul3A_182 = arith.muli %scan3A_119, %mul3A_181 : i32
      %add3A_183 = arith.constant 96 : i32
      %add3A_184 = arith.addi %mul3A_182, %add3A_183 : i32
      %swap3A_185 = arith.constant 6 : i32
      %swap3A_186 = arith.index_cast %swap3A_185 : i32 to index
      %swap3A_187 = arith.index_cast %add3A_184 : i32 to index
      %swap3A_188 = tpu.vector_load %arg3[%swap3A_186, %swap3A_187] {strides = array<i32>} : memref<8x2048xf32, #tpu.memory_space<vmem>>, vector<1x16xf32>,
      %swap3A_189 = vector.shape_cast %swap3A_188 : vector<1x16xf32> to vector<16xf32>
      %swap3A_190 = vector.shape_cast %broadcast_in_dim3A_6 : vector<16xf32> to vector<1x16xf32>
      tpu.vector_store %arg3[%swap3A_186, %swap3A_187], %swap3A_190 {strides = array<i32>} : memref<8x2048xf32, #tpu.memory_space<vmem>>, vector<1x16xf32>,
      %mul3A_191 = arith.constant 128 : i32
      %mul3A_192 = arith.muli %scan3A_119, %mul3A_191 : i32
      %add3A_193 = arith.constant 112 : i32
      %add3A_194 = arith.addi %mul3A_192, %add3A_193 : i32
      %swap3A_195 = arith.constant 6 : i32
      %swap3A_196 = arith.index_cast %swap3A_195 : i32 to index
      %swap3A_197 = arith.index_cast %add3A_194 : i32 to index
      %swap3A_198 = tpu.vector_load %arg3[%swap3A_196, %swap3A_197] {strides = array<i32>} : memref<8x2048xf32, #tpu.memory_space<vmem>>, vector<1x16xf32>,
      %swap3A_199 = vector.shape_cast %swap3A_198 : vector<1x16xf32> to vector<16xf32>
      %swap3A_200 = vector.shape_cast %broadcast_in_dim3A_6 : vector<16xf32> to vector<1x16xf32>
      tpu.vector_store %arg3[%swap3A_196, %swap3A_197], %swap3A_200 {strides = array<i32>} : memref<8x2048xf32, #tpu.memory_space<vmem>>, vector<1x16xf32>,
      %scan3A_201 = arith.constant 0 : i32
      scf.yield %scan3A_201 : i32
    }
    %scan3A_89 = arith.constant 16 : i32
    %swap3A_90 = arith.constant 6 : i32
    %swap3A_91 = arith.index_cast %swap3A_90 : i32 to index
    %swap3A_92 = arith.constant 0 : index
    %swap3A_93 = tpu.vector_load %arg3[%swap3A_91, %swap3A_92] {strides = array<i32>} : memref<8x2048xf32, #tpu.memory_space<vmem>>, vector<1x16xf32>,
    %swap3A_94 = vector.shape_cast %swap3A_93 : vector<1x16xf32> to vector<16xf32>
    %swap3A_95 = vector.shape_cast %select_n3A : vector<16xf32> to vector<1x16xf32>
    tpu.vector_store %arg3[%swap3A_91, %swap3A_92], %swap3A_95 {strides = array<i32>} : memref<8x2048xf32, #tpu.memory_space<vmem>>, vector<1x16xf32>,
    %scan3A_96 = arith.constant 0 : i32
    %scan3A_97 = arith.constant 0 : i32
    %scan3A_98 = arith.constant 16 : i32
    %scan3A_99 = arith.addi %scan3A_97, %scan3A_98 : i32
    %scan3A_100 = arith.constant 1 : i32
    %scan3A_101 = scf.for %scan3A_119 = %scan3A_97 to %scan3A_99 step %scan3A_100 iter_args(%scan3A_120 = %scan3A_96) -> (i32)  : i32 {
      %mul3A_121 = arith.constant 128 : i32
      %mul3A_122 = arith.muli %scan3A_119, %mul3A_121 : i32
      %add3A_123 = arith.constant 0 : i32
      %add3A_124 = arith.addi %mul3A_122, %add3A_123 : i32
      %swap3A_125 = arith.constant 7 : i32
      %swap3A_126 = arith.index_cast %swap3A_125 : i32 to index
      %swap3A_127 = arith.index_cast %add3A_124 : i32 to index
      %swap3A_128 = tpu.vector_load %arg3[%swap3A_126, %swap3A_127] {strides = array<i32>} : memref<8x2048xf32, #tpu.memory_space<vmem>>, vector<1x16xf32>,
      %swap3A_129 = vector.shape_cast %swap3A_128 : vector<1x16xf32> to vector<16xf32>
      %swap3A_130 = vector.shape_cast %broadcast_in_dim3A_6 : vector<16xf32> to vector<1x16xf32>
      tpu.vector_store %arg3[%swap3A_126, %swap3A_127], %swap3A_130 {strides = array<i32>} : memref<8x2048xf32, #tpu.memory_space<vmem>>, vector<1x16xf32>,
      %mul3A_131 = arith.constant 128 : i32
      %mul3A_132 = arith.muli %scan3A_119, %mul3A_131 : i32
      %add3A_133 = arith.constant 16 : i32
      %add3A_134 = arith.addi %mul3A_132, %add3A_133 : i32
      %swap3A_135 = arith.constant 7 : i32
      %swap3A_136 = arith.index_cast %swap3A_135 : i32 to index
      %swap3A_137 = arith.index_cast %add3A_134 : i32 to index
      %swap3A_138 = tpu.vector_load %arg3[%swap3A_136, %swap3A_137] {strides = array<i32>} : memref<8x2048xf32, #tpu.memory_space<vmem>>, vector<1x16xf32>,
      %swap3A_139 = vector.shape_cast %swap3A_138 : vector<1x16xf32> to vector<16xf32>
      %swap3A_140 = vector.shape_cast %broadcast_in_dim3A_6 : vector<16xf32> to vector<1x16xf32>
      tpu.vector_store %arg3[%swap3A_136, %swap3A_137], %swap3A_140 {strides = array<i32>} : memref<8x2048xf32, #tpu.memory_space<vmem>>, vector<1x16xf32>,
      %mul3A_141 = arith.constant 128 : i32
      %mul3A_142 = arith.muli %scan3A_119, %mul3A_141 : i32
      %add3A_143 = arith.constant 32 : i32
      %add3A_144 = arith.addi %mul3A_142, %add3A_143 : i32
      %swap3A_145 = arith.constant 7 : i32
      %swap3A_146 = arith.index_cast %swap3A_145 : i32 to index
      %swap3A_147 = arith.index_cast %add3A_144 : i32 to index
      %swap3A_148 = tpu.vector_load %arg3[%swap3A_146, %swap3A_147] {strides = array<i32>} : memref<8x2048xf32, #tpu.memory_space<vmem>>, vector<1x16xf32>,
      %swap3A_149 = vector.shape_cast %swap3A_148 : vector<1x16xf32> to vector<16xf32>
      %swap3A_150 = vector.shape_cast %broadcast_in_dim3A_6 : vector<16xf32> to vector<1x16xf32>
      tpu.vector_store %arg3[%swap3A_146, %swap3A_147], %swap3A_150 {strides = array<i32>} : memref<8x2048xf32, #tpu.memory_space<vmem>>, vector<1x16xf32>,
      %mul3A_151 = arith.constant 128 : i32
      %mul3A_152 = arith.muli %scan3A_119, %mul3A_151 : i32
      %add3A_153 = arith.constant 48 : i32
      %add3A_154 = arith.addi %mul3A_152, %add3A_153 : i32
      %swap3A_155 = arith.constant 7 : i32
      %swap3A_156 = arith.index_cast %swap3A_155 : i32 to index
      %swap3A_157 = arith.index_cast %add3A_154 : i32 to index
      %swap3A_158 = tpu.vector_load %arg3[%swap3A_156, %swap3A_157] {strides = array<i32>} : memref<8x2048xf32, #tpu.memory_space<vmem>>, vector<1x16xf32>,
      %swap3A_159 = vector.shape_cast %swap3A_158 : vector<1x16xf32> to vector<16xf32>
      %swap3A_160 = vector.shape_cast %broadcast_in_dim3A_6 : vector<16xf32> to vector<1x16xf32>
      tpu.vector_store %arg3[%swap3A_156, %swap3A_157], %swap3A_160 {strides = array<i32>} : memref<8x2048xf32, #tpu.memory_space<vmem>>, vector<1x16xf32>,
      %mul3A_161 = arith.constant 128 : i32
      %mul3A_162 = arith.muli %scan3A_119, %mul3A_161 : i32
      %add3A_163 = arith.constant 64 : i32
      %add3A_164 = arith.addi %mul3A_162, %add3A_163 : i32
      %swap3A_165 = arith.constant 7 : i32
      %swap3A_166 = arith.index_cast %swap3A_165 : i32 to index
      %swap3A_167 = arith.index_cast %add3A_164 : i32 to index
      %swap3A_168 = tpu.vector_load %arg3[%swap3A_166, %swap3A_167] {strides = array<i32>} : memref<8x2048xf32, #tpu.memory_space<vmem>>, vector<1x16xf32>,
      %swap3A_169 = vector.shape_cast %swap3A_168 : vector<1x16xf32> to vector<16xf32>
      %swap3A_170 = vector.shape_cast %broadcast_in_dim3A_6 : vector<16xf32> to vector<1x16xf32>
      tpu.vector_store %arg3[%swap3A_166, %swap3A_167], %swap3A_170 {strides = array<i32>} : memref<8x2048xf32, #tpu.memory_space<vmem>>, vector<1x16xf32>,
      %mul3A_171 = arith.constant 128 : i32
      %mul3A_172 = arith.muli %scan3A_119, %mul3A_171 : i32
      %add3A_173 = arith.constant 80 : i32
      %add3A_174 = arith.addi %mul3A_172, %add3A_173 : i32
      %swap3A_175 = arith.constant 7 : i32
      %swap3A_176 = arith.index_cast %swap3A_175 : i32 to index
      %swap3A_177 = arith.index_cast %add3A_174 : i32 to index
      %swap3A_178 = tpu.vector_load %arg3[%swap3A_176, %swap3A_177] {strides = array<i32>} : memref<8x2048xf32, #tpu.memory_space<vmem>>, vector<1x16xf32>,
      %swap3A_179 = vector.shape_cast %swap3A_178 : vector<1x16xf32> to vector<16xf32>
      %swap3A_180 = vector.shape_cast %broadcast_in_dim3A_6 : vector<16xf32> to vector<1x16xf32>
      tpu.vector_store %arg3[%swap3A_176, %swap3A_177], %swap3A_180 {strides = array<i32>} : memref<8x2048xf32, #tpu.memory_space<vmem>>, vector<1x16xf32>,
      %mul3A_181 = arith.constant 128 : i32
      %mul3A_182 = arith.muli %scan3A_119, %mul3A_181 : i32
      %add3A_183 = arith.constant 96 : i32
      %add3A_184 = arith.addi %mul3A_182, %add3A_183 : i32
      %swap3A_185 = arith.constant 7 : i32
      %swap3A_186 = arith.index_cast %swap3A_185 : i32 to index
      %swap3A_187 = arith.index_cast %add3A_184 : i32 to index
      %swap3A_188 = tpu.vector_load %arg3[%swap3A_186, %swap3A_187] {strides = array<i32>} : memref<8x2048xf32, #tpu.memory_space<vmem>>, vector<1x16xf32>,
      %swap3A_189 = vector.shape_cast %swap3A_188 : vector<1x16xf32> to vector<16xf32>
      %swap3A_190 = vector.shape_cast %broadcast_in_dim3A_6 : vector<16xf32> to vector<1x16xf32>
      tpu.vector_store %arg3[%swap3A_186, %swap3A_187], %swap3A_190 {strides = array<i32>} : memref<8x2048xf32, #tpu.memory_space<vmem>>, vector<1x16xf32>,
      %mul3A_191 = arith.constant 128 : i32
      %mul3A_192 = arith.muli %scan3A_119, %mul3A_191 : i32
      %add3A_193 = arith.constant 112 : i32
      %add3A_194 = arith.addi %mul3A_192, %add3A_193 : i32
      %swap3A_195 = arith.constant 7 : i32
      %swap3A_196 = arith.index_cast %swap3A_195 : i32 to index
      %swap3A_197 = arith.index_cast %add3A_194 : i32 to index
      %swap3A_198 = tpu.vector_load %arg3[%swap3A_196, %swap3A_197] {strides = array<i32>} : memref<8x2048xf32, #tpu.memory_space<vmem>>, vector<1x16xf32>,
      %swap3A_199 = vector.shape_cast %swap3A_198 : vector<1x16xf32> to vector<16xf32>
      %swap3A_200 = vector.shape_cast %broadcast_in_dim3A_6 : vector<16xf32> to vector<1x16xf32>
      tpu.vector_store %arg3[%swap3A_196, %swap3A_197], %swap3A_200 {strides = array<i32>} : memref<8x2048xf32, #tpu.memory_space<vmem>>, vector<1x16xf32>,
      %scan3A_201 = arith.constant 0 : i32
      scf.yield %scan3A_201 : i32
    }
    %scan3A_102 = arith.constant 16 : i32
    %swap3A_103 = arith.constant 7 : i32
    %swap3A_104 = arith.index_cast %swap3A_103 : i32 to index
    %swap3A_105 = arith.constant 0 : index
    %swap3A_106 = tpu.vector_load %arg3[%swap3A_104, %swap3A_105] {strides = array<i32>} : memref<8x2048xf32, #tpu.memory_space<vmem>>, vector<1x16xf32>,
    %swap3A_107 = vector.shape_cast %swap3A_106 : vector<1x16xf32> to vector<16xf32>
    %swap3A_108 = vector.shape_cast %select_n3A : vector<16xf32> to vector<1x16xf32>
    tpu.vector_store %arg3[%swap3A_104, %swap3A_105], %swap3A_108 {strides = array<i32>} : memref<8x2048xf32, #tpu.memory_space<vmem>>, vector<1x16xf32>,
    %run_scoped3A = arith.constant 0 : i32
    "tpu.region"() ({
      %run_scoped3A_119 = tpu.sem_alloc : memref<!tpu.dma_semaphore, #tpu.memory_space<semaphore_mem>>
      %dma_start3A = tpu.memref_reshape %arg2 : memref<2048x2048xf32, #tpu.memory_space<hbm>> -> memref<32x8x8x2048xf32, #tpu.memory_space<hbm>>
      %dma_start3A_120 = arith.constant 0 : i32
      %dma_start3A_121 = arith.constant 0 : i32
      %dma_start3A_122 = tpu.memref_slice %dma_start3A[%add3A, %run_scoped3A, %dma_start3A_120, %dma_start3A_121] : memref<32x8x8x2048xf32, #tpu.memory_space<hbm>> -> memref<1x1x8x2048xf32, #tpu.memory_space<hbm>>
      %dma_start3A_123 = tpu.memref_squeeze %dma_start3A_122 : memref<1x1x8x2048xf32, #tpu.memory_space<hbm>> -> memref<8x2048xf32, #tpu.memory_space<hbm>>
      %dma_start3A_124 = tpu.memref_reshape %arg2 : memref<2048x2048xf32, #tpu.memory_space<hbm>> -> memref<32x8x8x2048xf32, #tpu.memory_space<hbm>>
      %dma_start3A_125 = arith.constant 0 : i32
      %dma_start3A_126 = arith.constant 0 : i32
      %dma_start3A_127 = tpu.memref_slice %dma_start3A_124[%add3A, %run_scoped3A, %dma_start3A_125, %dma_start3A_126] : memref<32x8x8x2048xf32, #tpu.memory_space<hbm>> -> memref<1x1x8x2048xf32, #tpu.memory_space<hbm>>
      %dma_start3A_128 = tpu.memref_squeeze %dma_start3A_127 : memref<1x1x8x2048xf32, #tpu.memory_space<hbm>> -> memref<8x2048xf32, #tpu.memory_space<hbm>>
      tpu.enqueue_dma source(%arg3 : memref<8x2048xf32, #tpu.memory_space<vmem>>) target(%dma_start3A_128 : memref<8x2048xf32, #tpu.memory_space<hbm>>) target_semaphore(%run_scoped3A_119 : memref<!tpu.dma_semaphore, #tpu.memory_space<semaphore_mem>>)
      %dma_wait3A = tpu.memref_reshape %arg2 : memref<2048x2048xf32, #tpu.memory_space<hbm>> -> memref<32x8x8x2048xf32, #tpu.memory_space<hbm>>
      %dma_wait3A_129 = arith.constant 0 : i32
      %dma_wait3A_130 = arith.constant 0 : i32
      %dma_wait3A_131 = tpu.memref_slice %dma_wait3A[%add3A, %run_scoped3A, %dma_wait3A_129, %dma_wait3A_130] : memref<32x8x8x2048xf32, #tpu.memory_space<hbm>> -> memref<1x1x8x2048xf32, #tpu.memory_space<hbm>>
      %dma_wait3A_132 = tpu.memref_squeeze %dma_wait3A_131 : memref<1x1x8x2048xf32, #tpu.memory_space<hbm>> -> memref<8x2048xf32, #tpu.memory_space<hbm>>
      %dma_wait3A_133 = tpu.memref_reshape %arg2 : memref<2048x2048xf32, #tpu.memory_space<hbm>> -> memref<32x8x8x2048xf32, #tpu.memory_space<hbm>>
      %dma_wait3A_134 = arith.constant 0 : i32
      %dma_wait3A_135 = arith.constant 0 : i32
      %dma_wait3A_136 = tpu.memref_slice %dma_wait3A_133[%add3A, %run_scoped3A, %dma_wait3A_134, %dma_wait3A_135] : memref<32x8x8x2048xf32, #tpu.memory_space<hbm>> -> memref<1x1x8x2048xf32, #tpu.memory_space<hbm>>
      %dma_wait3A_137 = tpu.memref_squeeze %dma_wait3A_136 : memref<1x1x8x2048xf32, #tpu.memory_space<hbm>> -> memref<8x2048xf32, #tpu.memory_space<hbm>>
      tpu.wait_dma2 semaphore(%run_scoped3A_119 : memref<!tpu.dma_semaphore, #tpu.memory_space<semaphore_mem>>) src(%arg3 : memref<8x2048xf32, #tpu.memory_space<vmem>>) dst(%dma_wait3A_137 : memref<8x2048xf32, #tpu.memory_space<hbm>>)
      tpu.yield
    }) : () -> ()
    %run_scoped3A_109 = arith.constant 1 : i32
    "tpu.region"() ({
      %run_scoped3A_119 = tpu.sem_alloc : memref<!tpu.dma_semaphore, #tpu.memory_space<semaphore_mem>>
      %dma_start3A = tpu.memref_reshape %arg2 : memref<2048x2048xf32, #tpu.memory_space<hbm>> -> memref<32x8x8x2048xf32, #tpu.memory_space<hbm>>
      %dma_start3A_120 = arith.constant 0 : i32
      %dma_start3A_121 = arith.constant 0 : i32
      %dma_start3A_122 = tpu.memref_slice %dma_start3A[%add3A, %run_scoped3A_109, %dma_start3A_120, %dma_start3A_121] : memref<32x8x8x2048xf32, #tpu.memory_space<hbm>> -> memref<1x1x8x2048xf32, #tpu.memory_space<hbm>>
      %dma_start3A_123 = tpu.memref_squeeze %dma_start3A_122 : memref<1x1x8x2048xf32, #tpu.memory_space<hbm>> -> memref<8x2048xf32, #tpu.memory_space<hbm>>
      %dma_start3A_124 = tpu.memref_reshape %arg2 : memref<2048x2048xf32, #tpu.memory_space<hbm>> -> memref<32x8x8x2048xf32, #tpu.memory_space<hbm>>
      %dma_start3A_125 = arith.constant 0 : i32
      %dma_start3A_126 = arith.constant 0 : i32
      %dma_start3A_127 = tpu.memref_slice %dma_start3A_124[%add3A, %run_scoped3A_109, %dma_start3A_125, %dma_start3A_126] : memref<32x8x8x2048xf32, #tpu.memory_space<hbm>> -> memref<1x1x8x2048xf32, #tpu.memory_space<hbm>>
      %dma_start3A_128 = tpu.memref_squeeze %dma_start3A_127 : memref<1x1x8x2048xf32, #tpu.memory_space<hbm>> -> memref<8x2048xf32, #tpu.memory_space<hbm>>
      tpu.enqueue_dma source(%arg3 : memref<8x2048xf32, #tpu.memory_space<vmem>>) target(%dma_start3A_128 : memref<8x2048xf32, #tpu.memory_space<hbm>>) target_semaphore(%run_scoped3A_119 : memref<!tpu.dma_semaphore, #tpu.memory_space<semaphore_mem>>)
      %dma_wait3A = tpu.memref_reshape %arg2 : memref<2048x2048xf32, #tpu.memory_space<hbm>> -> memref<32x8x8x2048xf32, #tpu.memory_space<hbm>>
      %dma_wait3A_129 = arith.constant 0 : i32
      %dma_wait3A_130 = arith.constant 0 : i32
      %dma_wait3A_131 = tpu.memref_slice %dma_wait3A[%add3A, %run_scoped3A_109, %dma_wait3A_129, %dma_wait3A_130] : memref<32x8x8x2048xf32, #tpu.memory_space<hbm>> -> memref<1x1x8x2048xf32, #tpu.memory_space<hbm>>
      %dma_wait3A_132 = tpu.memref_squeeze %dma_wait3A_131 : memref<1x1x8x2048xf32, #tpu.memory_space<hbm>> -> memref<8x2048xf32, #tpu.memory_space<hbm>>
      %dma_wait3A_133 = tpu.memref_reshape %arg2 : memref<2048x2048xf32, #tpu.memory_space<hbm>> -> memref<32x8x8x2048xf32, #tpu.memory_space<hbm>>
      %dma_wait3A_134 = arith.constant 0 : i32
      %dma_wait3A_135 = arith.constant 0 : i32
      %dma_wait3A_136 = tpu.memref_slice %dma_wait3A_133[%add3A, %run_scoped3A_109, %dma_wait3A_134, %dma_wait3A_135] : memref<32x8x8x2048xf32, #tpu.memory_space<hbm>> -> memref<1x1x8x2048xf32, #tpu.memory_space<hbm>>
      %dma_wait3A_137 = tpu.memref_squeeze %dma_wait3A_136 : memref<1x1x8x2048xf32, #tpu.memory_space<hbm>> -> memref<8x2048xf32, #tpu.memory_space<hbm>>
      tpu.wait_dma2 semaphore(%run_scoped3A_119 : memref<!tpu.dma_semaphore, #tpu.memory_space<semaphore_mem>>) src(%arg3 : memref<8x2048xf32, #tpu.memory_space<vmem>>) dst(%dma_wait3A_137 : memref<8x2048xf32, #tpu.memory_space<hbm>>)
      tpu.yield
    }) : () -> ()
    %run_scoped3A_110 = arith.constant 2 : i32
    "tpu.region"() ({
      %run_scoped3A_119 = tpu.sem_alloc : memref<!tpu.dma_semaphore, #tpu.memory_space<semaphore_mem>>
      %dma_start3A = tpu.memref_reshape %arg2 : memref<2048x2048xf32, #tpu.memory_space<hbm>> -> memref<32x8x8x2048xf32, #tpu.memory_space<hbm>>
      %dma_start3A_120 = arith.constant 0 : i32
      %dma_start3A_121 = arith.constant 0 : i32
      %dma_start3A_122 = tpu.memref_slice %dma_start3A[%add3A, %run_scoped3A_110, %dma_start3A_120, %dma_start3A_121] : memref<32x8x8x2048xf32, #tpu.memory_space<hbm>> -> memref<1x1x8x2048xf32, #tpu.memory_space<hbm>>
      %dma_start3A_123 = tpu.memref_squeeze %dma_start3A_122 : memref<1x1x8x2048xf32, #tpu.memory_space<hbm>> -> memref<8x2048xf32, #tpu.memory_space<hbm>>
      %dma_start3A_124 = tpu.memref_reshape %arg2 : memref<2048x2048xf32, #tpu.memory_space<hbm>> -> memref<32x8x8x2048xf32, #tpu.memory_space<hbm>>
      %dma_start3A_125 = arith.constant 0 : i32
      %dma_start3A_126 = arith.constant 0 : i32
      %dma_start3A_127 = tpu.memref_slice %dma_start3A_124[%add3A, %run_scoped3A_110, %dma_start3A_125, %dma_start3A_126] : memref<32x8x8x2048xf32, #tpu.memory_space<hbm>> -> memref<1x1x8x2048xf32, #tpu.memory_space<hbm>>
      %dma_start3A_128 = tpu.memref_squeeze %dma_start3A_127 : memref<1x1x8x2048xf32, #tpu.memory_space<hbm>> -> memref<8x2048xf32, #tpu.memory_space<hbm>>
      tpu.enqueue_dma source(%arg3 : memref<8x2048xf32, #tpu.memory_space<vmem>>) target(%dma_start3A_128 : memref<8x2048xf32, #tpu.memory_space<hbm>>) target_semaphore(%run_scoped3A_119 : memref<!tpu.dma_semaphore, #tpu.memory_space<semaphore_mem>>)
      %dma_wait3A = tpu.memref_reshape %arg2 : memref<2048x2048xf32, #tpu.memory_space<hbm>> -> memref<32x8x8x2048xf32, #tpu.memory_space<hbm>>
      %dma_wait3A_129 = arith.constant 0 : i32
      %dma_wait3A_130 = arith.constant 0 : i32
      %dma_wait3A_131 = tpu.memref_slice %dma_wait3A[%add3A, %run_scoped3A_110, %dma_wait3A_129, %dma_wait3A_130] : memref<32x8x8x2048xf32, #tpu.memory_space<hbm>> -> memref<1x1x8x2048xf32, #tpu.memory_space<hbm>>
      %dma_wait3A_132 = tpu.memref_squeeze %dma_wait3A_131 : memref<1x1x8x2048xf32, #tpu.memory_space<hbm>> -> memref<8x2048xf32, #tpu.memory_space<hbm>>
      %dma_wait3A_133 = tpu.memref_reshape %arg2 : memref<2048x2048xf32, #tpu.memory_space<hbm>> -> memref<32x8x8x2048xf32, #tpu.memory_space<hbm>>
      %dma_wait3A_134 = arith.constant 0 : i32
      %dma_wait3A_135 = arith.constant 0 : i32
      %dma_wait3A_136 = tpu.memref_slice %dma_wait3A_133[%add3A, %run_scoped3A_110, %dma_wait3A_134, %dma_wait3A_135] : memref<32x8x8x2048xf32, #tpu.memory_space<hbm>> -> memref<1x1x8x2048xf32, #tpu.memory_space<hbm>>
      %dma_wait3A_137 = tpu.memref_squeeze %dma_wait3A_136 : memref<1x1x8x2048xf32, #tpu.memory_space<hbm>> -> memref<8x2048xf32, #tpu.memory_space<hbm>>
      tpu.wait_dma2 semaphore(%run_scoped3A_119 : memref<!tpu.dma_semaphore, #tpu.memory_space<semaphore_mem>>) src(%arg3 : memref<8x2048xf32, #tpu.memory_space<vmem>>) dst(%dma_wait3A_137 : memref<8x2048xf32, #tpu.memory_space<hbm>>)
      tpu.yield
    }) : () -> ()
    %run_scoped3A_111 = arith.constant 3 : i32
    "tpu.region"() ({
      %run_scoped3A_119 = tpu.sem_alloc : memref<!tpu.dma_semaphore, #tpu.memory_space<semaphore_mem>>
      %dma_start3A = tpu.memref_reshape %arg2 : memref<2048x2048xf32, #tpu.memory_space<hbm>> -> memref<32x8x8x2048xf32, #tpu.memory_space<hbm>>
      %dma_start3A_120 = arith.constant 0 : i32
      %dma_start3A_121 = arith.constant 0 : i32
      %dma_start3A_122 = tpu.memref_slice %dma_start3A[%add3A, %run_scoped3A_111, %dma_start3A_120, %dma_start3A_121] : memref<32x8x8x2048xf32, #tpu.memory_space<hbm>> -> memref<1x1x8x2048xf32, #tpu.memory_space<hbm>>
      %dma_start3A_123 = tpu.memref_squeeze %dma_start3A_122 : memref<1x1x8x2048xf32, #tpu.memory_space<hbm>> -> memref<8x2048xf32, #tpu.memory_space<hbm>>
      %dma_start3A_124 = tpu.memref_reshape %arg2 : memref<2048x2048xf32, #tpu.memory_space<hbm>> -> memref<32x8x8x2048xf32, #tpu.memory_space<hbm>>
      %dma_start3A_125 = arith.constant 0 : i32
      %dma_start3A_126 = arith.constant 0 : i32
      %dma_start3A_127 = tpu.memref_slice %dma_start3A_124[%add3A, %run_scoped3A_111, %dma_start3A_125, %dma_start3A_126] : memref<32x8x8x2048xf32, #tpu.memory_space<hbm>> -> memref<1x1x8x2048xf32, #tpu.memory_space<hbm>>
      %dma_start3A_128 = tpu.memref_squeeze %dma_start3A_127 : memref<1x1x8x2048xf32, #tpu.memory_space<hbm>> -> memref<8x2048xf32, #tpu.memory_space<hbm>>
      tpu.enqueue_dma source(%arg3 : memref<8x2048xf32, #tpu.memory_space<vmem>>) target(%dma_start3A_128 : memref<8x2048xf32, #tpu.memory_space<hbm>>) target_semaphore(%run_scoped3A_119 : memref<!tpu.dma_semaphore, #tpu.memory_space<semaphore_mem>>)
      %dma_wait3A = tpu.memref_reshape %arg2 : memref<2048x2048xf32, #tpu.memory_space<hbm>> -> memref<32x8x8x2048xf32, #tpu.memory_space<hbm>>
      %dma_wait3A_129 = arith.constant 0 : i32
      %dma_wait3A_130 = arith.constant 0 : i32
      %dma_wait3A_131 = tpu.memref_slice %dma_wait3A[%add3A, %run_scoped3A_111, %dma_wait3A_129, %dma_wait3A_130] : memref<32x8x8x2048xf32, #tpu.memory_space<hbm>> -> memref<1x1x8x2048xf32, #tpu.memory_space<hbm>>
      %dma_wait3A_132 = tpu.memref_squeeze %dma_wait3A_131 : memref<1x1x8x2048xf32, #tpu.memory_space<hbm>> -> memref<8x2048xf32, #tpu.memory_space<hbm>>
      %dma_wait3A_133 = tpu.memref_reshape %arg2 : memref<2048x2048xf32, #tpu.memory_space<hbm>> -> memref<32x8x8x2048xf32, #tpu.memory_space<hbm>>
      %dma_wait3A_134 = arith.constant 0 : i32
      %dma_wait3A_135 = arith.constant 0 : i32
      %dma_wait3A_136 = tpu.memref_slice %dma_wait3A_133[%add3A, %run_scoped3A_111, %dma_wait3A_134, %dma_wait3A_135] : memref<32x8x8x2048xf32, #tpu.memory_space<hbm>> -> memref<1x1x8x2048xf32, #tpu.memory_space<hbm>>
      %dma_wait3A_137 = tpu.memref_squeeze %dma_wait3A_136 : memref<1x1x8x2048xf32, #tpu.memory_space<hbm>> -> memref<8x2048xf32, #tpu.memory_space<hbm>>
      tpu.wait_dma2 semaphore(%run_scoped3A_119 : memref<!tpu.dma_semaphore, #tpu.memory_space<semaphore_mem>>) src(%arg3 : memref<8x2048xf32, #tpu.memory_space<vmem>>) dst(%dma_wait3A_137 : memref<8x2048xf32, #tpu.memory_space<hbm>>)
      tpu.yield
    }) : () -> ()
    %run_scoped3A_112 = arith.constant 4 : i32
    "tpu.region"() ({
      %run_scoped3A_119 = tpu.sem_alloc : memref<!tpu.dma_semaphore, #tpu.memory_space<semaphore_mem>>
      %dma_start3A = tpu.memref_reshape %arg2 : memref<2048x2048xf32, #tpu.memory_space<hbm>> -> memref<32x8x8x2048xf32, #tpu.memory_space<hbm>>
      %dma_start3A_120 = arith.constant 0 : i32
      %dma_start3A_121 = arith.constant 0 : i32
      %dma_start3A_122 = tpu.memref_slice %dma_start3A[%add3A, %run_scoped3A_112, %dma_start3A_120, %dma_start3A_121] : memref<32x8x8x2048xf32, #tpu.memory_space<hbm>> -> memref<1x1x8x2048xf32, #tpu.memory_space<hbm>>
      %dma_start3A_123 = tpu.memref_squeeze %dma_start3A_122 : memref<1x1x8x2048xf32, #tpu.memory_space<hbm>> -> memref<8x2048xf32, #tpu.memory_space<hbm>>
      %dma_start3A_124 = tpu.memref_reshape %arg2 : memref<2048x2048xf32, #tpu.memory_space<hbm>> -> memref<32x8x8x2048xf32, #tpu.memory_space<hbm>>
      %dma_start3A_125 = arith.constant 0 : i32
      %dma_start3A_126 = arith.constant 0 : i32
      %dma_start3A_127 = tpu.memref_slice %dma_start3A_124[%add3A, %run_scoped3A_112, %dma_start3A_125, %dma_start3A_126] : memref<32x8x8x2048xf32, #tpu.memory_space<hbm>> -> memref<1x1x8x2048xf32, #tpu.memory_space<hbm>>
      %dma_start3A_128 = tpu.memref_squeeze %dma_start3A_127 : memref<1x1x8x2048xf32, #tpu.memory_space<hbm>> -> memref<8x2048xf32, #tpu.memory_space<hbm>>
      tpu.enqueue_dma source(%arg3 : memref<8x2048xf32, #tpu.memory_space<vmem>>) target(%dma_start3A_128 : memref<8x2048xf32, #tpu.memory_space<hbm>>) target_semaphore(%run_scoped3A_119 : memref<!tpu.dma_semaphore, #tpu.memory_space<semaphore_mem>>)
      %dma_wait3A = tpu.memref_reshape %arg2 : memref<2048x2048xf32, #tpu.memory_space<hbm>> -> memref<32x8x8x2048xf32, #tpu.memory_space<hbm>>
      %dma_wait3A_129 = arith.constant 0 : i32
      %dma_wait3A_130 = arith.constant 0 : i32
      %dma_wait3A_131 = tpu.memref_slice %dma_wait3A[%add3A, %run_scoped3A_112, %dma_wait3A_129, %dma_wait3A_130] : memref<32x8x8x2048xf32, #tpu.memory_space<hbm>> -> memref<1x1x8x2048xf32, #tpu.memory_space<hbm>>
      %dma_wait3A_132 = tpu.memref_squeeze %dma_wait3A_131 : memref<1x1x8x2048xf32, #tpu.memory_space<hbm>> -> memref<8x2048xf32, #tpu.memory_space<hbm>>
      %dma_wait3A_133 = tpu.memref_reshape %arg2 : memref<2048x2048xf32, #tpu.memory_space<hbm>> -> memref<32x8x8x2048xf32, #tpu.memory_space<hbm>>
      %dma_wait3A_134 = arith.constant 0 : i32
      %dma_wait3A_135 = arith.constant 0 : i32
      %dma_wait3A_136 = tpu.memref_slice %dma_wait3A_133[%add3A, %run_scoped3A_112, %dma_wait3A_134, %dma_wait3A_135] : memref<32x8x8x2048xf32, #tpu.memory_space<hbm>> -> memref<1x1x8x2048xf32, #tpu.memory_space<hbm>>
      %dma_wait3A_137 = tpu.memref_squeeze %dma_wait3A_136 : memref<1x1x8x2048xf32, #tpu.memory_space<hbm>> -> memref<8x2048xf32, #tpu.memory_space<hbm>>
      tpu.wait_dma2 semaphore(%run_scoped3A_119 : memref<!tpu.dma_semaphore, #tpu.memory_space<semaphore_mem>>) src(%arg3 : memref<8x2048xf32, #tpu.memory_space<vmem>>) dst(%dma_wait3A_137 : memref<8x2048xf32, #tpu.memory_space<hbm>>)
      tpu.yield
    }) : () -> ()
    %run_scoped3A_113 = arith.constant 5 : i32
    "tpu.region"() ({
      %run_scoped3A_119 = tpu.sem_alloc : memref<!tpu.dma_semaphore, #tpu.memory_space<semaphore_mem>>
      %dma_start3A = tpu.memref_reshape %arg2 : memref<2048x2048xf32, #tpu.memory_space<hbm>> -> memref<32x8x8x2048xf32, #tpu.memory_space<hbm>>
      %dma_start3A_120 = arith.constant 0 : i32
      %dma_start3A_121 = arith.constant 0 : i32
      %dma_start3A_122 = tpu.memref_slice %dma_start3A[%add3A, %run_scoped3A_113, %dma_start3A_120, %dma_start3A_121] : memref<32x8x8x2048xf32, #tpu.memory_space<hbm>> -> memref<1x1x8x2048xf32, #tpu.memory_space<hbm>>
      %dma_start3A_123 = tpu.memref_squeeze %dma_start3A_122 : memref<1x1x8x2048xf32, #tpu.memory_space<hbm>> -> memref<8x2048xf32, #tpu.memory_space<hbm>>
      %dma_start3A_124 = tpu.memref_reshape %arg2 : memref<2048x2048xf32, #tpu.memory_space<hbm>> -> memref<32x8x8x2048xf32, #tpu.memory_space<hbm>>
      %dma_start3A_125 = arith.constant 0 : i32
      %dma_start3A_126 = arith.constant 0 : i32
      %dma_start3A_127 = tpu.memref_slice %dma_start3A_124[%add3A, %run_scoped3A_113, %dma_start3A_125, %dma_start3A_126] : memref<32x8x8x2048xf32, #tpu.memory_space<hbm>> -> memref<1x1x8x2048xf32, #tpu.memory_space<hbm>>
      %dma_start3A_128 = tpu.memref_squeeze %dma_start3A_127 : memref<1x1x8x2048xf32, #tpu.memory_space<hbm>> -> memref<8x2048xf32, #tpu.memory_space<hbm>>
      tpu.enqueue_dma source(%arg3 : memref<8x2048xf32, #tpu.memory_space<vmem>>) target(%dma_start3A_128 : memref<8x2048xf32, #tpu.memory_space<hbm>>) target_semaphore(%run_scoped3A_119 : memref<!tpu.dma_semaphore, #tpu.memory_space<semaphore_mem>>)
      %dma_wait3A = tpu.memref_reshape %arg2 : memref<2048x2048xf32, #tpu.memory_space<hbm>> -> memref<32x8x8x2048xf32, #tpu.memory_space<hbm>>
      %dma_wait3A_129 = arith.constant 0 : i32
      %dma_wait3A_130 = arith.constant 0 : i32
      %dma_wait3A_131 = tpu.memref_slice %dma_wait3A[%add3A, %run_scoped3A_113, %dma_wait3A_129, %dma_wait3A_130] : memref<32x8x8x2048xf32, #tpu.memory_space<hbm>> -> memref<1x1x8x2048xf32, #tpu.memory_space<hbm>>
      %dma_wait3A_132 = tpu.memref_squeeze %dma_wait3A_131 : memref<1x1x8x2048xf32, #tpu.memory_space<hbm>> -> memref<8x2048xf32, #tpu.memory_space<hbm>>
      %dma_wait3A_133 = tpu.memref_reshape %arg2 : memref<2048x2048xf32, #tpu.memory_space<hbm>> -> memref<32x8x8x2048xf32, #tpu.memory_space<hbm>>
      %dma_wait3A_134 = arith.constant 0 : i32
      %dma_wait3A_135 = arith.constant 0 : i32
      %dma_wait3A_136 = tpu.memref_slice %dma_wait3A_133[%add3A, %run_scoped3A_113, %dma_wait3A_134, %dma_wait3A_135] : memref<32x8x8x2048xf32, #tpu.memory_space<hbm>> -> memref<1x1x8x2048xf32, #tpu.memory_space<hbm>>
      %dma_wait3A_137 = tpu.memref_squeeze %dma_wait3A_136 : memref<1x1x8x2048xf32, #tpu.memory_space<hbm>> -> memref<8x2048xf32, #tpu.memory_space<hbm>>
      tpu.wait_dma2 semaphore(%run_scoped3A_119 : memref<!tpu.dma_semaphore, #tpu.memory_space<semaphore_mem>>) src(%arg3 : memref<8x2048xf32, #tpu.memory_space<vmem>>) dst(%dma_wait3A_137 : memref<8x2048xf32, #tpu.memory_space<hbm>>)
      tpu.yield
    }) : () -> ()
    %run_scoped3A_114 = arith.constant 6 : i32
    "tpu.region"() ({
      %run_scoped3A_119 = tpu.sem_alloc : memref<!tpu.dma_semaphore, #tpu.memory_space<semaphore_mem>>
      %dma_start3A = tpu.memref_reshape %arg2 : memref<2048x2048xf32, #tpu.memory_space<hbm>> -> memref<32x8x8x2048xf32, #tpu.memory_space<hbm>>
      %dma_start3A_120 = arith.constant 0 : i32
      %dma_start3A_121 = arith.constant 0 : i32
      %dma_start3A_122 = tpu.memref_slice %dma_start3A[%add3A, %run_scoped3A_114, %dma_start3A_120, %dma_start3A_121] : memref<32x8x8x2048xf32, #tpu.memory_space<hbm>> -> memref<1x1x8x2048xf32, #tpu.memory_space<hbm>>
      %dma_start3A_123 = tpu.memref_squeeze %dma_start3A_122 : memref<1x1x8x2048xf32, #tpu.memory_space<hbm>> -> memref<8x2048xf32, #tpu.memory_space<hbm>>
      %dma_start3A_124 = tpu.memref_reshape %arg2 : memref<2048x2048xf32, #tpu.memory_space<hbm>> -> memref<32x8x8x2048xf32, #tpu.memory_space<hbm>>
      %dma_start3A_125 = arith.constant 0 : i32
      %dma_start3A_126 = arith.constant 0 : i32
      %dma_start3A_127 = tpu.memref_slice %dma_start3A_124[%add3A, %run_scoped3A_114, %dma_start3A_125, %dma_start3A_126] : memref<32x8x8x2048xf32, #tpu.memory_space<hbm>> -> memref<1x1x8x2048xf32, #tpu.memory_space<hbm>>
      %dma_start3A_128 = tpu.memref_squeeze %dma_start3A_127 : memref<1x1x8x2048xf32, #tpu.memory_space<hbm>> -> memref<8x2048xf32, #tpu.memory_space<hbm>>
      tpu.enqueue_dma source(%arg3 : memref<8x2048xf32, #tpu.memory_space<vmem>>) target(%dma_start3A_128 : memref<8x2048xf32, #tpu.memory_space<hbm>>) target_semaphore(%run_scoped3A_119 : memref<!tpu.dma_semaphore, #tpu.memory_space<semaphore_mem>>)
      %dma_wait3A = tpu.memref_reshape %arg2 : memref<2048x2048xf32, #tpu.memory_space<hbm>> -> memref<32x8x8x2048xf32, #tpu.memory_space<hbm>>
      %dma_wait3A_129 = arith.constant 0 : i32
      %dma_wait3A_130 = arith.constant 0 : i32
      %dma_wait3A_131 = tpu.memref_slice %dma_wait3A[%add3A, %run_scoped3A_114, %dma_wait3A_129, %dma_wait3A_130] : memref<32x8x8x2048xf32, #tpu.memory_space<hbm>> -> memref<1x1x8x2048xf32, #tpu.memory_space<hbm>>
      %dma_wait3A_132 = tpu.memref_squeeze %dma_wait3A_131 : memref<1x1x8x2048xf32, #tpu.memory_space<hbm>> -> memref<8x2048xf32, #tpu.memory_space<hbm>>
      %dma_wait3A_133 = tpu.memref_reshape %arg2 : memref<2048x2048xf32, #tpu.memory_space<hbm>> -> memref<32x8x8x2048xf32, #tpu.memory_space<hbm>>
      %dma_wait3A_134 = arith.constant 0 : i32
      %dma_wait3A_135 = arith.constant 0 : i32
      %dma_wait3A_136 = tpu.memref_slice %dma_wait3A_133[%add3A, %run_scoped3A_114, %dma_wait3A_134, %dma_wait3A_135] : memref<32x8x8x2048xf32, #tpu.memory_space<hbm>> -> memref<1x1x8x2048xf32, #tpu.memory_space<hbm>>
      %dma_wait3A_137 = tpu.memref_squeeze %dma_wait3A_136 : memref<1x1x8x2048xf32, #tpu.memory_space<hbm>> -> memref<8x2048xf32, #tpu.memory_space<hbm>>
      tpu.wait_dma2 semaphore(%run_scoped3A_119 : memref<!tpu.dma_semaphore, #tpu.memory_space<semaphore_mem>>) src(%arg3 : memref<8x2048xf32, #tpu.memory_space<vmem>>) dst(%dma_wait3A_137 : memref<8x2048xf32, #tpu.memory_space<hbm>>)
      tpu.yield
    }) : () -> ()
    %run_scoped3A_115 = arith.constant 7 : i32
    "tpu.region"() ({
      %run_scoped3A_119 = tpu.sem_alloc : memref<!tpu.dma_semaphore, #tpu.memory_space<semaphore_mem>>
      %dma_start3A = tpu.memref_reshape %arg2 : memref<2048x2048xf32, #tpu.memory_space<hbm>> -> memref<32x8x8x2048xf32, #tpu.memory_space<hbm>>
      %dma_start3A_120 = arith.constant 0 : i32
      %dma_start3A_121 = arith.constant 0 : i32
      %dma_start3A_122 = tpu.memref_slice %dma_start3A[%add3A, %run_scoped3A_115, %dma_start3A_120, %dma_start3A_121] : memref<32x8x8x2048xf32, #tpu.memory_space<hbm>> -> memref<1x1x8x2048xf32, #tpu.memory_space<hbm>>
      %dma_start3A_123 = tpu.memref_squeeze %dma_start3A_122 : memref<1x1x8x2048xf32, #tpu.memory_space<hbm>> -> memref<8x2048xf32, #tpu.memory_space<hbm>>
      %dma_start3A_124 = tpu.memref_reshape %arg2 : memref<2048x2048xf32, #tpu.memory_space<hbm>> -> memref<32x8x8x2048xf32, #tpu.memory_space<hbm>>
      %dma_start3A_125 = arith.constant 0 : i32
      %dma_start3A_126 = arith.constant 0 : i32
      %dma_start3A_127 = tpu.memref_slice %dma_start3A_124[%add3A, %run_scoped3A_115, %dma_start3A_125, %dma_start3A_126] : memref<32x8x8x2048xf32, #tpu.memory_space<hbm>> -> memref<1x1x8x2048xf32, #tpu.memory_space<hbm>>
      %dma_start3A_128 = tpu.memref_squeeze %dma_start3A_127 : memref<1x1x8x2048xf32, #tpu.memory_space<hbm>> -> memref<8x2048xf32, #tpu.memory_space<hbm>>
      tpu.enqueue_dma source(%arg3 : memref<8x2048xf32, #tpu.memory_space<vmem>>) target(%dma_start3A_128 : memref<8x2048xf32, #tpu.memory_space<hbm>>) target_semaphore(%run_scoped3A_119 : memref<!tpu.dma_semaphore, #tpu.memory_space<semaphore_mem>>)
      %dma_wait3A = tpu.memref_reshape %arg2 : memref<2048x2048xf32, #tpu.memory_space<hbm>> -> memref<32x8x8x2048xf32, #tpu.memory_space<hbm>>
      %dma_wait3A_129 = arith.constant 0 : i32
      %dma_wait3A_130 = arith.constant 0 : i32
      %dma_wait3A_131 = tpu.memref_slice %dma_wait3A[%add3A, %run_scoped3A_115, %dma_wait3A_129, %dma_wait3A_130] : memref<32x8x8x2048xf32, #tpu.memory_space<hbm>> -> memref<1x1x8x2048xf32, #tpu.memory_space<hbm>>
      %dma_wait3A_132 = tpu.memref_squeeze %dma_wait3A_131 : memref<1x1x8x2048xf32, #tpu.memory_space<hbm>> -> memref<8x2048xf32, #tpu.memory_space<hbm>>
      %dma_wait3A_133 = tpu.memref_reshape %arg2 : memref<2048x2048xf32, #tpu.memory_space<hbm>> -> memref<32x8x8x2048xf32, #tpu.memory_space<hbm>>
      %dma_wait3A_134 = arith.constant 0 : i32
      %dma_wait3A_135 = arith.constant 0 : i32
      %dma_wait3A_136 = tpu.memref_slice %dma_wait3A_133[%add3A, %run_scoped3A_115, %dma_wait3A_134, %dma_wait3A_135] : memref<32x8x8x2048xf32, #tpu.memory_space<hbm>> -> memref<1x1x8x2048xf32, #tpu.memory_space<hbm>>
      %dma_wait3A_137 = tpu.memref_squeeze %dma_wait3A_136 : memref<1x1x8x2048xf32, #tpu.memory_space<hbm>> -> memref<8x2048xf32, #tpu.memory_space<hbm>>
      tpu.wait_dma2 semaphore(%run_scoped3A_119 : memref<!tpu.dma_semaphore, #tpu.memory_space<semaphore_mem>>) src(%arg3 : memref<8x2048xf32, #tpu.memory_space<vmem>>) dst(%dma_wait3A_137 : memref<8x2048xf32, #tpu.memory_space<hbm>>)
      tpu.yield
    }) : () -> ()
    %eq3A_116 = arith.constant 0 : i32
    %eq3A_117 = arith.cmpi eq, %add3A, %eq3A_116 : i32
    %convert_element_type3A = arith.extui %eq3A_117 : i1 to i32
    %cond3A = arith.constant 0 : i32
    %cond3A_118 = arith.cmpi ne, %convert_element_type3A, %cond3A : i32
    scf.if %cond3A_118 {
      %scan3A_119 = arith.constant 0 : i32
      %scan3A_120 = arith.constant 0 : i32
      %scan3A_121 = arith.constant 16 : i32
      %scan3A_122 = arith.addi %scan3A_120, %scan3A_121 : i32
      %scan3A_123 = arith.constant 1 : i32
      %scan3A_124 = scf.for %scan3A_127 = %scan3A_120 to %scan3A_122 step %scan3A_123 iter_args(%scan3A_128 = %scan3A_119) -> (i32)  : i32 {
        %broadcast_in_dim3A_129 = arith.constant 0.000000e+00 : f32
        %broadcast_in_dim3A_130 = vector.broadcast %broadcast_in_dim3A_129 : f32 to vector<16xf32>
        %mul3A_131 = arith.constant 128 : i32
        %mul3A_132 = arith.muli %scan3A_127, %mul3A_131 : i32
        %add3A_133 = arith.constant 0 : i32
        %add3A_134 = arith.addi %mul3A_132, %add3A_133 : i32
        %swap3A_135 = arith.index_cast %add3A_134 : i32 to index
        %swap3A_136 = tpu.vector_load %arg4[%swap3A_135] {strides = array<i32>} : memref<2048xf32, #tpu.memory_space<vmem>>, vector<16xf32>,
        %swap3A_137 = vector.shape_cast %swap3A_136 : vector<16xf32> to vector<16xf32>
        %swap3A_138 = vector.shape_cast %broadcast_in_dim3A_130 : vector<16xf32> to vector<16xf32>
        tpu.vector_store %arg4[%swap3A_135], %swap3A_138 {strides = array<i32>} : memref<2048xf32, #tpu.memory_space<vmem>>, vector<16xf32>,
        %broadcast_in_dim3A_139 = arith.constant 0.000000e+00 : f32
        %broadcast_in_dim3A_140 = vector.broadcast %broadcast_in_dim3A_139 : f32 to vector<16xf32>
        %mul3A_141 = arith.constant 128 : i32
        %mul3A_142 = arith.muli %scan3A_127, %mul3A_141 : i32
        %add3A_143 = arith.constant 16 : i32
        %add3A_144 = arith.addi %mul3A_142, %add3A_143 : i32
        %swap3A_145 = arith.index_cast %add3A_144 : i32 to index
        %swap3A_146 = tpu.vector_load %arg4[%swap3A_145] {strides = array<i32>} : memref<2048xf32, #tpu.memory_space<vmem>>, vector<16xf32>,
        %swap3A_147 = vector.shape_cast %swap3A_146 : vector<16xf32> to vector<16xf32>
        %swap3A_148 = vector.shape_cast %broadcast_in_dim3A_140 : vector<16xf32> to vector<16xf32>
        tpu.vector_store %arg4[%swap3A_145], %swap3A_148 {strides = array<i32>} : memref<2048xf32, #tpu.memory_space<vmem>>, vector<16xf32>,
        %broadcast_in_dim3A_149 = arith.constant 0.000000e+00 : f32
        %broadcast_in_dim3A_150 = vector.broadcast %broadcast_in_dim3A_149 : f32 to vector<16xf32>
        %mul3A_151 = arith.constant 128 : i32
        %mul3A_152 = arith.muli %scan3A_127, %mul3A_151 : i32
        %add3A_153 = arith.constant 32 : i32
        %add3A_154 = arith.addi %mul3A_152, %add3A_153 : i32
        %swap3A_155 = arith.index_cast %add3A_154 : i32 to index
        %swap3A_156 = tpu.vector_load %arg4[%swap3A_155] {strides = array<i32>} : memref<2048xf32, #tpu.memory_space<vmem>>, vector<16xf32>,
        %swap3A_157 = vector.shape_cast %swap3A_156 : vector<16xf32> to vector<16xf32>
        %swap3A_158 = vector.shape_cast %broadcast_in_dim3A_150 : vector<16xf32> to vector<16xf32>
        tpu.vector_store %arg4[%swap3A_155], %swap3A_158 {strides = array<i32>} : memref<2048xf32, #tpu.memory_space<vmem>>, vector<16xf32>,
        %broadcast_in_dim3A_159 = arith.constant 0.000000e+00 : f32
        %broadcast_in_dim3A_160 = vector.broadcast %broadcast_in_dim3A_159 : f32 to vector<16xf32>
        %mul3A_161 = arith.constant 128 : i32
        %mul3A_162 = arith.muli %scan3A_127, %mul3A_161 : i32
        %add3A_163 = arith.constant 48 : i32
        %add3A_164 = arith.addi %mul3A_162, %add3A_163 : i32
        %swap3A_165 = arith.index_cast %add3A_164 : i32 to index
        %swap3A_166 = tpu.vector_load %arg4[%swap3A_165] {strides = array<i32>} : memref<2048xf32, #tpu.memory_space<vmem>>, vector<16xf32>,
        %swap3A_167 = vector.shape_cast %swap3A_166 : vector<16xf32> to vector<16xf32>
        %swap3A_168 = vector.shape_cast %broadcast_in_dim3A_160 : vector<16xf32> to vector<16xf32>
        tpu.vector_store %arg4[%swap3A_165], %swap3A_168 {strides = array<i32>} : memref<2048xf32, #tpu.memory_space<vmem>>, vector<16xf32>,
        %broadcast_in_dim3A_169 = arith.constant 0.000000e+00 : f32
        %broadcast_in_dim3A_170 = vector.broadcast %broadcast_in_dim3A_169 : f32 to vector<16xf32>
        %mul3A_171 = arith.constant 128 : i32
        %mul3A_172 = arith.muli %scan3A_127, %mul3A_171 : i32
        %add3A_173 = arith.constant 64 : i32
        %add3A_174 = arith.addi %mul3A_172, %add3A_173 : i32
        %swap3A_175 = arith.index_cast %add3A_174 : i32 to index
        %swap3A_176 = tpu.vector_load %arg4[%swap3A_175] {strides = array<i32>} : memref<2048xf32, #tpu.memory_space<vmem>>, vector<16xf32>,
        %swap3A_177 = vector.shape_cast %swap3A_176 : vector<16xf32> to vector<16xf32>
        %swap3A_178 = vector.shape_cast %broadcast_in_dim3A_170 : vector<16xf32> to vector<16xf32>
        tpu.vector_store %arg4[%swap3A_175], %swap3A_178 {strides = array<i32>} : memref<2048xf32, #tpu.memory_space<vmem>>, vector<16xf32>,
        %broadcast_in_dim3A_179 = arith.constant 0.000000e+00 : f32
        %broadcast_in_dim3A_180 = vector.broadcast %broadcast_in_dim3A_179 : f32 to vector<16xf32>
        %mul3A_181 = arith.constant 128 : i32
        %mul3A_182 = arith.muli %scan3A_127, %mul3A_181 : i32
        %add3A_183 = arith.constant 80 : i32
        %add3A_184 = arith.addi %mul3A_182, %add3A_183 : i32
        %swap3A_185 = arith.index_cast %add3A_184 : i32 to index
        %swap3A_186 = tpu.vector_load %arg4[%swap3A_185] {strides = array<i32>} : memref<2048xf32, #tpu.memory_space<vmem>>, vector<16xf32>,
        %swap3A_187 = vector.shape_cast %swap3A_186 : vector<16xf32> to vector<16xf32>
        %swap3A_188 = vector.shape_cast %broadcast_in_dim3A_180 : vector<16xf32> to vector<16xf32>
        tpu.vector_store %arg4[%swap3A_185], %swap3A_188 {strides = array<i32>} : memref<2048xf32, #tpu.memory_space<vmem>>, vector<16xf32>,
        %broadcast_in_dim3A_189 = arith.constant 0.000000e+00 : f32
        %broadcast_in_dim3A_190 = vector.broadcast %broadcast_in_dim3A_189 : f32 to vector<16xf32>
        %mul3A_191 = arith.constant 128 : i32
        %mul3A_192 = arith.muli %scan3A_127, %mul3A_191 : i32
        %add3A_193 = arith.constant 96 : i32
        %add3A_194 = arith.addi %mul3A_192, %add3A_193 : i32
        %swap3A_195 = arith.index_cast %add3A_194 : i32 to index
        %swap3A_196 = tpu.vector_load %arg4[%swap3A_195] {strides = array<i32>} : memref<2048xf32, #tpu.memory_space<vmem>>, vector<16xf32>,
        %swap3A_197 = vector.shape_cast %swap3A_196 : vector<16xf32> to vector<16xf32>
        %swap3A_198 = vector.shape_cast %broadcast_in_dim3A_190 : vector<16xf32> to vector<16xf32>
        tpu.vector_store %arg4[%swap3A_195], %swap3A_198 {strides = array<i32>} : memref<2048xf32, #tpu.memory_space<vmem>>, vector<16xf32>,
        %broadcast_in_dim3A_199 = arith.constant 0.000000e+00 : f32
        %broadcast_in_dim3A_200 = vector.broadcast %broadcast_in_dim3A_199 : f32 to vector<16xf32>
        %mul3A_201 = arith.constant 128 : i32
        %mul3A_202 = arith.muli %scan3A_127, %mul3A_201 : i32
        %add3A_203 = arith.constant 112 : i32
        %add3A_204 = arith.addi %mul3A_202, %add3A_203 : i32
        %swap3A_205 = arith.index_cast %add3A_204 : i32 to index
        %swap3A_206 = tpu.vector_load %arg4[%swap3A_205] {strides = array<i32>} : memref<2048xf32, #tpu.memory_space<vmem>>, vector<16xf32>,
        %swap3A_207 = vector.shape_cast %swap3A_206 : vector<16xf32> to vector<16xf32>
        %swap3A_208 = vector.shape_cast %broadcast_in_dim3A_200 : vector<16xf32> to vector<16xf32>
        tpu.vector_store %arg4[%swap3A_205], %swap3A_208 {strides = array<i32>} : memref<2048xf32, #tpu.memory_space<vmem>>, vector<16xf32>,
        %scan3A_209 = arith.constant 0 : i32
        scf.yield %scan3A_209 : i32
      }
      %scan3A_125 = arith.constant 16 : i32
      %run_scoped3A_126 = arith.constant 0 : i32
      "tpu.region"() ({
        %run_scoped3A_127 = tpu.sem_alloc : memref<!tpu.dma_semaphore, #tpu.memory_space<semaphore_mem>>
        %dma_start3A = arith.constant 0 : i32
        %dma_start3A_128 = tpu.memref_slice %arg2[%run_scoped3A_126, %dma_start3A] : memref<2048x2048xf32, #tpu.memory_space<hbm>> -> memref<1x2048xf32, #tpu.memory_space<hbm>>
        %dma_start3A_129 = tpu.memref_squeeze %dma_start3A_128 : memref<1x2048xf32, #tpu.memory_space<hbm>> -> memref<2048xf32, #tpu.memory_space<hbm>>
        %dma_start3A_130 = arith.constant 0 : i32
        %dma_start3A_131 = tpu.memref_slice %arg2[%run_scoped3A_126, %dma_start3A_130] : memref<2048x2048xf32, #tpu.memory_space<hbm>> -> memref<1x2048xf32, #tpu.memory_space<hbm>>
        %dma_start3A_132 = tpu.memref_squeeze %dma_start3A_131 : memref<1x2048xf32, #tpu.memory_space<hbm>> -> memref<2048xf32, #tpu.memory_space<hbm>>
        tpu.enqueue_dma source(%arg4 : memref<2048xf32, #tpu.memory_space<vmem>>) target(%dma_start3A_132 : memref<2048xf32, #tpu.memory_space<hbm>>) target_semaphore(%run_scoped3A_127 : memref<!tpu.dma_semaphore, #tpu.memory_space<semaphore_mem>>)
        %dma_wait3A = arith.constant 0 : i32
        %dma_wait3A_133 = tpu.memref_slice %arg2[%run_scoped3A_126, %dma_wait3A] : memref<2048x2048xf32, #tpu.memory_space<hbm>> -> memref<1x2048xf32, #tpu.memory_space<hbm>>
        %dma_wait3A_134 = tpu.memref_squeeze %dma_wait3A_133 : memref<1x2048xf32, #tpu.memory_space<hbm>> -> memref<2048xf32, #tpu.memory_space<hbm>>
        %dma_wait3A_135 = arith.constant 0 : i32
        %dma_wait3A_136 = tpu.memref_slice %arg2[%run_scoped3A_126, %dma_wait3A_135] : memref<2048x2048xf32, #tpu.memory_space<hbm>> -> memref<1x2048xf32, #tpu.memory_space<hbm>>
        %dma_wait3A_137 = tpu.memref_squeeze %dma_wait3A_136 : memref<1x2048xf32, #tpu.memory_space<hbm>> -> memref<2048xf32, #tpu.memory_space<hbm>>
        tpu.wait_dma2 semaphore(%run_scoped3A_127 : memref<!tpu.dma_semaphore, #tpu.memory_space<semaphore_mem>>) src(%arg4 : memref<2048xf32, #tpu.memory_space<vmem>>) dst(%dma_wait3A_137 : memref<2048xf32, #tpu.memory_space<hbm>>)
        tpu.yield
      }) : () -> ()
    } else {
    }
    return
  }
}

module attributes {stable_mosaic.version = 14 : i64} {
  func.func @_ttm_kernel(%arg0: i32, %arg1: memref<1x2048x1xi8, #tpu.memory_space<vmem>>, %arg2: memref<1x1x2048xi8, #tpu.memory_space<vmem>>, %arg3: memref<1x2048x2048xi8, #tpu.memory_space<vmem>>) attributes {dimension_semantics = [#tpu.dimension_semantics<arbitrary>], iteration_bounds = array<i64: 4>, scalar_prefetch = 0 : i64, scratch_operands = 0 : i64, tpu.core_type = #tpu.core_type<tc>, window_params = [{transform_indices = @transform_0, window_bounds = array<i64: 1, 2048, 1>}, {transform_indices = @transform_1, window_bounds = array<i64: 1, 1, 2048>}, {transform_indices = @transform_2, window_bounds = array<i64: 1, 2048, 2048>}]} {
    %get3A = arith.constant 0 : index
    %get3A_0 = arith.constant 0 : index
    %get3A_1 = arith.constant 0 : index
    %get3A_2 = vector.load %arg1[%get3A, %get3A_0, %get3A_1] : memref<1x2048x1xi8, #tpu.memory_space<vmem>>, vector<1x2048x1xi8>
    %get3A_3 = vector.shape_cast %get3A_2 : vector<1x2048x1xi8> to vector<2048x1xi8>
    %get3A_4 = arith.constant 0 : index
    %get3A_5 = arith.constant 0 : index
    %get3A_6 = arith.constant 0 : index
    %get3A_7 = vector.load %arg2[%get3A_4, %get3A_5, %get3A_6] : memref<1x1x2048xi8, #tpu.memory_space<vmem>>, vector<1x1x2048xi8>
    %get3A_8 = vector.shape_cast %get3A_7 : vector<1x1x2048xi8> to vector<1x2048xi8>
    %eq3A = vector.broadcast %get3A_3 : vector<2048x1xi8> to vector<2048x2048xi8>
    %eq3A_9 = vector.broadcast %get3A_8 : vector<1x2048xi8> to vector<2048x2048xi8>
    %eq3A_10 = arith.cmpi eq, %eq3A, %eq3A_9 : vector<2048x2048xi8>
    %or3A = vector.broadcast %get3A_3 : vector<2048x1xi8> to vector<2048x2048xi8>
    %or3A_11 = vector.broadcast %get3A_8 : vector<1x2048xi8> to vector<2048x2048xi8>
    %or3A_12 = arith.ori %or3A, %or3A_11 : vector<2048x2048xi8>
    %and3A = arith.constant 2 : i8
    %and3A_13 = vector.broadcast %and3A : i8 to vector<2048x2048xi8>
    %and3A_14 = arith.andi %or3A_12, %and3A_13 : vector<2048x2048xi8>
    %ne3A = arith.constant 0 : i8
    %ne3A_15 = vector.broadcast %ne3A : i8 to vector<2048x2048xi8>
    %ne3A_16 = arith.cmpi ne, %and3A_14, %ne3A_15 : vector<2048x2048xi8>
    %or3A_17 = arith.ori %eq3A_10, %ne3A_16 : vector<2048x2048xi1>
    %convert_element_type3A = arith.extui %or3A_17 : vector<2048x2048xi1> to vector<2048x2048xi8>
    %swap3A = arith.constant 0 : index
    %swap3A_18 = arith.constant 0 : index
    %swap3A_19 = arith.constant 0 : index
    %swap3A_20 = vector.load %arg3[%swap3A, %swap3A_18, %swap3A_19] : memref<1x2048x2048xi8, #tpu.memory_space<vmem>>, vector<1x2048x2048xi8>
    %swap3A_21 = vector.shape_cast %swap3A_20 : vector<1x2048x2048xi8> to vector<2048x2048xi8>
    %swap3A_22 = vector.shape_cast %convert_element_type3A : vector<2048x2048xi8> to vector<1x2048x2048xi8>
    tpu.vector_store %arg3[%swap3A, %swap3A_18, %swap3A_19], %swap3A_22 {strides = array<i32>} : memref<1x2048x2048xi8, #tpu.memory_space<vmem>>, vector<1x2048x2048xi8>,
    return
  }
  func.func @transform_0(%arg0: i32) -> (i32, i32, i32) {
    %c0_i32 = arith.constant 0 : i32
    %c0_i32_0 = arith.constant 0 : i32
    %c0_i32_1 = arith.constant 0 : i32
    return %arg0, %c0_i32, %c0_i32_0 : i32, i32, i32
  }
  func.func @transform_1(%arg0: i32) -> (i32, i32, i32) {
    %c0_i32 = arith.constant 0 : i32
    %c0_i32_0 = arith.constant 0 : i32
    %c0_i32_1 = arith.constant 0 : i32
    return %arg0, %c0_i32, %c0_i32_0 : i32, i32, i32
  }
  func.func @transform_2(%arg0: i32) -> (i32, i32, i32) {
    %c0_i32 = arith.constant 0 : i32
    %c0_i32_0 = arith.constant 0 : i32
    %c0_i32_1 = arith.constant 0 : i32
    return %arg0, %c0_i32, %c0_i32_0 : i32, i32, i32
  }
}

module attributes {stable_mosaic.version = 14 : i64} {
  func.func @_const_kernel(%arg0: i32, %arg1: memref<1x512xf32, #tpu.memory_space<vmem>>, %arg2: memref<8x512xf32, #tpu.memory_space<vmem>>, %arg3: memref<8x512xf32, #tpu.memory_space<vmem>>, %arg4: memref<512x1024xf32, #tpu.memory_space<vmem>>, %arg5: memref<512x1024xf32, #tpu.memory_space<vmem>>, %arg6: memref<512x1024xf32, #tpu.memory_space<vmem>>, %arg7: memref<512x1024xf32, #tpu.memory_space<vmem>>, %arg8: memref<512x1024xf32, #tpu.memory_space<vmem>>) attributes {dimension_semantics = [#tpu.dimension_semantics<arbitrary>], iteration_bounds = array<i64: 26>, scalar_prefetch = 0 : i64, scratch_operands = 0 : i64, tpu.core_type = #tpu.core_type<tc>, window_params = [{pipeline_mode = #tpu.pipeline_mode<synchronous>, transform_indices = @transform_0, window_bounds = array<i64: 1, 512>}, {pipeline_mode = #tpu.pipeline_mode<synchronous>, transform_indices = @transform_1, window_bounds = array<i64: 8, 512>}, {pipeline_mode = #tpu.pipeline_mode<synchronous>, transform_indices = @transform_2, window_bounds = array<i64: 8, 512>}, {transform_indices = @transform_3, window_bounds = array<i64: 512, 1024>}, {transform_indices = @transform_4, window_bounds = array<i64: 512, 1024>}, {transform_indices = @transform_5, window_bounds = array<i64: 512, 1024>}, {transform_indices = @transform_6, window_bounds = array<i64: 512, 1024>}, {transform_indices = @transform_7, window_bounds = array<i64: 512, 1024>}]} {
    %ge3A = arith.constant 0 : i32
    %ge3A_0 = arith.cmpi sge, %arg0, %ge3A : i32
    %lt3A = arith.constant 8 : i32
    %lt3A_1 = arith.cmpi slt, %arg0, %lt3A : i32
    %and3A = arith.andi %ge3A_0, %lt3A_1 : i1
    %convert_element_type3A = arith.extui %and3A : i1 to i32
    %cond3A = arith.constant 0 : i32
    %cond3A_2 = arith.cmpi ne, %convert_element_type3A, %cond3A : i32
    scf.if %cond3A_2 {
      %sub3A = arith.constant 0 : i32
      %sub3A_35 = arith.subi %arg0, %sub3A : i32
      %iota3A = tpu.iota {dimensions = array<i32: 0>} : vector<8x1xi32>
      %convert_element_type3A_36 = arith.sitofp %iota3A : vector<8x1xi32> to vector<8x1xf32>
      %convert_element_type3A_37 = arith.sitofp %sub3A_35 : i32 to f32
      %mul3A = arith.constant 1.000000e+00 : f32
      %mul3A_38 = arith.mulf %mul3A, %convert_element_type3A_37 : f32
      %mul3A_39 = arith.constant 5.120000e+02 : f32
      %mul3A_40 = arith.mulf %mul3A_38, %mul3A_39 : f32
      %sub3A_41 = arith.constant 2.048000e+03 : f32
      %sub3A_42 = arith.subf %sub3A_41, %mul3A_40 : f32
      %mul3A_43 = arith.constant 1.000000e+00 : f32
      %mul3A_44 = vector.broadcast %mul3A_43 : f32 to vector<8x1xf32>
      %mul3A_45 = arith.mulf %mul3A_44, %convert_element_type3A_36 : vector<8x1xf32>
      %sub3A_46 = vector.broadcast %sub3A_42 : f32 to vector<8x1xf32>
      %sub3A_47 = arith.subf %sub3A_46, %mul3A_45 : vector<8x1xf32>
      %get3A = arith.constant 0 : index
      %get3A_48 = arith.constant 0 : index
      %get3A_49 = vector.load %arg1[%get3A, %get3A_48] : memref<1x512xf32, #tpu.memory_space<vmem>>, vector<1x512xf32>
      %mul3A_50 = vector.broadcast %sub3A_47 : vector<8x1xf32> to vector<8x512xf32>
      %mul3A_51 = vector.broadcast %get3A_49 : vector<1x512xf32> to vector<8x512xf32>
      %mul3A_52 = arith.mulf %mul3A_50, %mul3A_51 : vector<8x512xf32>
      %sin3A = math.sin %mul3A_52 : vector<8x512xf32>
      %swap3A = arith.constant 0 : index
      %swap3A_53 = arith.constant 0 : index
      %swap3A_54 = vector.load %arg4[%swap3A, %swap3A_53] : memref<512x1024xf32, #tpu.memory_space<vmem>>, vector<8x512xf32>
      tpu.vector_store %arg4[%swap3A, %swap3A_53], %sin3A {strides = array<i32>} : memref<512x1024xf32, #tpu.memory_space<vmem>>, vector<8x512xf32>,
      %cos3A = math.cos %mul3A_52 : vector<8x512xf32>
      %swap3A_55 = arith.constant 0 : index
      %swap3A_56 = arith.constant 512 : index
      %swap3A_57 = vector.load %arg4[%swap3A_55, %swap3A_56] : memref<512x1024xf32, #tpu.memory_space<vmem>>, vector<8x512xf32>
      tpu.vector_store %arg4[%swap3A_55, %swap3A_56], %cos3A {strides = array<i32>} : memref<512x1024xf32, #tpu.memory_space<vmem>>, vector<8x512xf32>,
      %get3A_58 = arith.constant 0 : index
      %get3A_59 = arith.constant 0 : index
      %get3A_60 = vector.load %arg4[%get3A_58, %get3A_59] : memref<512x1024xf32, #tpu.memory_space<vmem>>, vector<8x512xf32>
      %get3A_61 = arith.constant 0 : index
      %get3A_62 = arith.constant 512 : index
      %get3A_63 = vector.load %arg4[%get3A_61, %get3A_62] : memref<512x1024xf32, #tpu.memory_space<vmem>>, vector<8x512xf32>
      %get3A_64 = arith.constant 0 : index
      %get3A_65 = arith.constant 0 : index
      %get3A_66 = vector.load %arg2[%get3A_64, %get3A_65] : memref<8x512xf32, #tpu.memory_space<vmem>>, vector<1x512xf32>
      %get3A_67 = arith.constant 0 : index
      %get3A_68 = arith.constant 0 : index
      %get3A_69 = vector.load %arg3[%get3A_67, %get3A_68] : memref<8x512xf32, #tpu.memory_space<vmem>>, vector<1x512xf32>
      %mul3A_70 = vector.broadcast %get3A_66 : vector<1x512xf32> to vector<8x512xf32>
      %mul3A_71 = arith.mulf %get3A_60, %mul3A_70 : vector<8x512xf32>
      %mul3A_72 = vector.broadcast %get3A_69 : vector<1x512xf32> to vector<8x512xf32>
      %mul3A_73 = arith.mulf %get3A_63, %mul3A_72 : vector<8x512xf32>
      %sub3A_74 = arith.subf %mul3A_71, %mul3A_73 : vector<8x512xf32>
      %swap3A_75 = arith.constant 8 : index
      %swap3A_76 = arith.constant 0 : index
      %swap3A_77 = vector.load %arg4[%swap3A_75, %swap3A_76] : memref<512x1024xf32, #tpu.memory_space<vmem>>, vector<8x512xf32>
      tpu.vector_store %arg4[%swap3A_75, %swap3A_76], %sub3A_74 {strides = array<i32>} : memref<512x1024xf32, #tpu.memory_space<vmem>>, vector<8x512xf32>,
      %mul3A_78 = vector.broadcast %get3A_66 : vector<1x512xf32> to vector<8x512xf32>
      %mul3A_79 = arith.mulf %get3A_63, %mul3A_78 : vector<8x512xf32>
      %mul3A_80 = vector.broadcast %get3A_69 : vector<1x512xf32> to vector<8x512xf32>
      %mul3A_81 = arith.mulf %get3A_60, %mul3A_80 : vector<8x512xf32>
      %add3A = arith.addf %mul3A_79, %mul3A_81 : vector<8x512xf32>
      %swap3A_82 = arith.constant 8 : index
      %swap3A_83 = arith.constant 512 : index
      %swap3A_84 = vector.load %arg4[%swap3A_82, %swap3A_83] : memref<512x1024xf32, #tpu.memory_space<vmem>>, vector<8x512xf32>
      tpu.vector_store %arg4[%swap3A_82, %swap3A_83], %add3A {strides = array<i32>} : memref<512x1024xf32, #tpu.memory_space<vmem>>, vector<8x512xf32>,
      %get3A_85 = arith.constant 0 : index
      %get3A_86 = arith.constant 0 : index
      %get3A_87 = vector.load %arg4[%get3A_85, %get3A_86] : memref<512x1024xf32, #tpu.memory_space<vmem>>, vector<16x512xf32>
      %get3A_88 = arith.constant 0 : index
      %get3A_89 = arith.constant 512 : index
      %get3A_90 = vector.load %arg4[%get3A_88, %get3A_89] : memref<512x1024xf32, #tpu.memory_space<vmem>>, vector<16x512xf32>
      %get3A_91 = arith.constant 1 : index
      %get3A_92 = arith.constant 0 : index
      %get3A_93 = vector.load %arg2[%get3A_91, %get3A_92] : memref<8x512xf32, #tpu.memory_space<vmem>>, vector<1x512xf32>
      %get3A_94 = arith.constant 1 : index
      %get3A_95 = arith.constant 0 : index
      %get3A_96 = vector.load %arg3[%get3A_94, %get3A_95] : memref<8x512xf32, #tpu.memory_space<vmem>>, vector<1x512xf32>
      %mul3A_97 = vector.broadcast %get3A_93 : vector<1x512xf32> to vector<16x512xf32>
      %mul3A_98 = arith.mulf %get3A_87, %mul3A_97 : vector<16x512xf32>
      %mul3A_99 = vector.broadcast %get3A_96 : vector<1x512xf32> to vector<16x512xf32>
      %mul3A_100 = arith.mulf %get3A_90, %mul3A_99 : vector<16x512xf32>
      %sub3A_101 = arith.subf %mul3A_98, %mul3A_100 : vector<16x512xf32>
      %swap3A_102 = arith.constant 16 : index
      %swap3A_103 = arith.constant 0 : index
      %swap3A_104 = vector.load %arg4[%swap3A_102, %swap3A_103] : memref<512x1024xf32, #tpu.memory_space<vmem>>, vector<16x512xf32>
      tpu.vector_store %arg4[%swap3A_102, %swap3A_103], %sub3A_101 {strides = array<i32>} : memref<512x1024xf32, #tpu.memory_space<vmem>>, vector<16x512xf32>,
      %mul3A_105 = vector.broadcast %get3A_93 : vector<1x512xf32> to vector<16x512xf32>
      %mul3A_106 = arith.mulf %get3A_90, %mul3A_105 : vector<16x512xf32>
      %mul3A_107 = vector.broadcast %get3A_96 : vector<1x512xf32> to vector<16x512xf32>
      %mul3A_108 = arith.mulf %get3A_87, %mul3A_107 : vector<16x512xf32>
      %add3A_109 = arith.addf %mul3A_106, %mul3A_108 : vector<16x512xf32>
      %swap3A_110 = arith.constant 16 : index
      %swap3A_111 = arith.constant 512 : index
      %swap3A_112 = vector.load %arg4[%swap3A_110, %swap3A_111] : memref<512x1024xf32, #tpu.memory_space<vmem>>, vector<16x512xf32>
      tpu.vector_store %arg4[%swap3A_110, %swap3A_111], %add3A_109 {strides = array<i32>} : memref<512x1024xf32, #tpu.memory_space<vmem>>, vector<16x512xf32>,
      %get3A_113 = arith.constant 0 : index
      %get3A_114 = arith.constant 0 : index
      %get3A_115 = vector.load %arg4[%get3A_113, %get3A_114] : memref<512x1024xf32, #tpu.memory_space<vmem>>, vector<32x512xf32>
      %get3A_116 = arith.constant 0 : index
      %get3A_117 = arith.constant 512 : index
      %get3A_118 = vector.load %arg4[%get3A_116, %get3A_117] : memref<512x1024xf32, #tpu.memory_space<vmem>>, vector<32x512xf32>
      %get3A_119 = arith.constant 2 : index
      %get3A_120 = arith.constant 0 : index
      %get3A_121 = vector.load %arg2[%get3A_119, %get3A_120] : memref<8x512xf32, #tpu.memory_space<vmem>>, vector<1x512xf32>
      %get3A_122 = arith.constant 2 : index
      %get3A_123 = arith.constant 0 : index
      %get3A_124 = vector.load %arg3[%get3A_122, %get3A_123] : memref<8x512xf32, #tpu.memory_space<vmem>>, vector<1x512xf32>
      %mul3A_125 = vector.broadcast %get3A_121 : vector<1x512xf32> to vector<32x512xf32>
      %mul3A_126 = arith.mulf %get3A_115, %mul3A_125 : vector<32x512xf32>
      %mul3A_127 = vector.broadcast %get3A_124 : vector<1x512xf32> to vector<32x512xf32>
      %mul3A_128 = arith.mulf %get3A_118, %mul3A_127 : vector<32x512xf32>
      %sub3A_129 = arith.subf %mul3A_126, %mul3A_128 : vector<32x512xf32>
      %swap3A_130 = arith.constant 32 : index
      %swap3A_131 = arith.constant 0 : index
      %swap3A_132 = vector.load %arg4[%swap3A_130, %swap3A_131] : memref<512x1024xf32, #tpu.memory_space<vmem>>, vector<32x512xf32>
      tpu.vector_store %arg4[%swap3A_130, %swap3A_131], %sub3A_129 {strides = array<i32>} : memref<512x1024xf32, #tpu.memory_space<vmem>>, vector<32x512xf32>,
      %mul3A_133 = vector.broadcast %get3A_121 : vector<1x512xf32> to vector<32x512xf32>
      %mul3A_134 = arith.mulf %get3A_118, %mul3A_133 : vector<32x512xf32>
      %mul3A_135 = vector.broadcast %get3A_124 : vector<1x512xf32> to vector<32x512xf32>
      %mul3A_136 = arith.mulf %get3A_115, %mul3A_135 : vector<32x512xf32>
      %add3A_137 = arith.addf %mul3A_134, %mul3A_136 : vector<32x512xf32>
      %swap3A_138 = arith.constant 32 : index
      %swap3A_139 = arith.constant 512 : index
      %swap3A_140 = vector.load %arg4[%swap3A_138, %swap3A_139] : memref<512x1024xf32, #tpu.memory_space<vmem>>, vector<32x512xf32>
      tpu.vector_store %arg4[%swap3A_138, %swap3A_139], %add3A_137 {strides = array<i32>} : memref<512x1024xf32, #tpu.memory_space<vmem>>, vector<32x512xf32>,
      %get3A_141 = arith.constant 0 : index
      %get3A_142 = arith.constant 0 : index
      %get3A_143 = vector.load %arg4[%get3A_141, %get3A_142] : memref<512x1024xf32, #tpu.memory_space<vmem>>, vector<64x512xf32>
      %get3A_144 = arith.constant 0 : index
      %get3A_145 = arith.constant 512 : index
      %get3A_146 = vector.load %arg4[%get3A_144, %get3A_145] : memref<512x1024xf32, #tpu.memory_space<vmem>>, vector<64x512xf32>
      %get3A_147 = arith.constant 3 : index
      %get3A_148 = arith.constant 0 : index
      %get3A_149 = vector.load %arg2[%get3A_147, %get3A_148] : memref<8x512xf32, #tpu.memory_space<vmem>>, vector<1x512xf32>
      %get3A_150 = arith.constant 3 : index
      %get3A_151 = arith.constant 0 : index
      %get3A_152 = vector.load %arg3[%get3A_150, %get3A_151] : memref<8x512xf32, #tpu.memory_space<vmem>>, vector<1x512xf32>
      %mul3A_153 = vector.broadcast %get3A_149 : vector<1x512xf32> to vector<64x512xf32>
      %mul3A_154 = arith.mulf %get3A_143, %mul3A_153 : vector<64x512xf32>
      %mul3A_155 = vector.broadcast %get3A_152 : vector<1x512xf32> to vector<64x512xf32>
      %mul3A_156 = arith.mulf %get3A_146, %mul3A_155 : vector<64x512xf32>
      %sub3A_157 = arith.subf %mul3A_154, %mul3A_156 : vector<64x512xf32>
      %swap3A_158 = arith.constant 64 : index
      %swap3A_159 = arith.constant 0 : index
      %swap3A_160 = vector.load %arg4[%swap3A_158, %swap3A_159] : memref<512x1024xf32, #tpu.memory_space<vmem>>, vector<64x512xf32>
      tpu.vector_store %arg4[%swap3A_158, %swap3A_159], %sub3A_157 {strides = array<i32>} : memref<512x1024xf32, #tpu.memory_space<vmem>>, vector<64x512xf32>,
      %mul3A_161 = vector.broadcast %get3A_149 : vector<1x512xf32> to vector<64x512xf32>
      %mul3A_162 = arith.mulf %get3A_146, %mul3A_161 : vector<64x512xf32>
      %mul3A_163 = vector.broadcast %get3A_152 : vector<1x512xf32> to vector<64x512xf32>
      %mul3A_164 = arith.mulf %get3A_143, %mul3A_163 : vector<64x512xf32>
      %add3A_165 = arith.addf %mul3A_162, %mul3A_164 : vector<64x512xf32>
      %swap3A_166 = arith.constant 64 : index
      %swap3A_167 = arith.constant 512 : index
      %swap3A_168 = vector.load %arg4[%swap3A_166, %swap3A_167] : memref<512x1024xf32, #tpu.memory_space<vmem>>, vector<64x512xf32>
      tpu.vector_store %arg4[%swap3A_166, %swap3A_167], %add3A_165 {strides = array<i32>} : memref<512x1024xf32, #tpu.memory_space<vmem>>, vector<64x512xf32>,
      %get3A_169 = arith.constant 0 : index
      %get3A_170 = arith.constant 0 : index
      %get3A_171 = vector.load %arg4[%get3A_169, %get3A_170] : memref<512x1024xf32, #tpu.memory_space<vmem>>, vector<128x512xf32>
      %get3A_172 = arith.constant 0 : index
      %get3A_173 = arith.constant 512 : index
      %get3A_174 = vector.load %arg4[%get3A_172, %get3A_173] : memref<512x1024xf32, #tpu.memory_space<vmem>>, vector<128x512xf32>
      %get3A_175 = arith.constant 4 : index
      %get3A_176 = arith.constant 0 : index
      %get3A_177 = vector.load %arg2[%get3A_175, %get3A_176] : memref<8x512xf32, #tpu.memory_space<vmem>>, vector<1x512xf32>
      %get3A_178 = arith.constant 4 : index
      %get3A_179 = arith.constant 0 : index
      %get3A_180 = vector.load %arg3[%get3A_178, %get3A_179] : memref<8x512xf32, #tpu.memory_space<vmem>>, vector<1x512xf32>
      %mul3A_181 = vector.broadcast %get3A_177 : vector<1x512xf32> to vector<128x512xf32>
      %mul3A_182 = arith.mulf %get3A_171, %mul3A_181 : vector<128x512xf32>
      %mul3A_183 = vector.broadcast %get3A_180 : vector<1x512xf32> to vector<128x512xf32>
      %mul3A_184 = arith.mulf %get3A_174, %mul3A_183 : vector<128x512xf32>
      %sub3A_185 = arith.subf %mul3A_182, %mul3A_184 : vector<128x512xf32>
      %swap3A_186 = arith.constant 128 : index
      %swap3A_187 = arith.constant 0 : index
      %swap3A_188 = vector.load %arg4[%swap3A_186, %swap3A_187] : memref<512x1024xf32, #tpu.memory_space<vmem>>, vector<128x512xf32>
      tpu.vector_store %arg4[%swap3A_186, %swap3A_187], %sub3A_185 {strides = array<i32>} : memref<512x1024xf32, #tpu.memory_space<vmem>>, vector<128x512xf32>,
      %mul3A_189 = vector.broadcast %get3A_177 : vector<1x512xf32> to vector<128x512xf32>
      %mul3A_190 = arith.mulf %get3A_174, %mul3A_189 : vector<128x512xf32>
      %mul3A_191 = vector.broadcast %get3A_180 : vector<1x512xf32> to vector<128x512xf32>
      %mul3A_192 = arith.mulf %get3A_171, %mul3A_191 : vector<128x512xf32>
      %add3A_193 = arith.addf %mul3A_190, %mul3A_192 : vector<128x512xf32>
      %swap3A_194 = arith.constant 128 : index
      %swap3A_195 = arith.constant 512 : index
      %swap3A_196 = vector.load %arg4[%swap3A_194, %swap3A_195] : memref<512x1024xf32, #tpu.memory_space<vmem>>, vector<128x512xf32>
      tpu.vector_store %arg4[%swap3A_194, %swap3A_195], %add3A_193 {strides = array<i32>} : memref<512x1024xf32, #tpu.memory_space<vmem>>, vector<128x512xf32>,
      %get3A_197 = arith.constant 0 : index
      %get3A_198 = arith.constant 0 : index
      %get3A_199 = vector.load %arg4[%get3A_197, %get3A_198] : memref<512x1024xf32, #tpu.memory_space<vmem>>, vector<256x512xf32>
      %get3A_200 = arith.constant 0 : index
      %get3A_201 = arith.constant 512 : index
      %get3A_202 = vector.load %arg4[%get3A_200, %get3A_201] : memref<512x1024xf32, #tpu.memory_space<vmem>>, vector<256x512xf32>
      %get3A_203 = arith.constant 5 : index
      %get3A_204 = arith.constant 0 : index
      %get3A_205 = vector.load %arg2[%get3A_203, %get3A_204] : memref<8x512xf32, #tpu.memory_space<vmem>>, vector<1x512xf32>
      %get3A_206 = arith.constant 5 : index
      %get3A_207 = arith.constant 0 : index
      %get3A_208 = vector.load %arg3[%get3A_206, %get3A_207] : memref<8x512xf32, #tpu.memory_space<vmem>>, vector<1x512xf32>
      %mul3A_209 = vector.broadcast %get3A_205 : vector<1x512xf32> to vector<256x512xf32>
      %mul3A_210 = arith.mulf %get3A_199, %mul3A_209 : vector<256x512xf32>
      %mul3A_211 = vector.broadcast %get3A_208 : vector<1x512xf32> to vector<256x512xf32>
      %mul3A_212 = arith.mulf %get3A_202, %mul3A_211 : vector<256x512xf32>
      %sub3A_213 = arith.subf %mul3A_210, %mul3A_212 : vector<256x512xf32>
      %swap3A_214 = arith.constant 256 : index
      %swap3A_215 = arith.constant 0 : index
      %swap3A_216 = vector.load %arg4[%swap3A_214, %swap3A_215] : memref<512x1024xf32, #tpu.memory_space<vmem>>, vector<256x512xf32>
      tpu.vector_store %arg4[%swap3A_214, %swap3A_215], %sub3A_213 {strides = array<i32>} : memref<512x1024xf32, #tpu.memory_space<vmem>>, vector<256x512xf32>,
      %mul3A_217 = vector.broadcast %get3A_205 : vector<1x512xf32> to vector<256x512xf32>
      %mul3A_218 = arith.mulf %get3A_202, %mul3A_217 : vector<256x512xf32>
      %mul3A_219 = vector.broadcast %get3A_208 : vector<1x512xf32> to vector<256x512xf32>
      %mul3A_220 = arith.mulf %get3A_199, %mul3A_219 : vector<256x512xf32>
      %add3A_221 = arith.addf %mul3A_218, %mul3A_220 : vector<256x512xf32>
      %swap3A_222 = arith.constant 256 : index
      %swap3A_223 = arith.constant 512 : index
      %swap3A_224 = vector.load %arg4[%swap3A_222, %swap3A_223] : memref<512x1024xf32, #tpu.memory_space<vmem>>, vector<256x512xf32>
      tpu.vector_store %arg4[%swap3A_222, %swap3A_223], %add3A_221 {strides = array<i32>} : memref<512x1024xf32, #tpu.memory_space<vmem>>, vector<256x512xf32>,
    } else {
    }
    %ge3A_3 = arith.constant 8 : i32
    %ge3A_4 = arith.cmpi sge, %arg0, %ge3A_3 : i32
    %lt3A_5 = arith.constant 12 : i32
    %lt3A_6 = arith.cmpi slt, %arg0, %lt3A_5 : i32
    %and3A_7 = arith.andi %ge3A_4, %lt3A_6 : i1
    %convert_element_type3A_8 = arith.extui %and3A_7 : i1 to i32
    %cond3A_9 = arith.constant 0 : i32
    %cond3A_10 = arith.cmpi ne, %convert_element_type3A_8, %cond3A_9 : i32
    scf.if %cond3A_10 {
      %sub3A = arith.constant 8 : i32
      %sub3A_35 = arith.subi %arg0, %sub3A : i32
      %iota3A = tpu.iota {dimensions = array<i32: 0>} : vector<8x1xi32>
      %convert_element_type3A_36 = arith.sitofp %iota3A : vector<8x1xi32> to vector<8x1xf32>
      %convert_element_type3A_37 = arith.sitofp %sub3A_35 : i32 to f32
      %mul3A = arith.constant 2.000000e+00 : f32
      %mul3A_38 = arith.mulf %mul3A, %convert_element_type3A_37 : f32
      %mul3A_39 = arith.constant 5.120000e+02 : f32
      %mul3A_40 = arith.mulf %mul3A_38, %mul3A_39 : f32
      %sub3A_41 = arith.constant 2.048000e+03 : f32
      %sub3A_42 = arith.subf %sub3A_41, %mul3A_40 : f32
      %mul3A_43 = arith.constant 2.000000e+00 : f32
      %mul3A_44 = vector.broadcast %mul3A_43 : f32 to vector<8x1xf32>
      %mul3A_45 = arith.mulf %mul3A_44, %convert_element_type3A_36 : vector<8x1xf32>
      %sub3A_46 = vector.broadcast %sub3A_42 : f32 to vector<8x1xf32>
      %sub3A_47 = arith.subf %sub3A_46, %mul3A_45 : vector<8x1xf32>
      %get3A = arith.constant 0 : index
      %get3A_48 = arith.constant 0 : index
      %get3A_49 = vector.load %arg1[%get3A, %get3A_48] : memref<1x512xf32, #tpu.memory_space<vmem>>, vector<1x512xf32>
      %mul3A_50 = vector.broadcast %sub3A_47 : vector<8x1xf32> to vector<8x512xf32>
      %mul3A_51 = vector.broadcast %get3A_49 : vector<1x512xf32> to vector<8x512xf32>
      %mul3A_52 = arith.mulf %mul3A_50, %mul3A_51 : vector<8x512xf32>
      %sin3A = math.sin %mul3A_52 : vector<8x512xf32>
      %swap3A = arith.constant 0 : index
      %swap3A_53 = arith.constant 0 : index
      %swap3A_54 = vector.load %arg5[%swap3A, %swap3A_53] : memref<512x1024xf32, #tpu.memory_space<vmem>>, vector<8x512xf32>
      tpu.vector_store %arg5[%swap3A, %swap3A_53], %sin3A {strides = array<i32>} : memref<512x1024xf32, #tpu.memory_space<vmem>>, vector<8x512xf32>,
      %cos3A = math.cos %mul3A_52 : vector<8x512xf32>
      %swap3A_55 = arith.constant 0 : index
      %swap3A_56 = arith.constant 512 : index
      %swap3A_57 = vector.load %arg5[%swap3A_55, %swap3A_56] : memref<512x1024xf32, #tpu.memory_space<vmem>>, vector<8x512xf32>
      tpu.vector_store %arg5[%swap3A_55, %swap3A_56], %cos3A {strides = array<i32>} : memref<512x1024xf32, #tpu.memory_space<vmem>>, vector<8x512xf32>,
      %get3A_58 = arith.constant 0 : index
      %get3A_59 = arith.constant 0 : index
      %get3A_60 = vector.load %arg5[%get3A_58, %get3A_59] : memref<512x1024xf32, #tpu.memory_space<vmem>>, vector<8x512xf32>
      %get3A_61 = arith.constant 0 : index
      %get3A_62 = arith.constant 512 : index
      %get3A_63 = vector.load %arg5[%get3A_61, %get3A_62] : memref<512x1024xf32, #tpu.memory_space<vmem>>, vector<8x512xf32>
      %get3A_64 = arith.constant 1 : index
      %get3A_65 = arith.constant 0 : index
      %get3A_66 = vector.load %arg2[%get3A_64, %get3A_65] : memref<8x512xf32, #tpu.memory_space<vmem>>, vector<1x512xf32>
      %get3A_67 = arith.constant 1 : index
      %get3A_68 = arith.constant 0 : index
      %get3A_69 = vector.load %arg3[%get3A_67, %get3A_68] : memref<8x512xf32, #tpu.memory_space<vmem>>, vector<1x512xf32>
      %mul3A_70 = vector.broadcast %get3A_66 : vector<1x512xf32> to vector<8x512xf32>
      %mul3A_71 = arith.mulf %get3A_60, %mul3A_70 : vector<8x512xf32>
      %mul3A_72 = vector.broadcast %get3A_69 : vector<1x512xf32> to vector<8x512xf32>
      %mul3A_73 = arith.mulf %get3A_63, %mul3A_72 : vector<8x512xf32>
      %sub3A_74 = arith.subf %mul3A_71, %mul3A_73 : vector<8x512xf32>
      %swap3A_75 = arith.constant 8 : index
      %swap3A_76 = arith.constant 0 : index
      %swap3A_77 = vector.load %arg5[%swap3A_75, %swap3A_76] : memref<512x1024xf32, #tpu.memory_space<vmem>>, vector<8x512xf32>
      tpu.vector_store %arg5[%swap3A_75, %swap3A_76], %sub3A_74 {strides = array<i32>} : memref<512x1024xf32, #tpu.memory_space<vmem>>, vector<8x512xf32>,
      %mul3A_78 = vector.broadcast %get3A_66 : vector<1x512xf32> to vector<8x512xf32>
      %mul3A_79 = arith.mulf %get3A_63, %mul3A_78 : vector<8x512xf32>
      %mul3A_80 = vector.broadcast %get3A_69 : vector<1x512xf32> to vector<8x512xf32>
      %mul3A_81 = arith.mulf %get3A_60, %mul3A_80 : vector<8x512xf32>
      %add3A = arith.addf %mul3A_79, %mul3A_81 : vector<8x512xf32>
      %swap3A_82 = arith.constant 8 : index
      %swap3A_83 = arith.constant 512 : index
      %swap3A_84 = vector.load %arg5[%swap3A_82, %swap3A_83] : memref<512x1024xf32, #tpu.memory_space<vmem>>, vector<8x512xf32>
      tpu.vector_store %arg5[%swap3A_82, %swap3A_83], %add3A {strides = array<i32>} : memref<512x1024xf32, #tpu.memory_space<vmem>>, vector<8x512xf32>,
      %get3A_85 = arith.constant 0 : index
      %get3A_86 = arith.constant 0 : index
      %get3A_87 = vector.load %arg5[%get3A_85, %get3A_86] : memref<512x1024xf32, #tpu.memory_space<vmem>>, vector<16x512xf32>
      %get3A_88 = arith.constant 0 : index
      %get3A_89 = arith.constant 512 : index
      %get3A_90 = vector.load %arg5[%get3A_88, %get3A_89] : memref<512x1024xf32, #tpu.memory_space<vmem>>, vector<16x512xf32>
      %get3A_91 = arith.constant 2 : index
      %get3A_92 = arith.constant 0 : index
      %get3A_93 = vector.load %arg2[%get3A_91, %get3A_92] : memref<8x512xf32, #tpu.memory_space<vmem>>, vector<1x512xf32>
      %get3A_94 = arith.constant 2 : index
      %get3A_95 = arith.constant 0 : index
      %get3A_96 = vector.load %arg3[%get3A_94, %get3A_95] : memref<8x512xf32, #tpu.memory_space<vmem>>, vector<1x512xf32>
      %mul3A_97 = vector.broadcast %get3A_93 : vector<1x512xf32> to vector<16x512xf32>
      %mul3A_98 = arith.mulf %get3A_87, %mul3A_97 : vector<16x512xf32>
      %mul3A_99 = vector.broadcast %get3A_96 : vector<1x512xf32> to vector<16x512xf32>
      %mul3A_100 = arith.mulf %get3A_90, %mul3A_99 : vector<16x512xf32>
      %sub3A_101 = arith.subf %mul3A_98, %mul3A_100 : vector<16x512xf32>
      %swap3A_102 = arith.constant 16 : index
      %swap3A_103 = arith.constant 0 : index
      %swap3A_104 = vector.load %arg5[%swap3A_102, %swap3A_103] : memref<512x1024xf32, #tpu.memory_space<vmem>>, vector<16x512xf32>
      tpu.vector_store %arg5[%swap3A_102, %swap3A_103], %sub3A_101 {strides = array<i32>} : memref<512x1024xf32, #tpu.memory_space<vmem>>, vector<16x512xf32>,
      %mul3A_105 = vector.broadcast %get3A_93 : vector<1x512xf32> to vector<16x512xf32>
      %mul3A_106 = arith.mulf %get3A_90, %mul3A_105 : vector<16x512xf32>
      %mul3A_107 = vector.broadcast %get3A_96 : vector<1x512xf32> to vector<16x512xf32>
      %mul3A_108 = arith.mulf %get3A_87, %mul3A_107 : vector<16x512xf32>
      %add3A_109 = arith.addf %mul3A_106, %mul3A_108 : vector<16x512xf32>
      %swap3A_110 = arith.constant 16 : index
      %swap3A_111 = arith.constant 512 : index
      %swap3A_112 = vector.load %arg5[%swap3A_110, %swap3A_111] : memref<512x1024xf32, #tpu.memory_space<vmem>>, vector<16x512xf32>
      tpu.vector_store %arg5[%swap3A_110, %swap3A_111], %add3A_109 {strides = array<i32>} : memref<512x1024xf32, #tpu.memory_space<vmem>>, vector<16x512xf32>,
      %get3A_113 = arith.constant 0 : index
      %get3A_114 = arith.constant 0 : index
      %get3A_115 = vector.load %arg5[%get3A_113, %get3A_114] : memref<512x1024xf32, #tpu.memory_space<vmem>>, vector<32x512xf32>
      %get3A_116 = arith.constant 0 : index
      %get3A_117 = arith.constant 512 : index
      %get3A_118 = vector.load %arg5[%get3A_116, %get3A_117] : memref<512x1024xf32, #tpu.memory_space<vmem>>, vector<32x512xf32>
      %get3A_119 = arith.constant 3 : index
      %get3A_120 = arith.constant 0 : index
      %get3A_121 = vector.load %arg2[%get3A_119, %get3A_120] : memref<8x512xf32, #tpu.memory_space<vmem>>, vector<1x512xf32>
      %get3A_122 = arith.constant 3 : index
      %get3A_123 = arith.constant 0 : index
      %get3A_124 = vector.load %arg3[%get3A_122, %get3A_123] : memref<8x512xf32, #tpu.memory_space<vmem>>, vector<1x512xf32>
      %mul3A_125 = vector.broadcast %get3A_121 : vector<1x512xf32> to vector<32x512xf32>
      %mul3A_126 = arith.mulf %get3A_115, %mul3A_125 : vector<32x512xf32>
      %mul3A_127 = vector.broadcast %get3A_124 : vector<1x512xf32> to vector<32x512xf32>
      %mul3A_128 = arith.mulf %get3A_118, %mul3A_127 : vector<32x512xf32>
      %sub3A_129 = arith.subf %mul3A_126, %mul3A_128 : vector<32x512xf32>
      %swap3A_130 = arith.constant 32 : index
      %swap3A_131 = arith.constant 0 : index
      %swap3A_132 = vector.load %arg5[%swap3A_130, %swap3A_131] : memref<512x1024xf32, #tpu.memory_space<vmem>>, vector<32x512xf32>
      tpu.vector_store %arg5[%swap3A_130, %swap3A_131], %sub3A_129 {strides = array<i32>} : memref<512x1024xf32, #tpu.memory_space<vmem>>, vector<32x512xf32>,
      %mul3A_133 = vector.broadcast %get3A_121 : vector<1x512xf32> to vector<32x512xf32>
      %mul3A_134 = arith.mulf %get3A_118, %mul3A_133 : vector<32x512xf32>
      %mul3A_135 = vector.broadcast %get3A_124 : vector<1x512xf32> to vector<32x512xf32>
      %mul3A_136 = arith.mulf %get3A_115, %mul3A_135 : vector<32x512xf32>
      %add3A_137 = arith.addf %mul3A_134, %mul3A_136 : vector<32x512xf32>
      %swap3A_138 = arith.constant 32 : index
      %swap3A_139 = arith.constant 512 : index
      %swap3A_140 = vector.load %arg5[%swap3A_138, %swap3A_139] : memref<512x1024xf32, #tpu.memory_space<vmem>>, vector<32x512xf32>
      tpu.vector_store %arg5[%swap3A_138, %swap3A_139], %add3A_137 {strides = array<i32>} : memref<512x1024xf32, #tpu.memory_space<vmem>>, vector<32x512xf32>,
      %get3A_141 = arith.constant 0 : index
      %get3A_142 = arith.constant 0 : index
      %get3A_143 = vector.load %arg5[%get3A_141, %get3A_142] : memref<512x1024xf32, #tpu.memory_space<vmem>>, vector<64x512xf32>
      %get3A_144 = arith.constant 0 : index
      %get3A_145 = arith.constant 512 : index
      %get3A_146 = vector.load %arg5[%get3A_144, %get3A_145] : memref<512x1024xf32, #tpu.memory_space<vmem>>, vector<64x512xf32>
      %get3A_147 = arith.constant 4 : index
      %get3A_148 = arith.constant 0 : index
      %get3A_149 = vector.load %arg2[%get3A_147, %get3A_148] : memref<8x512xf32, #tpu.memory_space<vmem>>, vector<1x512xf32>
      %get3A_150 = arith.constant 4 : index
      %get3A_151 = arith.constant 0 : index
      %get3A_152 = vector.load %arg3[%get3A_150, %get3A_151] : memref<8x512xf32, #tpu.memory_space<vmem>>, vector<1x512xf32>
      %mul3A_153 = vector.broadcast %get3A_149 : vector<1x512xf32> to vector<64x512xf32>
      %mul3A_154 = arith.mulf %get3A_143, %mul3A_153 : vector<64x512xf32>
      %mul3A_155 = vector.broadcast %get3A_152 : vector<1x512xf32> to vector<64x512xf32>
      %mul3A_156 = arith.mulf %get3A_146, %mul3A_155 : vector<64x512xf32>
      %sub3A_157 = arith.subf %mul3A_154, %mul3A_156 : vector<64x512xf32>
      %swap3A_158 = arith.constant 64 : index
      %swap3A_159 = arith.constant 0 : index
      %swap3A_160 = vector.load %arg5[%swap3A_158, %swap3A_159] : memref<512x1024xf32, #tpu.memory_space<vmem>>, vector<64x512xf32>
      tpu.vector_store %arg5[%swap3A_158, %swap3A_159], %sub3A_157 {strides = array<i32>} : memref<512x1024xf32, #tpu.memory_space<vmem>>, vector<64x512xf32>,
      %mul3A_161 = vector.broadcast %get3A_149 : vector<1x512xf32> to vector<64x512xf32>
      %mul3A_162 = arith.mulf %get3A_146, %mul3A_161 : vector<64x512xf32>
      %mul3A_163 = vector.broadcast %get3A_152 : vector<1x512xf32> to vector<64x512xf32>
      %mul3A_164 = arith.mulf %get3A_143, %mul3A_163 : vector<64x512xf32>
      %add3A_165 = arith.addf %mul3A_162, %mul3A_164 : vector<64x512xf32>
      %swap3A_166 = arith.constant 64 : index
      %swap3A_167 = arith.constant 512 : index
      %swap3A_168 = vector.load %arg5[%swap3A_166, %swap3A_167] : memref<512x1024xf32, #tpu.memory_space<vmem>>, vector<64x512xf32>
      tpu.vector_store %arg5[%swap3A_166, %swap3A_167], %add3A_165 {strides = array<i32>} : memref<512x1024xf32, #tpu.memory_space<vmem>>, vector<64x512xf32>,
      %get3A_169 = arith.constant 0 : index
      %get3A_170 = arith.constant 0 : index
      %get3A_171 = vector.load %arg5[%get3A_169, %get3A_170] : memref<512x1024xf32, #tpu.memory_space<vmem>>, vector<128x512xf32>
      %get3A_172 = arith.constant 0 : index
      %get3A_173 = arith.constant 512 : index
      %get3A_174 = vector.load %arg5[%get3A_172, %get3A_173] : memref<512x1024xf32, #tpu.memory_space<vmem>>, vector<128x512xf32>
      %get3A_175 = arith.constant 5 : index
      %get3A_176 = arith.constant 0 : index
      %get3A_177 = vector.load %arg2[%get3A_175, %get3A_176] : memref<8x512xf32, #tpu.memory_space<vmem>>, vector<1x512xf32>
      %get3A_178 = arith.constant 5 : index
      %get3A_179 = arith.constant 0 : index
      %get3A_180 = vector.load %arg3[%get3A_178, %get3A_179] : memref<8x512xf32, #tpu.memory_space<vmem>>, vector<1x512xf32>
      %mul3A_181 = vector.broadcast %get3A_177 : vector<1x512xf32> to vector<128x512xf32>
      %mul3A_182 = arith.mulf %get3A_171, %mul3A_181 : vector<128x512xf32>
      %mul3A_183 = vector.broadcast %get3A_180 : vector<1x512xf32> to vector<128x512xf32>
      %mul3A_184 = arith.mulf %get3A_174, %mul3A_183 : vector<128x512xf32>
      %sub3A_185 = arith.subf %mul3A_182, %mul3A_184 : vector<128x512xf32>
      %swap3A_186 = arith.constant 128 : index
      %swap3A_187 = arith.constant 0 : index
      %swap3A_188 = vector.load %arg5[%swap3A_186, %swap3A_187] : memref<512x1024xf32, #tpu.memory_space<vmem>>, vector<128x512xf32>
      tpu.vector_store %arg5[%swap3A_186, %swap3A_187], %sub3A_185 {strides = array<i32>} : memref<512x1024xf32, #tpu.memory_space<vmem>>, vector<128x512xf32>,
      %mul3A_189 = vector.broadcast %get3A_177 : vector<1x512xf32> to vector<128x512xf32>
      %mul3A_190 = arith.mulf %get3A_174, %mul3A_189 : vector<128x512xf32>
      %mul3A_191 = vector.broadcast %get3A_180 : vector<1x512xf32> to vector<128x512xf32>
      %mul3A_192 = arith.mulf %get3A_171, %mul3A_191 : vector<128x512xf32>
      %add3A_193 = arith.addf %mul3A_190, %mul3A_192 : vector<128x512xf32>
      %swap3A_194 = arith.constant 128 : index
      %swap3A_195 = arith.constant 512 : index
      %swap3A_196 = vector.load %arg5[%swap3A_194, %swap3A_195] : memref<512x1024xf32, #tpu.memory_space<vmem>>, vector<128x512xf32>
      tpu.vector_store %arg5[%swap3A_194, %swap3A_195], %add3A_193 {strides = array<i32>} : memref<512x1024xf32, #tpu.memory_space<vmem>>, vector<128x512xf32>,
      %get3A_197 = arith.constant 0 : index
      %get3A_198 = arith.constant 0 : index
      %get3A_199 = vector.load %arg5[%get3A_197, %get3A_198] : memref<512x1024xf32, #tpu.memory_space<vmem>>, vector<256x512xf32>
      %get3A_200 = arith.constant 0 : index
      %get3A_201 = arith.constant 512 : index
      %get3A_202 = vector.load %arg5[%get3A_200, %get3A_201] : memref<512x1024xf32, #tpu.memory_space<vmem>>, vector<256x512xf32>
      %get3A_203 = arith.constant 6 : index
      %get3A_204 = arith.constant 0 : index
      %get3A_205 = vector.load %arg2[%get3A_203, %get3A_204] : memref<8x512xf32, #tpu.memory_space<vmem>>, vector<1x512xf32>
      %get3A_206 = arith.constant 6 : index
      %get3A_207 = arith.constant 0 : index
      %get3A_208 = vector.load %arg3[%get3A_206, %get3A_207] : memref<8x512xf32, #tpu.memory_space<vmem>>, vector<1x512xf32>
      %mul3A_209 = vector.broadcast %get3A_205 : vector<1x512xf32> to vector<256x512xf32>
      %mul3A_210 = arith.mulf %get3A_199, %mul3A_209 : vector<256x512xf32>
      %mul3A_211 = vector.broadcast %get3A_208 : vector<1x512xf32> to vector<256x512xf32>
      %mul3A_212 = arith.mulf %get3A_202, %mul3A_211 : vector<256x512xf32>
      %sub3A_213 = arith.subf %mul3A_210, %mul3A_212 : vector<256x512xf32>
      %swap3A_214 = arith.constant 256 : index
      %swap3A_215 = arith.constant 0 : index
      %swap3A_216 = vector.load %arg5[%swap3A_214, %swap3A_215] : memref<512x1024xf32, #tpu.memory_space<vmem>>, vector<256x512xf32>
      tpu.vector_store %arg5[%swap3A_214, %swap3A_215], %sub3A_213 {strides = array<i32>} : memref<512x1024xf32, #tpu.memory_space<vmem>>, vector<256x512xf32>,
      %mul3A_217 = vector.broadcast %get3A_205 : vector<1x512xf32> to vector<256x512xf32>
      %mul3A_218 = arith.mulf %get3A_202, %mul3A_217 : vector<256x512xf32>
      %mul3A_219 = vector.broadcast %get3A_208 : vector<1x512xf32> to vector<256x512xf32>
      %mul3A_220 = arith.mulf %get3A_199, %mul3A_219 : vector<256x512xf32>
      %add3A_221 = arith.addf %mul3A_218, %mul3A_220 : vector<256x512xf32>
      %swap3A_222 = arith.constant 256 : index
      %swap3A_223 = arith.constant 512 : index
      %swap3A_224 = vector.load %arg5[%swap3A_222, %swap3A_223] : memref<512x1024xf32, #tpu.memory_space<vmem>>, vector<256x512xf32>
      tpu.vector_store %arg5[%swap3A_222, %swap3A_223], %add3A_221 {strides = array<i32>} : memref<512x1024xf32, #tpu.memory_space<vmem>>, vector<256x512xf32>,
    } else {
    }
    %ge3A_11 = arith.constant 12 : i32
    %ge3A_12 = arith.cmpi sge, %arg0, %ge3A_11 : i32
    %lt3A_13 = arith.constant 20 : i32
    %lt3A_14 = arith.cmpi slt, %arg0, %lt3A_13 : i32
    %and3A_15 = arith.andi %ge3A_12, %lt3A_14 : i1
    %convert_element_type3A_16 = arith.extui %and3A_15 : i1 to i32
    %cond3A_17 = arith.constant 0 : i32
    %cond3A_18 = arith.cmpi ne, %convert_element_type3A_16, %cond3A_17 : i32
    scf.if %cond3A_18 {
      %sub3A = arith.constant 12 : i32
      %sub3A_35 = arith.subi %arg0, %sub3A : i32
      %iota3A = tpu.iota {dimensions = array<i32: 0>} : vector<8x1xi32>
      %convert_element_type3A_36 = arith.sitofp %iota3A : vector<8x1xi32> to vector<8x1xf32>
      %convert_element_type3A_37 = arith.sitofp %sub3A_35 : i32 to f32
      %mul3A = arith.constant 1.000000e+00 : f32
      %mul3A_38 = arith.mulf %mul3A, %convert_element_type3A_37 : f32
      %mul3A_39 = arith.constant 5.120000e+02 : f32
      %mul3A_40 = arith.mulf %mul3A_38, %mul3A_39 : f32
      %sub3A_41 = arith.constant 2.047000e+03 : f32
      %sub3A_42 = arith.subf %sub3A_41, %mul3A_40 : f32
      %mul3A_43 = arith.constant 1.000000e+00 : f32
      %mul3A_44 = vector.broadcast %mul3A_43 : f32 to vector<8x1xf32>
      %mul3A_45 = arith.mulf %mul3A_44, %convert_element_type3A_36 : vector<8x1xf32>
      %sub3A_46 = vector.broadcast %sub3A_42 : f32 to vector<8x1xf32>
      %sub3A_47 = arith.subf %sub3A_46, %mul3A_45 : vector<8x1xf32>
      %get3A = arith.constant 0 : index
      %get3A_48 = arith.constant 0 : index
      %get3A_49 = vector.load %arg1[%get3A, %get3A_48] : memref<1x512xf32, #tpu.memory_space<vmem>>, vector<1x512xf32>
      %mul3A_50 = vector.broadcast %sub3A_47 : vector<8x1xf32> to vector<8x512xf32>
      %mul3A_51 = vector.broadcast %get3A_49 : vector<1x512xf32> to vector<8x512xf32>
      %mul3A_52 = arith.mulf %mul3A_50, %mul3A_51 : vector<8x512xf32>
      %sin3A = math.sin %mul3A_52 : vector<8x512xf32>
      %swap3A = arith.constant 0 : index
      %swap3A_53 = arith.constant 0 : index
      %swap3A_54 = vector.load %arg6[%swap3A, %swap3A_53] : memref<512x1024xf32, #tpu.memory_space<vmem>>, vector<8x512xf32>
      tpu.vector_store %arg6[%swap3A, %swap3A_53], %sin3A {strides = array<i32>} : memref<512x1024xf32, #tpu.memory_space<vmem>>, vector<8x512xf32>,
      %cos3A = math.cos %mul3A_52 : vector<8x512xf32>
      %swap3A_55 = arith.constant 0 : index
      %swap3A_56 = arith.constant 512 : index
      %swap3A_57 = vector.load %arg6[%swap3A_55, %swap3A_56] : memref<512x1024xf32, #tpu.memory_space<vmem>>, vector<8x512xf32>
      tpu.vector_store %arg6[%swap3A_55, %swap3A_56], %cos3A {strides = array<i32>} : memref<512x1024xf32, #tpu.memory_space<vmem>>, vector<8x512xf32>,
      %get3A_58 = arith.constant 0 : index
      %get3A_59 = arith.constant 0 : index
      %get3A_60 = vector.load %arg6[%get3A_58, %get3A_59] : memref<512x1024xf32, #tpu.memory_space<vmem>>, vector<8x512xf32>
      %get3A_61 = arith.constant 0 : index
      %get3A_62 = arith.constant 512 : index
      %get3A_63 = vector.load %arg6[%get3A_61, %get3A_62] : memref<512x1024xf32, #tpu.memory_space<vmem>>, vector<8x512xf32>
      %get3A_64 = arith.constant 0 : index
      %get3A_65 = arith.constant 0 : index
      %get3A_66 = vector.load %arg2[%get3A_64, %get3A_65] : memref<8x512xf32, #tpu.memory_space<vmem>>, vector<1x512xf32>
      %get3A_67 = arith.constant 0 : index
      %get3A_68 = arith.constant 0 : index
      %get3A_69 = vector.load %arg3[%get3A_67, %get3A_68] : memref<8x512xf32, #tpu.memory_space<vmem>>, vector<1x512xf32>
      %mul3A_70 = vector.broadcast %get3A_66 : vector<1x512xf32> to vector<8x512xf32>
      %mul3A_71 = arith.mulf %get3A_60, %mul3A_70 : vector<8x512xf32>
      %mul3A_72 = vector.broadcast %get3A_69 : vector<1x512xf32> to vector<8x512xf32>
      %mul3A_73 = arith.mulf %get3A_63, %mul3A_72 : vector<8x512xf32>
      %sub3A_74 = arith.subf %mul3A_71, %mul3A_73 : vector<8x512xf32>
      %swap3A_75 = arith.constant 8 : index
      %swap3A_76 = arith.constant 0 : index
      %swap3A_77 = vector.load %arg6[%swap3A_75, %swap3A_76] : memref<512x1024xf32, #tpu.memory_space<vmem>>, vector<8x512xf32>
      tpu.vector_store %arg6[%swap3A_75, %swap3A_76], %sub3A_74 {strides = array<i32>} : memref<512x1024xf32, #tpu.memory_space<vmem>>, vector<8x512xf32>,
      %mul3A_78 = vector.broadcast %get3A_66 : vector<1x512xf32> to vector<8x512xf32>
      %mul3A_79 = arith.mulf %get3A_63, %mul3A_78 : vector<8x512xf32>
      %mul3A_80 = vector.broadcast %get3A_69 : vector<1x512xf32> to vector<8x512xf32>
      %mul3A_81 = arith.mulf %get3A_60, %mul3A_80 : vector<8x512xf32>
      %add3A = arith.addf %mul3A_79, %mul3A_81 : vector<8x512xf32>
      %swap3A_82 = arith.constant 8 : index
      %swap3A_83 = arith.constant 512 : index
      %swap3A_84 = vector.load %arg6[%swap3A_82, %swap3A_83] : memref<512x1024xf32, #tpu.memory_space<vmem>>, vector<8x512xf32>
      tpu.vector_store %arg6[%swap3A_82, %swap3A_83], %add3A {strides = array<i32>} : memref<512x1024xf32, #tpu.memory_space<vmem>>, vector<8x512xf32>,
      %get3A_85 = arith.constant 0 : index
      %get3A_86 = arith.constant 0 : index
      %get3A_87 = vector.load %arg6[%get3A_85, %get3A_86] : memref<512x1024xf32, #tpu.memory_space<vmem>>, vector<16x512xf32>
      %get3A_88 = arith.constant 0 : index
      %get3A_89 = arith.constant 512 : index
      %get3A_90 = vector.load %arg6[%get3A_88, %get3A_89] : memref<512x1024xf32, #tpu.memory_space<vmem>>, vector<16x512xf32>
      %get3A_91 = arith.constant 1 : index
      %get3A_92 = arith.constant 0 : index
      %get3A_93 = vector.load %arg2[%get3A_91, %get3A_92] : memref<8x512xf32, #tpu.memory_space<vmem>>, vector<1x512xf32>
      %get3A_94 = arith.constant 1 : index
      %get3A_95 = arith.constant 0 : index
      %get3A_96 = vector.load %arg3[%get3A_94, %get3A_95] : memref<8x512xf32, #tpu.memory_space<vmem>>, vector<1x512xf32>
      %mul3A_97 = vector.broadcast %get3A_93 : vector<1x512xf32> to vector<16x512xf32>
      %mul3A_98 = arith.mulf %get3A_87, %mul3A_97 : vector<16x512xf32>
      %mul3A_99 = vector.broadcast %get3A_96 : vector<1x512xf32> to vector<16x512xf32>
      %mul3A_100 = arith.mulf %get3A_90, %mul3A_99 : vector<16x512xf32>
      %sub3A_101 = arith.subf %mul3A_98, %mul3A_100 : vector<16x512xf32>
      %swap3A_102 = arith.constant 16 : index
      %swap3A_103 = arith.constant 0 : index
      %swap3A_104 = vector.load %arg6[%swap3A_102, %swap3A_103] : memref<512x1024xf32, #tpu.memory_space<vmem>>, vector<16x512xf32>
      tpu.vector_store %arg6[%swap3A_102, %swap3A_103], %sub3A_101 {strides = array<i32>} : memref<512x1024xf32, #tpu.memory_space<vmem>>, vector<16x512xf32>,
      %mul3A_105 = vector.broadcast %get3A_93 : vector<1x512xf32> to vector<16x512xf32>
      %mul3A_106 = arith.mulf %get3A_90, %mul3A_105 : vector<16x512xf32>
      %mul3A_107 = vector.broadcast %get3A_96 : vector<1x512xf32> to vector<16x512xf32>
      %mul3A_108 = arith.mulf %get3A_87, %mul3A_107 : vector<16x512xf32>
      %add3A_109 = arith.addf %mul3A_106, %mul3A_108 : vector<16x512xf32>
      %swap3A_110 = arith.constant 16 : index
      %swap3A_111 = arith.constant 512 : index
      %swap3A_112 = vector.load %arg6[%swap3A_110, %swap3A_111] : memref<512x1024xf32, #tpu.memory_space<vmem>>, vector<16x512xf32>
      tpu.vector_store %arg6[%swap3A_110, %swap3A_111], %add3A_109 {strides = array<i32>} : memref<512x1024xf32, #tpu.memory_space<vmem>>, vector<16x512xf32>,
      %get3A_113 = arith.constant 0 : index
      %get3A_114 = arith.constant 0 : index
      %get3A_115 = vector.load %arg6[%get3A_113, %get3A_114] : memref<512x1024xf32, #tpu.memory_space<vmem>>, vector<32x512xf32>
      %get3A_116 = arith.constant 0 : index
      %get3A_117 = arith.constant 512 : index
      %get3A_118 = vector.load %arg6[%get3A_116, %get3A_117] : memref<512x1024xf32, #tpu.memory_space<vmem>>, vector<32x512xf32>
      %get3A_119 = arith.constant 2 : index
      %get3A_120 = arith.constant 0 : index
      %get3A_121 = vector.load %arg2[%get3A_119, %get3A_120] : memref<8x512xf32, #tpu.memory_space<vmem>>, vector<1x512xf32>
      %get3A_122 = arith.constant 2 : index
      %get3A_123 = arith.constant 0 : index
      %get3A_124 = vector.load %arg3[%get3A_122, %get3A_123] : memref<8x512xf32, #tpu.memory_space<vmem>>, vector<1x512xf32>
      %mul3A_125 = vector.broadcast %get3A_121 : vector<1x512xf32> to vector<32x512xf32>
      %mul3A_126 = arith.mulf %get3A_115, %mul3A_125 : vector<32x512xf32>
      %mul3A_127 = vector.broadcast %get3A_124 : vector<1x512xf32> to vector<32x512xf32>
      %mul3A_128 = arith.mulf %get3A_118, %mul3A_127 : vector<32x512xf32>
      %sub3A_129 = arith.subf %mul3A_126, %mul3A_128 : vector<32x512xf32>
      %swap3A_130 = arith.constant 32 : index
      %swap3A_131 = arith.constant 0 : index
      %swap3A_132 = vector.load %arg6[%swap3A_130, %swap3A_131] : memref<512x1024xf32, #tpu.memory_space<vmem>>, vector<32x512xf32>
      tpu.vector_store %arg6[%swap3A_130, %swap3A_131], %sub3A_129 {strides = array<i32>} : memref<512x1024xf32, #tpu.memory_space<vmem>>, vector<32x512xf32>,
      %mul3A_133 = vector.broadcast %get3A_121 : vector<1x512xf32> to vector<32x512xf32>
      %mul3A_134 = arith.mulf %get3A_118, %mul3A_133 : vector<32x512xf32>
      %mul3A_135 = vector.broadcast %get3A_124 : vector<1x512xf32> to vector<32x512xf32>
      %mul3A_136 = arith.mulf %get3A_115, %mul3A_135 : vector<32x512xf32>
      %add3A_137 = arith.addf %mul3A_134, %mul3A_136 : vector<32x512xf32>
      %swap3A_138 = arith.constant 32 : index
      %swap3A_139 = arith.constant 512 : index
      %swap3A_140 = vector.load %arg6[%swap3A_138, %swap3A_139] : memref<512x1024xf32, #tpu.memory_space<vmem>>, vector<32x512xf32>
      tpu.vector_store %arg6[%swap3A_138, %swap3A_139], %add3A_137 {strides = array<i32>} : memref<512x1024xf32, #tpu.memory_space<vmem>>, vector<32x512xf32>,
      %get3A_141 = arith.constant 0 : index
      %get3A_142 = arith.constant 0 : index
      %get3A_143 = vector.load %arg6[%get3A_141, %get3A_142] : memref<512x1024xf32, #tpu.memory_space<vmem>>, vector<64x512xf32>
      %get3A_144 = arith.constant 0 : index
      %get3A_145 = arith.constant 512 : index
      %get3A_146 = vector.load %arg6[%get3A_144, %get3A_145] : memref<512x1024xf32, #tpu.memory_space<vmem>>, vector<64x512xf32>
      %get3A_147 = arith.constant 3 : index
      %get3A_148 = arith.constant 0 : index
      %get3A_149 = vector.load %arg2[%get3A_147, %get3A_148] : memref<8x512xf32, #tpu.memory_space<vmem>>, vector<1x512xf32>
      %get3A_150 = arith.constant 3 : index
      %get3A_151 = arith.constant 0 : index
      %get3A_152 = vector.load %arg3[%get3A_150, %get3A_151] : memref<8x512xf32, #tpu.memory_space<vmem>>, vector<1x512xf32>
      %mul3A_153 = vector.broadcast %get3A_149 : vector<1x512xf32> to vector<64x512xf32>
      %mul3A_154 = arith.mulf %get3A_143, %mul3A_153 : vector<64x512xf32>
      %mul3A_155 = vector.broadcast %get3A_152 : vector<1x512xf32> to vector<64x512xf32>
      %mul3A_156 = arith.mulf %get3A_146, %mul3A_155 : vector<64x512xf32>
      %sub3A_157 = arith.subf %mul3A_154, %mul3A_156 : vector<64x512xf32>
      %swap3A_158 = arith.constant 64 : index
      %swap3A_159 = arith.constant 0 : index
      %swap3A_160 = vector.load %arg6[%swap3A_158, %swap3A_159] : memref<512x1024xf32, #tpu.memory_space<vmem>>, vector<64x512xf32>
      tpu.vector_store %arg6[%swap3A_158, %swap3A_159], %sub3A_157 {strides = array<i32>} : memref<512x1024xf32, #tpu.memory_space<vmem>>, vector<64x512xf32>,
      %mul3A_161 = vector.broadcast %get3A_149 : vector<1x512xf32> to vector<64x512xf32>
      %mul3A_162 = arith.mulf %get3A_146, %mul3A_161 : vector<64x512xf32>
      %mul3A_163 = vector.broadcast %get3A_152 : vector<1x512xf32> to vector<64x512xf32>
      %mul3A_164 = arith.mulf %get3A_143, %mul3A_163 : vector<64x512xf32>
      %add3A_165 = arith.addf %mul3A_162, %mul3A_164 : vector<64x512xf32>
      %swap3A_166 = arith.constant 64 : index
      %swap3A_167 = arith.constant 512 : index
      %swap3A_168 = vector.load %arg6[%swap3A_166, %swap3A_167] : memref<512x1024xf32, #tpu.memory_space<vmem>>, vector<64x512xf32>
      tpu.vector_store %arg6[%swap3A_166, %swap3A_167], %add3A_165 {strides = array<i32>} : memref<512x1024xf32, #tpu.memory_space<vmem>>, vector<64x512xf32>,
      %get3A_169 = arith.constant 0 : index
      %get3A_170 = arith.constant 0 : index
      %get3A_171 = vector.load %arg6[%get3A_169, %get3A_170] : memref<512x1024xf32, #tpu.memory_space<vmem>>, vector<128x512xf32>
      %get3A_172 = arith.constant 0 : index
      %get3A_173 = arith.constant 512 : index
      %get3A_174 = vector.load %arg6[%get3A_172, %get3A_173] : memref<512x1024xf32, #tpu.memory_space<vmem>>, vector<128x512xf32>
      %get3A_175 = arith.constant 4 : index
      %get3A_176 = arith.constant 0 : index
      %get3A_177 = vector.load %arg2[%get3A_175, %get3A_176] : memref<8x512xf32, #tpu.memory_space<vmem>>, vector<1x512xf32>
      %get3A_178 = arith.constant 4 : index
      %get3A_179 = arith.constant 0 : index
      %get3A_180 = vector.load %arg3[%get3A_178, %get3A_179] : memref<8x512xf32, #tpu.memory_space<vmem>>, vector<1x512xf32>
      %mul3A_181 = vector.broadcast %get3A_177 : vector<1x512xf32> to vector<128x512xf32>
      %mul3A_182 = arith.mulf %get3A_171, %mul3A_181 : vector<128x512xf32>
      %mul3A_183 = vector.broadcast %get3A_180 : vector<1x512xf32> to vector<128x512xf32>
      %mul3A_184 = arith.mulf %get3A_174, %mul3A_183 : vector<128x512xf32>
      %sub3A_185 = arith.subf %mul3A_182, %mul3A_184 : vector<128x512xf32>
      %swap3A_186 = arith.constant 128 : index
      %swap3A_187 = arith.constant 0 : index
      %swap3A_188 = vector.load %arg6[%swap3A_186, %swap3A_187] : memref<512x1024xf32, #tpu.memory_space<vmem>>, vector<128x512xf32>
      tpu.vector_store %arg6[%swap3A_186, %swap3A_187], %sub3A_185 {strides = array<i32>} : memref<512x1024xf32, #tpu.memory_space<vmem>>, vector<128x512xf32>,
      %mul3A_189 = vector.broadcast %get3A_177 : vector<1x512xf32> to vector<128x512xf32>
      %mul3A_190 = arith.mulf %get3A_174, %mul3A_189 : vector<128x512xf32>
      %mul3A_191 = vector.broadcast %get3A_180 : vector<1x512xf32> to vector<128x512xf32>
      %mul3A_192 = arith.mulf %get3A_171, %mul3A_191 : vector<128x512xf32>
      %add3A_193 = arith.addf %mul3A_190, %mul3A_192 : vector<128x512xf32>
      %swap3A_194 = arith.constant 128 : index
      %swap3A_195 = arith.constant 512 : index
      %swap3A_196 = vector.load %arg6[%swap3A_194, %swap3A_195] : memref<512x1024xf32, #tpu.memory_space<vmem>>, vector<128x512xf32>
      tpu.vector_store %arg6[%swap3A_194, %swap3A_195], %add3A_193 {strides = array<i32>} : memref<512x1024xf32, #tpu.memory_space<vmem>>, vector<128x512xf32>,
      %get3A_197 = arith.constant 0 : index
      %get3A_198 = arith.constant 0 : index
      %get3A_199 = vector.load %arg6[%get3A_197, %get3A_198] : memref<512x1024xf32, #tpu.memory_space<vmem>>, vector<256x512xf32>
      %get3A_200 = arith.constant 0 : index
      %get3A_201 = arith.constant 512 : index
      %get3A_202 = vector.load %arg6[%get3A_200, %get3A_201] : memref<512x1024xf32, #tpu.memory_space<vmem>>, vector<256x512xf32>
      %get3A_203 = arith.constant 5 : index
      %get3A_204 = arith.constant 0 : index
      %get3A_205 = vector.load %arg2[%get3A_203, %get3A_204] : memref<8x512xf32, #tpu.memory_space<vmem>>, vector<1x512xf32>
      %get3A_206 = arith.constant 5 : index
      %get3A_207 = arith.constant 0 : index
      %get3A_208 = vector.load %arg3[%get3A_206, %get3A_207] : memref<8x512xf32, #tpu.memory_space<vmem>>, vector<1x512xf32>
      %mul3A_209 = vector.broadcast %get3A_205 : vector<1x512xf32> to vector<256x512xf32>
      %mul3A_210 = arith.mulf %get3A_199, %mul3A_209 : vector<256x512xf32>
      %mul3A_211 = vector.broadcast %get3A_208 : vector<1x512xf32> to vector<256x512xf32>
      %mul3A_212 = arith.mulf %get3A_202, %mul3A_211 : vector<256x512xf32>
      %sub3A_213 = arith.subf %mul3A_210, %mul3A_212 : vector<256x512xf32>
      %swap3A_214 = arith.constant 256 : index
      %swap3A_215 = arith.constant 0 : index
      %swap3A_216 = vector.load %arg6[%swap3A_214, %swap3A_215] : memref<512x1024xf32, #tpu.memory_space<vmem>>, vector<256x512xf32>
      tpu.vector_store %arg6[%swap3A_214, %swap3A_215], %sub3A_213 {strides = array<i32>} : memref<512x1024xf32, #tpu.memory_space<vmem>>, vector<256x512xf32>,
      %mul3A_217 = vector.broadcast %get3A_205 : vector<1x512xf32> to vector<256x512xf32>
      %mul3A_218 = arith.mulf %get3A_202, %mul3A_217 : vector<256x512xf32>
      %mul3A_219 = vector.broadcast %get3A_208 : vector<1x512xf32> to vector<256x512xf32>
      %mul3A_220 = arith.mulf %get3A_199, %mul3A_219 : vector<256x512xf32>
      %add3A_221 = arith.addf %mul3A_218, %mul3A_220 : vector<256x512xf32>
      %swap3A_222 = arith.constant 256 : index
      %swap3A_223 = arith.constant 512 : index
      %swap3A_224 = vector.load %arg6[%swap3A_222, %swap3A_223] : memref<512x1024xf32, #tpu.memory_space<vmem>>, vector<256x512xf32>
      tpu.vector_store %arg6[%swap3A_222, %swap3A_223], %add3A_221 {strides = array<i32>} : memref<512x1024xf32, #tpu.memory_space<vmem>>, vector<256x512xf32>,
    } else {
    }
    %ge3A_19 = arith.constant 20 : i32
    %ge3A_20 = arith.cmpi sge, %arg0, %ge3A_19 : i32
    %lt3A_21 = arith.constant 22 : i32
    %lt3A_22 = arith.cmpi slt, %arg0, %lt3A_21 : i32
    %and3A_23 = arith.andi %ge3A_20, %lt3A_22 : i1
    %convert_element_type3A_24 = arith.extui %and3A_23 : i1 to i32
    %cond3A_25 = arith.constant 0 : i32
    %cond3A_26 = arith.cmpi ne, %convert_element_type3A_24, %cond3A_25 : i32
    scf.if %cond3A_26 {
      %sub3A = arith.constant 20 : i32
      %sub3A_35 = arith.subi %arg0, %sub3A : i32
      %iota3A = tpu.iota {dimensions = array<i32: 0>} : vector<8x1xi32>
      %convert_element_type3A_36 = arith.sitofp %iota3A : vector<8x1xi32> to vector<8x1xf32>
      %convert_element_type3A_37 = arith.sitofp %sub3A_35 : i32 to f32
      %mul3A = arith.constant 4.000000e+00 : f32
      %mul3A_38 = arith.mulf %mul3A, %convert_element_type3A_37 : f32
      %mul3A_39 = arith.constant 5.120000e+02 : f32
      %mul3A_40 = arith.mulf %mul3A_38, %mul3A_39 : f32
      %sub3A_41 = arith.constant 2.048000e+03 : f32
      %sub3A_42 = arith.subf %sub3A_41, %mul3A_40 : f32
      %mul3A_43 = arith.constant 4.000000e+00 : f32
      %mul3A_44 = vector.broadcast %mul3A_43 : f32 to vector<8x1xf32>
      %mul3A_45 = arith.mulf %mul3A_44, %convert_element_type3A_36 : vector<8x1xf32>
      %sub3A_46 = vector.broadcast %sub3A_42 : f32 to vector<8x1xf32>
      %sub3A_47 = arith.subf %sub3A_46, %mul3A_45 : vector<8x1xf32>
      %get3A = arith.constant 0 : index
      %get3A_48 = arith.constant 0 : index
      %get3A_49 = vector.load %arg1[%get3A, %get3A_48] : memref<1x512xf32, #tpu.memory_space<vmem>>, vector<1x512xf32>
      %mul3A_50 = vector.broadcast %sub3A_47 : vector<8x1xf32> to vector<8x512xf32>
      %mul3A_51 = vector.broadcast %get3A_49 : vector<1x512xf32> to vector<8x512xf32>
      %mul3A_52 = arith.mulf %mul3A_50, %mul3A_51 : vector<8x512xf32>
      %sin3A = math.sin %mul3A_52 : vector<8x512xf32>
      %swap3A = arith.constant 0 : index
      %swap3A_53 = arith.constant 0 : index
      %swap3A_54 = vector.load %arg7[%swap3A, %swap3A_53] : memref<512x1024xf32, #tpu.memory_space<vmem>>, vector<8x512xf32>
      tpu.vector_store %arg7[%swap3A, %swap3A_53], %sin3A {strides = array<i32>} : memref<512x1024xf32, #tpu.memory_space<vmem>>, vector<8x512xf32>,
      %cos3A = math.cos %mul3A_52 : vector<8x512xf32>
      %swap3A_55 = arith.constant 0 : index
      %swap3A_56 = arith.constant 512 : index
      %swap3A_57 = vector.load %arg7[%swap3A_55, %swap3A_56] : memref<512x1024xf32, #tpu.memory_space<vmem>>, vector<8x512xf32>
      tpu.vector_store %arg7[%swap3A_55, %swap3A_56], %cos3A {strides = array<i32>} : memref<512x1024xf32, #tpu.memory_space<vmem>>, vector<8x512xf32>,
      %get3A_58 = arith.constant 0 : index
      %get3A_59 = arith.constant 0 : index
      %get3A_60 = vector.load %arg7[%get3A_58, %get3A_59] : memref<512x1024xf32, #tpu.memory_space<vmem>>, vector<8x512xf32>
      %get3A_61 = arith.constant 0 : index
      %get3A_62 = arith.constant 512 : index
      %get3A_63 = vector.load %arg7[%get3A_61, %get3A_62] : memref<512x1024xf32, #tpu.memory_space<vmem>>, vector<8x512xf32>
      %get3A_64 = arith.constant 2 : index
      %get3A_65 = arith.constant 0 : index
      %get3A_66 = vector.load %arg2[%get3A_64, %get3A_65] : memref<8x512xf32, #tpu.memory_space<vmem>>, vector<1x512xf32>
      %get3A_67 = arith.constant 2 : index
      %get3A_68 = arith.constant 0 : index
      %get3A_69 = vector.load %arg3[%get3A_67, %get3A_68] : memref<8x512xf32, #tpu.memory_space<vmem>>, vector<1x512xf32>
      %mul3A_70 = vector.broadcast %get3A_66 : vector<1x512xf32> to vector<8x512xf32>
      %mul3A_71 = arith.mulf %get3A_60, %mul3A_70 : vector<8x512xf32>
      %mul3A_72 = vector.broadcast %get3A_69 : vector<1x512xf32> to vector<8x512xf32>
      %mul3A_73 = arith.mulf %get3A_63, %mul3A_72 : vector<8x512xf32>
      %sub3A_74 = arith.subf %mul3A_71, %mul3A_73 : vector<8x512xf32>
      %swap3A_75 = arith.constant 8 : index
      %swap3A_76 = arith.constant 0 : index
      %swap3A_77 = vector.load %arg7[%swap3A_75, %swap3A_76] : memref<512x1024xf32, #tpu.memory_space<vmem>>, vector<8x512xf32>
      tpu.vector_store %arg7[%swap3A_75, %swap3A_76], %sub3A_74 {strides = array<i32>} : memref<512x1024xf32, #tpu.memory_space<vmem>>, vector<8x512xf32>,
      %mul3A_78 = vector.broadcast %get3A_66 : vector<1x512xf32> to vector<8x512xf32>
      %mul3A_79 = arith.mulf %get3A_63, %mul3A_78 : vector<8x512xf32>
      %mul3A_80 = vector.broadcast %get3A_69 : vector<1x512xf32> to vector<8x512xf32>
      %mul3A_81 = arith.mulf %get3A_60, %mul3A_80 : vector<8x512xf32>
      %add3A = arith.addf %mul3A_79, %mul3A_81 : vector<8x512xf32>
      %swap3A_82 = arith.constant 8 : index
      %swap3A_83 = arith.constant 512 : index
      %swap3A_84 = vector.load %arg7[%swap3A_82, %swap3A_83] : memref<512x1024xf32, #tpu.memory_space<vmem>>, vector<8x512xf32>
      tpu.vector_store %arg7[%swap3A_82, %swap3A_83], %add3A {strides = array<i32>} : memref<512x1024xf32, #tpu.memory_space<vmem>>, vector<8x512xf32>,
      %get3A_85 = arith.constant 0 : index
      %get3A_86 = arith.constant 0 : index
      %get3A_87 = vector.load %arg7[%get3A_85, %get3A_86] : memref<512x1024xf32, #tpu.memory_space<vmem>>, vector<16x512xf32>
      %get3A_88 = arith.constant 0 : index
      %get3A_89 = arith.constant 512 : index
      %get3A_90 = vector.load %arg7[%get3A_88, %get3A_89] : memref<512x1024xf32, #tpu.memory_space<vmem>>, vector<16x512xf32>
      %get3A_91 = arith.constant 3 : index
      %get3A_92 = arith.constant 0 : index
      %get3A_93 = vector.load %arg2[%get3A_91, %get3A_92] : memref<8x512xf32, #tpu.memory_space<vmem>>, vector<1x512xf32>
      %get3A_94 = arith.constant 3 : index
      %get3A_95 = arith.constant 0 : index
      %get3A_96 = vector.load %arg3[%get3A_94, %get3A_95] : memref<8x512xf32, #tpu.memory_space<vmem>>, vector<1x512xf32>
      %mul3A_97 = vector.broadcast %get3A_93 : vector<1x512xf32> to vector<16x512xf32>
      %mul3A_98 = arith.mulf %get3A_87, %mul3A_97 : vector<16x512xf32>
      %mul3A_99 = vector.broadcast %get3A_96 : vector<1x512xf32> to vector<16x512xf32>
      %mul3A_100 = arith.mulf %get3A_90, %mul3A_99 : vector<16x512xf32>
      %sub3A_101 = arith.subf %mul3A_98, %mul3A_100 : vector<16x512xf32>
      %swap3A_102 = arith.constant 16 : index
      %swap3A_103 = arith.constant 0 : index
      %swap3A_104 = vector.load %arg7[%swap3A_102, %swap3A_103] : memref<512x1024xf32, #tpu.memory_space<vmem>>, vector<16x512xf32>
      tpu.vector_store %arg7[%swap3A_102, %swap3A_103], %sub3A_101 {strides = array<i32>} : memref<512x1024xf32, #tpu.memory_space<vmem>>, vector<16x512xf32>,
      %mul3A_105 = vector.broadcast %get3A_93 : vector<1x512xf32> to vector<16x512xf32>
      %mul3A_106 = arith.mulf %get3A_90, %mul3A_105 : vector<16x512xf32>
      %mul3A_107 = vector.broadcast %get3A_96 : vector<1x512xf32> to vector<16x512xf32>
      %mul3A_108 = arith.mulf %get3A_87, %mul3A_107 : vector<16x512xf32>
      %add3A_109 = arith.addf %mul3A_106, %mul3A_108 : vector<16x512xf32>
      %swap3A_110 = arith.constant 16 : index
      %swap3A_111 = arith.constant 512 : index
      %swap3A_112 = vector.load %arg7[%swap3A_110, %swap3A_111] : memref<512x1024xf32, #tpu.memory_space<vmem>>, vector<16x512xf32>
      tpu.vector_store %arg7[%swap3A_110, %swap3A_111], %add3A_109 {strides = array<i32>} : memref<512x1024xf32, #tpu.memory_space<vmem>>, vector<16x512xf32>,
      %get3A_113 = arith.constant 0 : index
      %get3A_114 = arith.constant 0 : index
      %get3A_115 = vector.load %arg7[%get3A_113, %get3A_114] : memref<512x1024xf32, #tpu.memory_space<vmem>>, vector<32x512xf32>
      %get3A_116 = arith.constant 0 : index
      %get3A_117 = arith.constant 512 : index
      %get3A_118 = vector.load %arg7[%get3A_116, %get3A_117] : memref<512x1024xf32, #tpu.memory_space<vmem>>, vector<32x512xf32>
      %get3A_119 = arith.constant 4 : index
      %get3A_120 = arith.constant 0 : index
      %get3A_121 = vector.load %arg2[%get3A_119, %get3A_120] : memref<8x512xf32, #tpu.memory_space<vmem>>, vector<1x512xf32>
      %get3A_122 = arith.constant 4 : index
      %get3A_123 = arith.constant 0 : index
      %get3A_124 = vector.load %arg3[%get3A_122, %get3A_123] : memref<8x512xf32, #tpu.memory_space<vmem>>, vector<1x512xf32>
      %mul3A_125 = vector.broadcast %get3A_121 : vector<1x512xf32> to vector<32x512xf32>
      %mul3A_126 = arith.mulf %get3A_115, %mul3A_125 : vector<32x512xf32>
      %mul3A_127 = vector.broadcast %get3A_124 : vector<1x512xf32> to vector<32x512xf32>
      %mul3A_128 = arith.mulf %get3A_118, %mul3A_127 : vector<32x512xf32>
      %sub3A_129 = arith.subf %mul3A_126, %mul3A_128 : vector<32x512xf32>
      %swap3A_130 = arith.constant 32 : index
      %swap3A_131 = arith.constant 0 : index
      %swap3A_132 = vector.load %arg7[%swap3A_130, %swap3A_131] : memref<512x1024xf32, #tpu.memory_space<vmem>>, vector<32x512xf32>
      tpu.vector_store %arg7[%swap3A_130, %swap3A_131], %sub3A_129 {strides = array<i32>} : memref<512x1024xf32, #tpu.memory_space<vmem>>, vector<32x512xf32>,
      %mul3A_133 = vector.broadcast %get3A_121 : vector<1x512xf32> to vector<32x512xf32>
      %mul3A_134 = arith.mulf %get3A_118, %mul3A_133 : vector<32x512xf32>
      %mul3A_135 = vector.broadcast %get3A_124 : vector<1x512xf32> to vector<32x512xf32>
      %mul3A_136 = arith.mulf %get3A_115, %mul3A_135 : vector<32x512xf32>
      %add3A_137 = arith.addf %mul3A_134, %mul3A_136 : vector<32x512xf32>
      %swap3A_138 = arith.constant 32 : index
      %swap3A_139 = arith.constant 512 : index
      %swap3A_140 = vector.load %arg7[%swap3A_138, %swap3A_139] : memref<512x1024xf32, #tpu.memory_space<vmem>>, vector<32x512xf32>
      tpu.vector_store %arg7[%swap3A_138, %swap3A_139], %add3A_137 {strides = array<i32>} : memref<512x1024xf32, #tpu.memory_space<vmem>>, vector<32x512xf32>,
      %get3A_141 = arith.constant 0 : index
      %get3A_142 = arith.constant 0 : index
      %get3A_143 = vector.load %arg7[%get3A_141, %get3A_142] : memref<512x1024xf32, #tpu.memory_space<vmem>>, vector<64x512xf32>
      %get3A_144 = arith.constant 0 : index
      %get3A_145 = arith.constant 512 : index
      %get3A_146 = vector.load %arg7[%get3A_144, %get3A_145] : memref<512x1024xf32, #tpu.memory_space<vmem>>, vector<64x512xf32>
      %get3A_147 = arith.constant 5 : index
      %get3A_148 = arith.constant 0 : index
      %get3A_149 = vector.load %arg2[%get3A_147, %get3A_148] : memref<8x512xf32, #tpu.memory_space<vmem>>, vector<1x512xf32>
      %get3A_150 = arith.constant 5 : index
      %get3A_151 = arith.constant 0 : index
      %get3A_152 = vector.load %arg3[%get3A_150, %get3A_151] : memref<8x512xf32, #tpu.memory_space<vmem>>, vector<1x512xf32>
      %mul3A_153 = vector.broadcast %get3A_149 : vector<1x512xf32> to vector<64x512xf32>
      %mul3A_154 = arith.mulf %get3A_143, %mul3A_153 : vector<64x512xf32>
      %mul3A_155 = vector.broadcast %get3A_152 : vector<1x512xf32> to vector<64x512xf32>
      %mul3A_156 = arith.mulf %get3A_146, %mul3A_155 : vector<64x512xf32>
      %sub3A_157 = arith.subf %mul3A_154, %mul3A_156 : vector<64x512xf32>
      %swap3A_158 = arith.constant 64 : index
      %swap3A_159 = arith.constant 0 : index
      %swap3A_160 = vector.load %arg7[%swap3A_158, %swap3A_159] : memref<512x1024xf32, #tpu.memory_space<vmem>>, vector<64x512xf32>
      tpu.vector_store %arg7[%swap3A_158, %swap3A_159], %sub3A_157 {strides = array<i32>} : memref<512x1024xf32, #tpu.memory_space<vmem>>, vector<64x512xf32>,
      %mul3A_161 = vector.broadcast %get3A_149 : vector<1x512xf32> to vector<64x512xf32>
      %mul3A_162 = arith.mulf %get3A_146, %mul3A_161 : vector<64x512xf32>
      %mul3A_163 = vector.broadcast %get3A_152 : vector<1x512xf32> to vector<64x512xf32>
      %mul3A_164 = arith.mulf %get3A_143, %mul3A_163 : vector<64x512xf32>
      %add3A_165 = arith.addf %mul3A_162, %mul3A_164 : vector<64x512xf32>
      %swap3A_166 = arith.constant 64 : index
      %swap3A_167 = arith.constant 512 : index
      %swap3A_168 = vector.load %arg7[%swap3A_166, %swap3A_167] : memref<512x1024xf32, #tpu.memory_space<vmem>>, vector<64x512xf32>
      tpu.vector_store %arg7[%swap3A_166, %swap3A_167], %add3A_165 {strides = array<i32>} : memref<512x1024xf32, #tpu.memory_space<vmem>>, vector<64x512xf32>,
      %get3A_169 = arith.constant 0 : index
      %get3A_170 = arith.constant 0 : index
      %get3A_171 = vector.load %arg7[%get3A_169, %get3A_170] : memref<512x1024xf32, #tpu.memory_space<vmem>>, vector<128x512xf32>
      %get3A_172 = arith.constant 0 : index
      %get3A_173 = arith.constant 512 : index
      %get3A_174 = vector.load %arg7[%get3A_172, %get3A_173] : memref<512x1024xf32, #tpu.memory_space<vmem>>, vector<128x512xf32>
      %get3A_175 = arith.constant 6 : index
      %get3A_176 = arith.constant 0 : index
      %get3A_177 = vector.load %arg2[%get3A_175, %get3A_176] : memref<8x512xf32, #tpu.memory_space<vmem>>, vector<1x512xf32>
      %get3A_178 = arith.constant 6 : index
      %get3A_179 = arith.constant 0 : index
      %get3A_180 = vector.load %arg3[%get3A_178, %get3A_179] : memref<8x512xf32, #tpu.memory_space<vmem>>, vector<1x512xf32>
      %mul3A_181 = vector.broadcast %get3A_177 : vector<1x512xf32> to vector<128x512xf32>
      %mul3A_182 = arith.mulf %get3A_171, %mul3A_181 : vector<128x512xf32>
      %mul3A_183 = vector.broadcast %get3A_180 : vector<1x512xf32> to vector<128x512xf32>
      %mul3A_184 = arith.mulf %get3A_174, %mul3A_183 : vector<128x512xf32>
      %sub3A_185 = arith.subf %mul3A_182, %mul3A_184 : vector<128x512xf32>
      %swap3A_186 = arith.constant 128 : index
      %swap3A_187 = arith.constant 0 : index
      %swap3A_188 = vector.load %arg7[%swap3A_186, %swap3A_187] : memref<512x1024xf32, #tpu.memory_space<vmem>>, vector<128x512xf32>
      tpu.vector_store %arg7[%swap3A_186, %swap3A_187], %sub3A_185 {strides = array<i32>} : memref<512x1024xf32, #tpu.memory_space<vmem>>, vector<128x512xf32>,
      %mul3A_189 = vector.broadcast %get3A_177 : vector<1x512xf32> to vector<128x512xf32>
      %mul3A_190 = arith.mulf %get3A_174, %mul3A_189 : vector<128x512xf32>
      %mul3A_191 = vector.broadcast %get3A_180 : vector<1x512xf32> to vector<128x512xf32>
      %mul3A_192 = arith.mulf %get3A_171, %mul3A_191 : vector<128x512xf32>
      %add3A_193 = arith.addf %mul3A_190, %mul3A_192 : vector<128x512xf32>
      %swap3A_194 = arith.constant 128 : index
      %swap3A_195 = arith.constant 512 : index
      %swap3A_196 = vector.load %arg7[%swap3A_194, %swap3A_195] : memref<512x1024xf32, #tpu.memory_space<vmem>>, vector<128x512xf32>
      tpu.vector_store %arg7[%swap3A_194, %swap3A_195], %add3A_193 {strides = array<i32>} : memref<512x1024xf32, #tpu.memory_space<vmem>>, vector<128x512xf32>,
      %get3A_197 = arith.constant 0 : index
      %get3A_198 = arith.constant 0 : index
      %get3A_199 = vector.load %arg7[%get3A_197, %get3A_198] : memref<512x1024xf32, #tpu.memory_space<vmem>>, vector<256x512xf32>
      %get3A_200 = arith.constant 0 : index
      %get3A_201 = arith.constant 512 : index
      %get3A_202 = vector.load %arg7[%get3A_200, %get3A_201] : memref<512x1024xf32, #tpu.memory_space<vmem>>, vector<256x512xf32>
      %get3A_203 = arith.constant 7 : index
      %get3A_204 = arith.constant 0 : index
      %get3A_205 = vector.load %arg2[%get3A_203, %get3A_204] : memref<8x512xf32, #tpu.memory_space<vmem>>, vector<1x512xf32>
      %get3A_206 = arith.constant 7 : index
      %get3A_207 = arith.constant 0 : index
      %get3A_208 = vector.load %arg3[%get3A_206, %get3A_207] : memref<8x512xf32, #tpu.memory_space<vmem>>, vector<1x512xf32>
      %mul3A_209 = vector.broadcast %get3A_205 : vector<1x512xf32> to vector<256x512xf32>
      %mul3A_210 = arith.mulf %get3A_199, %mul3A_209 : vector<256x512xf32>
      %mul3A_211 = vector.broadcast %get3A_208 : vector<1x512xf32> to vector<256x512xf32>
      %mul3A_212 = arith.mulf %get3A_202, %mul3A_211 : vector<256x512xf32>
      %sub3A_213 = arith.subf %mul3A_210, %mul3A_212 : vector<256x512xf32>
      %swap3A_214 = arith.constant 256 : index
      %swap3A_215 = arith.constant 0 : index
      %swap3A_216 = vector.load %arg7[%swap3A_214, %swap3A_215] : memref<512x1024xf32, #tpu.memory_space<vmem>>, vector<256x512xf32>
      tpu.vector_store %arg7[%swap3A_214, %swap3A_215], %sub3A_213 {strides = array<i32>} : memref<512x1024xf32, #tpu.memory_space<vmem>>, vector<256x512xf32>,
      %mul3A_217 = vector.broadcast %get3A_205 : vector<1x512xf32> to vector<256x512xf32>
      %mul3A_218 = arith.mulf %get3A_202, %mul3A_217 : vector<256x512xf32>
      %mul3A_219 = vector.broadcast %get3A_208 : vector<1x512xf32> to vector<256x512xf32>
      %mul3A_220 = arith.mulf %get3A_199, %mul3A_219 : vector<256x512xf32>
      %add3A_221 = arith.addf %mul3A_218, %mul3A_220 : vector<256x512xf32>
      %swap3A_222 = arith.constant 256 : index
      %swap3A_223 = arith.constant 512 : index
      %swap3A_224 = vector.load %arg7[%swap3A_222, %swap3A_223] : memref<512x1024xf32, #tpu.memory_space<vmem>>, vector<256x512xf32>
      tpu.vector_store %arg7[%swap3A_222, %swap3A_223], %add3A_221 {strides = array<i32>} : memref<512x1024xf32, #tpu.memory_space<vmem>>, vector<256x512xf32>,
    } else {
    }
    %ge3A_27 = arith.constant 22 : i32
    %ge3A_28 = arith.cmpi sge, %arg0, %ge3A_27 : i32
    %lt3A_29 = arith.constant 26 : i32
    %lt3A_30 = arith.cmpi slt, %arg0, %lt3A_29 : i32
    %and3A_31 = arith.andi %ge3A_28, %lt3A_30 : i1
    %convert_element_type3A_32 = arith.extui %and3A_31 : i1 to i32
    %cond3A_33 = arith.constant 0 : i32
    %cond3A_34 = arith.cmpi ne, %convert_element_type3A_32, %cond3A_33 : i32
    scf.if %cond3A_34 {
      %sub3A = arith.constant 22 : i32
      %sub3A_35 = arith.subi %arg0, %sub3A : i32
      %iota3A = tpu.iota {dimensions = array<i32: 0>} : vector<8x1xi32>
      %convert_element_type3A_36 = arith.sitofp %iota3A : vector<8x1xi32> to vector<8x1xf32>
      %convert_element_type3A_37 = arith.sitofp %sub3A_35 : i32 to f32
      %mul3A = arith.constant 2.000000e+00 : f32
      %mul3A_38 = arith.mulf %mul3A, %convert_element_type3A_37 : f32
      %mul3A_39 = arith.constant 5.120000e+02 : f32
      %mul3A_40 = arith.mulf %mul3A_38, %mul3A_39 : f32
      %sub3A_41 = arith.constant 2.046000e+03 : f32
      %sub3A_42 = arith.subf %sub3A_41, %mul3A_40 : f32
      %mul3A_43 = arith.constant 2.000000e+00 : f32
      %mul3A_44 = vector.broadcast %mul3A_43 : f32 to vector<8x1xf32>
      %mul3A_45 = arith.mulf %mul3A_44, %convert_element_type3A_36 : vector<8x1xf32>
      %sub3A_46 = vector.broadcast %sub3A_42 : f32 to vector<8x1xf32>
      %sub3A_47 = arith.subf %sub3A_46, %mul3A_45 : vector<8x1xf32>
      %get3A = arith.constant 0 : index
      %get3A_48 = arith.constant 0 : index
      %get3A_49 = vector.load %arg1[%get3A, %get3A_48] : memref<1x512xf32, #tpu.memory_space<vmem>>, vector<1x512xf32>
      %mul3A_50 = vector.broadcast %sub3A_47 : vector<8x1xf32> to vector<8x512xf32>
      %mul3A_51 = vector.broadcast %get3A_49 : vector<1x512xf32> to vector<8x512xf32>
      %mul3A_52 = arith.mulf %mul3A_50, %mul3A_51 : vector<8x512xf32>
      %sin3A = math.sin %mul3A_52 : vector<8x512xf32>
      %swap3A = arith.constant 0 : index
      %swap3A_53 = arith.constant 0 : index
      %swap3A_54 = vector.load %arg8[%swap3A, %swap3A_53] : memref<512x1024xf32, #tpu.memory_space<vmem>>, vector<8x512xf32>
      tpu.vector_store %arg8[%swap3A, %swap3A_53], %sin3A {strides = array<i32>} : memref<512x1024xf32, #tpu.memory_space<vmem>>, vector<8x512xf32>,
      %cos3A = math.cos %mul3A_52 : vector<8x512xf32>
      %swap3A_55 = arith.constant 0 : index
      %swap3A_56 = arith.constant 512 : index
      %swap3A_57 = vector.load %arg8[%swap3A_55, %swap3A_56] : memref<512x1024xf32, #tpu.memory_space<vmem>>, vector<8x512xf32>
      tpu.vector_store %arg8[%swap3A_55, %swap3A_56], %cos3A {strides = array<i32>} : memref<512x1024xf32, #tpu.memory_space<vmem>>, vector<8x512xf32>,
      %get3A_58 = arith.constant 0 : index
      %get3A_59 = arith.constant 0 : index
      %get3A_60 = vector.load %arg8[%get3A_58, %get3A_59] : memref<512x1024xf32, #tpu.memory_space<vmem>>, vector<8x512xf32>
      %get3A_61 = arith.constant 0 : index
      %get3A_62 = arith.constant 512 : index
      %get3A_63 = vector.load %arg8[%get3A_61, %get3A_62] : memref<512x1024xf32, #tpu.memory_space<vmem>>, vector<8x512xf32>
      %get3A_64 = arith.constant 1 : index
      %get3A_65 = arith.constant 0 : index
      %get3A_66 = vector.load %arg2[%get3A_64, %get3A_65] : memref<8x512xf32, #tpu.memory_space<vmem>>, vector<1x512xf32>
      %get3A_67 = arith.constant 1 : index
      %get3A_68 = arith.constant 0 : index
      %get3A_69 = vector.load %arg3[%get3A_67, %get3A_68] : memref<8x512xf32, #tpu.memory_space<vmem>>, vector<1x512xf32>
      %mul3A_70 = vector.broadcast %get3A_66 : vector<1x512xf32> to vector<8x512xf32>
      %mul3A_71 = arith.mulf %get3A_60, %mul3A_70 : vector<8x512xf32>
      %mul3A_72 = vector.broadcast %get3A_69 : vector<1x512xf32> to vector<8x512xf32>
      %mul3A_73 = arith.mulf %get3A_63, %mul3A_72 : vector<8x512xf32>
      %sub3A_74 = arith.subf %mul3A_71, %mul3A_73 : vector<8x512xf32>
      %swap3A_75 = arith.constant 8 : index
      %swap3A_76 = arith.constant 0 : index
      %swap3A_77 = vector.load %arg8[%swap3A_75, %swap3A_76] : memref<512x1024xf32, #tpu.memory_space<vmem>>, vector<8x512xf32>
      tpu.vector_store %arg8[%swap3A_75, %swap3A_76], %sub3A_74 {strides = array<i32>} : memref<512x1024xf32, #tpu.memory_space<vmem>>, vector<8x512xf32>,
      %mul3A_78 = vector.broadcast %get3A_66 : vector<1x512xf32> to vector<8x512xf32>
      %mul3A_79 = arith.mulf %get3A_63, %mul3A_78 : vector<8x512xf32>
      %mul3A_80 = vector.broadcast %get3A_69 : vector<1x512xf32> to vector<8x512xf32>
      %mul3A_81 = arith.mulf %get3A_60, %mul3A_80 : vector<8x512xf32>
      %add3A = arith.addf %mul3A_79, %mul3A_81 : vector<8x512xf32>
      %swap3A_82 = arith.constant 8 : index
      %swap3A_83 = arith.constant 512 : index
      %swap3A_84 = vector.load %arg8[%swap3A_82, %swap3A_83] : memref<512x1024xf32, #tpu.memory_space<vmem>>, vector<8x512xf32>
      tpu.vector_store %arg8[%swap3A_82, %swap3A_83], %add3A {strides = array<i32>} : memref<512x1024xf32, #tpu.memory_space<vmem>>, vector<8x512xf32>,
      %get3A_85 = arith.constant 0 : index
      %get3A_86 = arith.constant 0 : index
      %get3A_87 = vector.load %arg8[%get3A_85, %get3A_86] : memref<512x1024xf32, #tpu.memory_space<vmem>>, vector<16x512xf32>
      %get3A_88 = arith.constant 0 : index
      %get3A_89 = arith.constant 512 : index
      %get3A_90 = vector.load %arg8[%get3A_88, %get3A_89] : memref<512x1024xf32, #tpu.memory_space<vmem>>, vector<16x512xf32>
      %get3A_91 = arith.constant 2 : index
      %get3A_92 = arith.constant 0 : index
      %get3A_93 = vector.load %arg2[%get3A_91, %get3A_92] : memref<8x512xf32, #tpu.memory_space<vmem>>, vector<1x512xf32>
      %get3A_94 = arith.constant 2 : index
      %get3A_95 = arith.constant 0 : index
      %get3A_96 = vector.load %arg3[%get3A_94, %get3A_95] : memref<8x512xf32, #tpu.memory_space<vmem>>, vector<1x512xf32>
      %mul3A_97 = vector.broadcast %get3A_93 : vector<1x512xf32> to vector<16x512xf32>
      %mul3A_98 = arith.mulf %get3A_87, %mul3A_97 : vector<16x512xf32>
      %mul3A_99 = vector.broadcast %get3A_96 : vector<1x512xf32> to vector<16x512xf32>
      %mul3A_100 = arith.mulf %get3A_90, %mul3A_99 : vector<16x512xf32>
      %sub3A_101 = arith.subf %mul3A_98, %mul3A_100 : vector<16x512xf32>
      %swap3A_102 = arith.constant 16 : index
      %swap3A_103 = arith.constant 0 : index
      %swap3A_104 = vector.load %arg8[%swap3A_102, %swap3A_103] : memref<512x1024xf32, #tpu.memory_space<vmem>>, vector<16x512xf32>
      tpu.vector_store %arg8[%swap3A_102, %swap3A_103], %sub3A_101 {strides = array<i32>} : memref<512x1024xf32, #tpu.memory_space<vmem>>, vector<16x512xf32>,
      %mul3A_105 = vector.broadcast %get3A_93 : vector<1x512xf32> to vector<16x512xf32>
      %mul3A_106 = arith.mulf %get3A_90, %mul3A_105 : vector<16x512xf32>
      %mul3A_107 = vector.broadcast %get3A_96 : vector<1x512xf32> to vector<16x512xf32>
      %mul3A_108 = arith.mulf %get3A_87, %mul3A_107 : vector<16x512xf32>
      %add3A_109 = arith.addf %mul3A_106, %mul3A_108 : vector<16x512xf32>
      %swap3A_110 = arith.constant 16 : index
      %swap3A_111 = arith.constant 512 : index
      %swap3A_112 = vector.load %arg8[%swap3A_110, %swap3A_111] : memref<512x1024xf32, #tpu.memory_space<vmem>>, vector<16x512xf32>
      tpu.vector_store %arg8[%swap3A_110, %swap3A_111], %add3A_109 {strides = array<i32>} : memref<512x1024xf32, #tpu.memory_space<vmem>>, vector<16x512xf32>,
      %get3A_113 = arith.constant 0 : index
      %get3A_114 = arith.constant 0 : index
      %get3A_115 = vector.load %arg8[%get3A_113, %get3A_114] : memref<512x1024xf32, #tpu.memory_space<vmem>>, vector<32x512xf32>
      %get3A_116 = arith.constant 0 : index
      %get3A_117 = arith.constant 512 : index
      %get3A_118 = vector.load %arg8[%get3A_116, %get3A_117] : memref<512x1024xf32, #tpu.memory_space<vmem>>, vector<32x512xf32>
      %get3A_119 = arith.constant 3 : index
      %get3A_120 = arith.constant 0 : index
      %get3A_121 = vector.load %arg2[%get3A_119, %get3A_120] : memref<8x512xf32, #tpu.memory_space<vmem>>, vector<1x512xf32>
      %get3A_122 = arith.constant 3 : index
      %get3A_123 = arith.constant 0 : index
      %get3A_124 = vector.load %arg3[%get3A_122, %get3A_123] : memref<8x512xf32, #tpu.memory_space<vmem>>, vector<1x512xf32>
      %mul3A_125 = vector.broadcast %get3A_121 : vector<1x512xf32> to vector<32x512xf32>
      %mul3A_126 = arith.mulf %get3A_115, %mul3A_125 : vector<32x512xf32>
      %mul3A_127 = vector.broadcast %get3A_124 : vector<1x512xf32> to vector<32x512xf32>
      %mul3A_128 = arith.mulf %get3A_118, %mul3A_127 : vector<32x512xf32>
      %sub3A_129 = arith.subf %mul3A_126, %mul3A_128 : vector<32x512xf32>
      %swap3A_130 = arith.constant 32 : index
      %swap3A_131 = arith.constant 0 : index
      %swap3A_132 = vector.load %arg8[%swap3A_130, %swap3A_131] : memref<512x1024xf32, #tpu.memory_space<vmem>>, vector<32x512xf32>
      tpu.vector_store %arg8[%swap3A_130, %swap3A_131], %sub3A_129 {strides = array<i32>} : memref<512x1024xf32, #tpu.memory_space<vmem>>, vector<32x512xf32>,
      %mul3A_133 = vector.broadcast %get3A_121 : vector<1x512xf32> to vector<32x512xf32>
      %mul3A_134 = arith.mulf %get3A_118, %mul3A_133 : vector<32x512xf32>
      %mul3A_135 = vector.broadcast %get3A_124 : vector<1x512xf32> to vector<32x512xf32>
      %mul3A_136 = arith.mulf %get3A_115, %mul3A_135 : vector<32x512xf32>
      %add3A_137 = arith.addf %mul3A_134, %mul3A_136 : vector<32x512xf32>
      %swap3A_138 = arith.constant 32 : index
      %swap3A_139 = arith.constant 512 : index
      %swap3A_140 = vector.load %arg8[%swap3A_138, %swap3A_139] : memref<512x1024xf32, #tpu.memory_space<vmem>>, vector<32x512xf32>
      tpu.vector_store %arg8[%swap3A_138, %swap3A_139], %add3A_137 {strides = array<i32>} : memref<512x1024xf32, #tpu.memory_space<vmem>>, vector<32x512xf32>,
      %get3A_141 = arith.constant 0 : index
      %get3A_142 = arith.constant 0 : index
      %get3A_143 = vector.load %arg8[%get3A_141, %get3A_142] : memref<512x1024xf32, #tpu.memory_space<vmem>>, vector<64x512xf32>
      %get3A_144 = arith.constant 0 : index
      %get3A_145 = arith.constant 512 : index
      %get3A_146 = vector.load %arg8[%get3A_144, %get3A_145] : memref<512x1024xf32, #tpu.memory_space<vmem>>, vector<64x512xf32>
      %get3A_147 = arith.constant 4 : index
      %get3A_148 = arith.constant 0 : index
      %get3A_149 = vector.load %arg2[%get3A_147, %get3A_148] : memref<8x512xf32, #tpu.memory_space<vmem>>, vector<1x512xf32>
      %get3A_150 = arith.constant 4 : index
      %get3A_151 = arith.constant 0 : index
      %get3A_152 = vector.load %arg3[%get3A_150, %get3A_151] : memref<8x512xf32, #tpu.memory_space<vmem>>, vector<1x512xf32>
      %mul3A_153 = vector.broadcast %get3A_149 : vector<1x512xf32> to vector<64x512xf32>
      %mul3A_154 = arith.mulf %get3A_143, %mul3A_153 : vector<64x512xf32>
      %mul3A_155 = vector.broadcast %get3A_152 : vector<1x512xf32> to vector<64x512xf32>
      %mul3A_156 = arith.mulf %get3A_146, %mul3A_155 : vector<64x512xf32>
      %sub3A_157 = arith.subf %mul3A_154, %mul3A_156 : vector<64x512xf32>
      %swap3A_158 = arith.constant 64 : index
      %swap3A_159 = arith.constant 0 : index
      %swap3A_160 = vector.load %arg8[%swap3A_158, %swap3A_159] : memref<512x1024xf32, #tpu.memory_space<vmem>>, vector<64x512xf32>
      tpu.vector_store %arg8[%swap3A_158, %swap3A_159], %sub3A_157 {strides = array<i32>} : memref<512x1024xf32, #tpu.memory_space<vmem>>, vector<64x512xf32>,
      %mul3A_161 = vector.broadcast %get3A_149 : vector<1x512xf32> to vector<64x512xf32>
      %mul3A_162 = arith.mulf %get3A_146, %mul3A_161 : vector<64x512xf32>
      %mul3A_163 = vector.broadcast %get3A_152 : vector<1x512xf32> to vector<64x512xf32>
      %mul3A_164 = arith.mulf %get3A_143, %mul3A_163 : vector<64x512xf32>
      %add3A_165 = arith.addf %mul3A_162, %mul3A_164 : vector<64x512xf32>
      %swap3A_166 = arith.constant 64 : index
      %swap3A_167 = arith.constant 512 : index
      %swap3A_168 = vector.load %arg8[%swap3A_166, %swap3A_167] : memref<512x1024xf32, #tpu.memory_space<vmem>>, vector<64x512xf32>
      tpu.vector_store %arg8[%swap3A_166, %swap3A_167], %add3A_165 {strides = array<i32>} : memref<512x1024xf32, #tpu.memory_space<vmem>>, vector<64x512xf32>,
      %get3A_169 = arith.constant 0 : index
      %get3A_170 = arith.constant 0 : index
      %get3A_171 = vector.load %arg8[%get3A_169, %get3A_170] : memref<512x1024xf32, #tpu.memory_space<vmem>>, vector<128x512xf32>
      %get3A_172 = arith.constant 0 : index
      %get3A_173 = arith.constant 512 : index
      %get3A_174 = vector.load %arg8[%get3A_172, %get3A_173] : memref<512x1024xf32, #tpu.memory_space<vmem>>, vector<128x512xf32>
      %get3A_175 = arith.constant 5 : index
      %get3A_176 = arith.constant 0 : index
      %get3A_177 = vector.load %arg2[%get3A_175, %get3A_176] : memref<8x512xf32, #tpu.memory_space<vmem>>, vector<1x512xf32>
      %get3A_178 = arith.constant 5 : index
      %get3A_179 = arith.constant 0 : index
      %get3A_180 = vector.load %arg3[%get3A_178, %get3A_179] : memref<8x512xf32, #tpu.memory_space<vmem>>, vector<1x512xf32>
      %mul3A_181 = vector.broadcast %get3A_177 : vector<1x512xf32> to vector<128x512xf32>
      %mul3A_182 = arith.mulf %get3A_171, %mul3A_181 : vector<128x512xf32>
      %mul3A_183 = vector.broadcast %get3A_180 : vector<1x512xf32> to vector<128x512xf32>
      %mul3A_184 = arith.mulf %get3A_174, %mul3A_183 : vector<128x512xf32>
      %sub3A_185 = arith.subf %mul3A_182, %mul3A_184 : vector<128x512xf32>
      %swap3A_186 = arith.constant 128 : index
      %swap3A_187 = arith.constant 0 : index
      %swap3A_188 = vector.load %arg8[%swap3A_186, %swap3A_187] : memref<512x1024xf32, #tpu.memory_space<vmem>>, vector<128x512xf32>
      tpu.vector_store %arg8[%swap3A_186, %swap3A_187], %sub3A_185 {strides = array<i32>} : memref<512x1024xf32, #tpu.memory_space<vmem>>, vector<128x512xf32>,
      %mul3A_189 = vector.broadcast %get3A_177 : vector<1x512xf32> to vector<128x512xf32>
      %mul3A_190 = arith.mulf %get3A_174, %mul3A_189 : vector<128x512xf32>
      %mul3A_191 = vector.broadcast %get3A_180 : vector<1x512xf32> to vector<128x512xf32>
      %mul3A_192 = arith.mulf %get3A_171, %mul3A_191 : vector<128x512xf32>
      %add3A_193 = arith.addf %mul3A_190, %mul3A_192 : vector<128x512xf32>
      %swap3A_194 = arith.constant 128 : index
      %swap3A_195 = arith.constant 512 : index
      %swap3A_196 = vector.load %arg8[%swap3A_194, %swap3A_195] : memref<512x1024xf32, #tpu.memory_space<vmem>>, vector<128x512xf32>
      tpu.vector_store %arg8[%swap3A_194, %swap3A_195], %add3A_193 {strides = array<i32>} : memref<512x1024xf32, #tpu.memory_space<vmem>>, vector<128x512xf32>,
      %get3A_197 = arith.constant 0 : index
      %get3A_198 = arith.constant 0 : index
      %get3A_199 = vector.load %arg8[%get3A_197, %get3A_198] : memref<512x1024xf32, #tpu.memory_space<vmem>>, vector<256x512xf32>
      %get3A_200 = arith.constant 0 : index
      %get3A_201 = arith.constant 512 : index
      %get3A_202 = vector.load %arg8[%get3A_200, %get3A_201] : memref<512x1024xf32, #tpu.memory_space<vmem>>, vector<256x512xf32>
      %get3A_203 = arith.constant 6 : index
      %get3A_204 = arith.constant 0 : index
      %get3A_205 = vector.load %arg2[%get3A_203, %get3A_204] : memref<8x512xf32, #tpu.memory_space<vmem>>, vector<1x512xf32>
      %get3A_206 = arith.constant 6 : index
      %get3A_207 = arith.constant 0 : index
      %get3A_208 = vector.load %arg3[%get3A_206, %get3A_207] : memref<8x512xf32, #tpu.memory_space<vmem>>, vector<1x512xf32>
      %mul3A_209 = vector.broadcast %get3A_205 : vector<1x512xf32> to vector<256x512xf32>
      %mul3A_210 = arith.mulf %get3A_199, %mul3A_209 : vector<256x512xf32>
      %mul3A_211 = vector.broadcast %get3A_208 : vector<1x512xf32> to vector<256x512xf32>
      %mul3A_212 = arith.mulf %get3A_202, %mul3A_211 : vector<256x512xf32>
      %sub3A_213 = arith.subf %mul3A_210, %mul3A_212 : vector<256x512xf32>
      %swap3A_214 = arith.constant 256 : index
      %swap3A_215 = arith.constant 0 : index
      %swap3A_216 = vector.load %arg8[%swap3A_214, %swap3A_215] : memref<512x1024xf32, #tpu.memory_space<vmem>>, vector<256x512xf32>
      tpu.vector_store %arg8[%swap3A_214, %swap3A_215], %sub3A_213 {strides = array<i32>} : memref<512x1024xf32, #tpu.memory_space<vmem>>, vector<256x512xf32>,
      %mul3A_217 = vector.broadcast %get3A_205 : vector<1x512xf32> to vector<256x512xf32>
      %mul3A_218 = arith.mulf %get3A_202, %mul3A_217 : vector<256x512xf32>
      %mul3A_219 = vector.broadcast %get3A_208 : vector<1x512xf32> to vector<256x512xf32>
      %mul3A_220 = arith.mulf %get3A_199, %mul3A_219 : vector<256x512xf32>
      %add3A_221 = arith.addf %mul3A_218, %mul3A_220 : vector<256x512xf32>
      %swap3A_222 = arith.constant 256 : index
      %swap3A_223 = arith.constant 512 : index
      %swap3A_224 = vector.load %arg8[%swap3A_222, %swap3A_223] : memref<512x1024xf32, #tpu.memory_space<vmem>>, vector<256x512xf32>
      tpu.vector_store %arg8[%swap3A_222, %swap3A_223], %add3A_221 {strides = array<i32>} : memref<512x1024xf32, #tpu.memory_space<vmem>>, vector<256x512xf32>,
    } else {
    }
    return
  }
  func.func @transform_0(%arg0: i32) -> (i32, i32) {
    %c0_i32 = arith.constant 0 : i32
    %c0_i32_0 = arith.constant 0 : i32
    %c0_i32_1 = arith.constant 0 : i32
    return %c0_i32, %c0_i32_0 : i32, i32
  }
  func.func @transform_1(%arg0: i32) -> (i32, i32) {
    %c0_i32 = arith.constant 0 : i32
    %c0_i32_0 = arith.constant 0 : i32
    %c0_i32_1 = arith.constant 0 : i32
    return %c0_i32, %c0_i32_0 : i32, i32
  }
  func.func @transform_2(%arg0: i32) -> (i32, i32) {
    %c0_i32 = arith.constant 0 : i32
    %c0_i32_0 = arith.constant 0 : i32
    %c0_i32_1 = arith.constant 0 : i32
    return %c0_i32, %c0_i32_0 : i32, i32
  }
  func.func @transform_3(%arg0: i32) -> (i32, i32) {
    %sub3A = arith.constant 0 : i32
    %sub3A_0 = arith.subi %arg0, %sub3A : i32
    %jit3A = arith.constant 0 : i32
    %jit3A_1 = arith.constant 7 : i32
    %max3A = arith.maxsi %jit3A, %sub3A_0 : i32
    %min3A = arith.minsi %jit3A_1, %max3A : i32
    %c0_i32 = arith.constant 0 : i32
    %c0_i32_2 = arith.constant 0 : i32
    return %min3A, %c0_i32 : i32, i32
  }
  func.func @transform_4(%arg0: i32) -> (i32, i32) {
    %sub3A = arith.constant 8 : i32
    %sub3A_0 = arith.subi %arg0, %sub3A : i32
    %jit3A = arith.constant 0 : i32
    %jit3A_1 = arith.constant 3 : i32
    %max3A = arith.maxsi %jit3A, %sub3A_0 : i32
    %min3A = arith.minsi %jit3A_1, %max3A : i32
    %c0_i32 = arith.constant 0 : i32
    %c0_i32_2 = arith.constant 0 : i32
    return %min3A, %c0_i32 : i32, i32
  }
  func.func @transform_5(%arg0: i32) -> (i32, i32) {
    %sub3A = arith.constant 12 : i32
    %sub3A_0 = arith.subi %arg0, %sub3A : i32
    %jit3A = arith.constant 0 : i32
    %jit3A_1 = arith.constant 7 : i32
    %max3A = arith.maxsi %jit3A, %sub3A_0 : i32
    %min3A = arith.minsi %jit3A_1, %max3A : i32
    %c0_i32 = arith.constant 0 : i32
    %c0_i32_2 = arith.constant 0 : i32
    return %min3A, %c0_i32 : i32, i32
  }
  func.func @transform_6(%arg0: i32) -> (i32, i32) {
    %sub3A = arith.constant 20 : i32
    %sub3A_0 = arith.subi %arg0, %sub3A : i32
    %jit3A = arith.constant 0 : i32
    %jit3A_1 = arith.constant 1 : i32
    %max3A = arith.maxsi %jit3A, %sub3A_0 : i32
    %min3A = arith.minsi %jit3A_1, %max3A : i32
    %c0_i32 = arith.constant 0 : i32
    %c0_i32_2 = arith.constant 0 : i32
    return %min3A, %c0_i32 : i32, i32
  }
  func.func @transform_7(%arg0: i32) -> (i32, i32) {
    %sub3A = arith.constant 22 : i32
    %sub3A_0 = arith.subi %arg0, %sub3A : i32
    %jit3A = arith.constant 0 : i32
    %jit3A_1 = arith.constant 3 : i32
    %max3A = arith.maxsi %jit3A, %sub3A_0 : i32
    %min3A = arith.minsi %jit3A_1, %max3A : i32
    %c0_i32 = arith.constant 0 : i32
    %c0_i32_2 = arith.constant 0 : i32
    return %min3A, %c0_i32 : i32, i32
  }
}

</mosaic_0001>

<sc_bundles>
// kernel: kernel.5.cloned.1.call-start
scs
__scs_entry_jumppad:
0x0: {  	(pc) =	sbr.rel $0x88, $3  }
0x1: {  	(tag) =	ssettag $0x0;
	lr =	simm.s32 $0x1  }
0x2: {  	[smem:$0x3F9F] =	sst lr;
	_ =	strace $0xD0000000  }
0x3: {  	_ = 	snop  }
0x4: {  	_ = 	snop  }
0x5: {  	_ = 	snop  }
0x6: {  	_ = 	snop  }
0x7: {  	_ = 	snop  }
__scs_overlays_trampoline_lowered:
0x8: {  	[smem:$0x3FAE] =	sst s0  }
0x9: {  	[smem:$0x3FAF] =	sst s1  }
0xa: {  	[smem:$0x3FB0] =	sst s2  }
0xb: {  	[smem:$0x3FB1] =	sst s3  }
0xc: {  	[smem:$0x3FB2] =	sst s4  }
0xd: {  	[smem:$0x3FB3] =	sst s5  }
0xe: {  	[smem:$0x3FB4] =	sst s6  }
0xf: {  	[smem:$0x3FB5] =	sst s7  }
0x10: {  	[smem:$0x3FB6] =	sst s8  }
0x11: {  	[smem:$0x3FB7] =	sst s9;
	s0 =	simm.s32 @!p0 $0x0  }
0x12: {  	s1 =	sld [smem:$0x3F9D];
	s0 =	simm.s32 @p0 $0x1  }
0x13: {  	[smem:$0x3FB8] =	sst s0;
	s0 =	simm.s32 @!p1 $0x0  }
0x14: {  	s2 =	sld [smem:$0x3F9C];
	s0 =	simm.s32 @p1 $0x1  }
0x15: {  	[smem:$0x3FB9] =	sst s0;
	s0 =	simm.s32 @!p2 $0x0  }
0x16: {  	s3 =	sld [smem:$0x3FDB];
	s0 =	simm.s32 @p2 $0x1  }
0x17: {  	s4 =	simm.s32 $0x1BF5;
	[smem:$0x3FBB] =	sst s0  }
0x18: {  	s0 =	sld [smem:$0x3F9E];
	_ =	swait.ge [sflag:s4], $0x0  }
0x19: {  	s7 =	sld [smem:$0x3F9F]  }
0x1a: {  	s8 =	sadd.s32 $0xFFFFE003, lr  }
0x1b: {  	s9 =	sadd.s32 $0xFFFFFEF7, lr;
	s5 =	simm.s32 $0xFFFFFFFF;
	p2 =	slt.u32 s8, $0xFFFFF086  }
0x1c: {  	p1 =	slt.u32 s9, $0xF7A;
	s5 =	simm.s32 @!p2 $0x0  }
0x1d: {  	s5 =	simm.s32 @p1 $0x1;
	p0 =	seq.s32 s7, s2  }
0x1e: {  	s7 =	smul.u32 @!p0 $0xF7A, s2;
	p2 =	seq.s32 @!p0 s5, $0x0  }
0x1f: {  	s9 =	smul.u32 $0xF7A, s1;
	s8 =	simm.s32 @!p0 $0x1BF5;
	p2 =	por !p2, p0  }
0x20: {  	[sflag:s8] =	ssyncset.s32 @!p0 $0xFFFFF086;
	s6 =	sadd.s32 @!p0 s3, s7;
	s7 =	simm.s32 @!p0 $0x108  }
0x21: {  	s3 =	sadd.s32 s3, s9;
	s6 =	sadd.s32 @!p0 $0x88, s6;
	s7 =	simm.s32 @p2 $0x1082  }
0x22: {  	[simem:s7], [sflag:s8] =	dma.local @!p0 [hbm:s6], $0xF7A  }
0x23: {  	s9 =	sor.u32 $0xD0000000, s2;
	s6 =	simm.s32 $0x108;
	_ =	swait.ge @!p0 [sflag:s8], $0x0  }
0x24: {  	s3 =	sadd.s32 $0x88, s3;
	s6 =	simm.s32 @!p1 $0x1082;
	[sflag:s4] =	ssyncset.s32 $0xFFFFF086  }
0x25: {  	[simem:s6], [sflag:s4] =	dma.local [hbm:s3], $0xF7A  }
0x26: {  	[smem:$0x3F9F] =	sst s1;
	(tag) =	ssettag s2;
	_ =	strace s9  }
0x27: {  	s1 =	sld [smem:$0x3FAF]  }
0x28: {  	s2 =	sld [smem:$0x3FB0]  }
0x29: {  	s4 =	sld [smem:$0x3FB2]  }
0x2a: {  	p0 =	seq.s32 s5, $0x0;
	s5 =	sld [smem:$0x3FB3]  }
0x2b: {  	s6 =	sld [smem:$0x3FB4]  }
0x2c: {  	s7 =	sld [smem:$0x3FB5]  }
0x2d: {  	s3 =	simm.s32 $0x108;
	s8 =	sld [smem:$0x3FB6]  }
0x2e: {  	s3 =	simm.s32 @!p0 $0x1082;
	s9 =	sld [smem:$0x3FB7]  }
0x2f: {  	lr =	sadd.s32 s0, s3;
	s0 =	sld [smem:$0x3FAE]  }
0x30: {  	s3 =	sld [smem:$0x3FB1]  }
0x31: {  	[smem:$0x3FBA] =	sst s10  }
0x32: {  	s10 =	sld [smem:$0x3FB8];
	_ =	sdelay $0x3  }
0x33: {  	p0 =	seq.s32 s10, $0x1;
	s10 =	sld [smem:$0x3FBA];
	_ =	sdelay $0x3  }
0x34: {  	[smem:$0x3FBA] =	sst s10  }
0x35: {  	s10 =	sld [smem:$0x3FB9];
	_ =	sdelay $0x3  }
0x36: {  	p1 =	seq.s32 s10, $0x1;
	s10 =	sld [smem:$0x3FBA];
	_ =	sdelay $0x3  }
0x37: {  	[smem:$0x3FBA] =	sst s10  }
0x38: {  	s10 =	sld [smem:$0x3FBB]  }
0x39: {  	_ = 	snop;
	(pc) =	sbr.ind lr, $3  }
0x3a: {  	_ = 	snop  }
0x3b: {  	_ = 	snop  }
0x3c: {  	p2 =	seq.s32 s10, $0x1;
	s10 =	sld [smem:$0x3FBA]  }
0x3d: {  	_ =	shalt  }
0x3e: {  	_ =	shalt  }
0x3f: {  	_ =	shalt  }
0x40: {  	_ =	shalt  }
0x41: {  	_ =	shalt  }
0x42: {  	_ =	shalt  }
0x43: {  	_ =	shalt  }
0x44: {  	_ =	shalt  }
0x45: {  	_ =	shalt  }
0x46: {  	_ =	shalt  }
0x47: {  	_ =	shalt  }
0x48: {  	_ =	shalt  }
0x49: {  	_ =	shalt  }
0x4a: {  	_ =	shalt  }
0x4b: {  	_ =	shalt  }
0x4c: {  	_ =	shalt  }
0x4d: {  	_ =	shalt  }
0x4e: {  	_ =	shalt  }
0x4f: {  	_ =	shalt  }
0x50: {  	_ =	shalt  }
0x51: {  	_ =	shalt  }
0x52: {  	_ =	shalt  }
0x53: {  	_ =	shalt  }
0x54: {  	_ =	shalt  }
0x55: {  	_ =	shalt  }
0x56: {  	_ =	shalt  }
0x57: {  	_ =	shalt  }
0x58: {  	_ =	shalt  }
0x59: {  	_ =	shalt  }
0x5a: {  	_ =	shalt  }
0x5b: {  	_ =	shalt  }
0x5c: {  	_ =	shalt  }
0x5d: {  	_ =	shalt  }
0x5e: {  	_ =	shalt  }
0x5f: {  	_ =	shalt  }
0x60: {  	_ =	shalt  }
0x61: {  	_ =	shalt  }
0x62: {  	_ =	shalt  }
0x63: {  	_ =	shalt  }
0x64: {  	_ =	shalt  }
0x65: {  	_ =	shalt  }
0x66: {  	_ =	shalt  }
0x67: {  	_ =	shalt  }
0x68: {  	_ =	shalt  }
0x69: {  	_ =	shalt  }
0x6a: {  	_ =	shalt  }
0x6b: {  	_ =	shalt  }
0x6c: {  	_ =	shalt  }
0x6d: {  	_ =	shalt  }
0x6e: {  	_ =	shalt  }
0x6f: {  	_ =	shalt  }
0x70: {  	_ =	shalt  }
0x71: {  	_ =	shalt  }
0x72: {  	_ =	shalt  }
0x73: {  	_ =	shalt  }
0x74: {  	_ =	shalt  }
0x75: {  	_ =	shalt  }
0x76: {  	_ =	shalt  }
0x77: {  	_ =	shalt  }
0x78: {  	_ =	shalt  }
0x79: {  	_ =	shalt  }
0x7a: {  	_ =	shalt  }
0x7b: {  	_ =	shalt  }
0x7c: {  	_ =	shalt  }
0x7d: {  	_ =	shalt  }
0x7e: {  	_ =	shalt  }
0x7f: {  	_ =	shalt  }
0x80: {  	_ =	shalt  }
0x81: {  	_ =	shalt  }
0x82: {  	_ =	shalt  }
0x83: {  	_ =	shalt  }
0x84: {  	_ =	shalt  }
0x85: {  	_ =	shalt  }
0x86: {  	_ =	shalt  }
0x87: {  	_ =	shalt  }
.Lfunc_end0:
.L_simem_size_0:
called_computation_lowered:
.L_overlay_start_0:
0x88: {  	s2 =	sld [smem:$0x3FD9]  }
0x89: {  	s3 =	sld [smem:$0x3FFE];
	_ =	sdelay $0x1  }
0x8a: {  	s1 =	srdreg.scid  }
0x8b: {  	s0 =	sand.u32 $0x1, s1  }
0x8c: {  	s15 =	sshll.u32 s0, $0xA;
	s2 =	sadd.s32 s3, s2  }
0x8d: {  	s2 =	sadd.s32 s2, s15  }
0x8e: {  	[smem:$0x3FC6] =	sst s2  }
0x8f: {  	_ = 	snop  }
0x90: {  	s2 =	sld [smem:$0x3FD0];
	_ =	sdelay $0x2  }
0x91: {  	s16 =	simm.s32 $0xA;
	s4 =	simm.s32 $0x10  }
0x92: {  	[smem:s4], [sflag:s16] =	dma.local [hbm:s2], $0x1  }
0x93: {  	_ =	swait.eq [sflag:s16], $0x1  }
0x94: {  	[sflag:s16] =	ssyncset.done $0x0  }
0x95: {  	[sflag:s16] =	ssyncadd.s32 $0xFFFFFFFF  }
0x96: {  	s17 =	sld [smem:$0x17];
	(tm) =	ssettm $0x1  }
0x97: {  	s18 =	sld [smem:$0x3FFB];
	_ =	sdelay $0x3  }
0x98: {  	_ =	strace s18  }
0x99: {  	s3 =	sld [smem:$0x3FFC];
	_ =	sdelay $0x3  }
0x9a: {  	_ =	strace s3  }
0x9b: {  	s3 =	sld [smem:$0x3FFD];
	_ =	sdelay $0x3  }
0x9c: {  	_ =	strace s3  }
0x9d: {  	_ =	strace $0x8FFFFFFF  }
0x9e: {  	s19 =	sld [smem:$0x3FDB];
	_ =	sdelay $0x1  }
0x9f: {  	s20 =	simm.s32 $_scs_section_size  }
0xa0: {  	s5 =	simm.s32 $_size__tile_overlayer_lowered;
	s6 =	simm.s32 $_tile_overlayer_lowered  }
0xa1: {  	s23 =	simm.s32 $0x1BFF;
	s22 =	sshll.u32 s6, $0x1;
	s3 =	sadd.s32 s20, s19  }
0xa2: {  	s7 =	simm.s32 $0x0;
	s21 =	sshll.u32 s5, $0x1;
	s5 =	sadd.s32 s22, s3  }
0xa3: {  	[timem:s7], [sflag:s23] =	dma.local [hbm:s5], s21  }
0xa4: {  	_ =	swait.ge [sflag:s23], s21  }
0xa5: {  	s4 =	ssub.s32 $0x0, s21;
	[sflag:s23] =	ssyncset.done $0x0  }
0xa6: {  	[sflag:s23] =	ssyncadd.s32 s4;
	_ =	sdelay $0x1  }
0xa7: {  	s24 =	simm.s32 $0x1B8B  }
0xa8: {  	_ =	swait.ge [sflag:s24], $0x1  }
0xa9: {  	[sflag:s24] =	ssyncset.done $0x0  }
0xaa: {  	s25 =	simm.s32 $0x1B8E;
	[sflag:s24] =	ssyncadd.s32 $0xFFFFFFFF  }
0xab: {  	s26 =	simm.s32 $execute0_lowered;
	[smem:$0x3FD2] =	sst s25  }
0xac: {  	s4 =	sshll.u32 s26, $0x1;
	_ =	strace $0x80000046;
	[dreg:$0x1] =	wrdreg $0xFFFFFFFF  }
0xad: {  	s28 =	simm.s32 $_size_execute0_lowered;
	s3 =	sadd.s32 s3, s4;
	[dreg:$0x0] =	wrdreg $0x0  }
0xae: {  	s4 =	sshll.u32 s28, $0x1;
	[dreg:$0x2] =	wrdreg s3  }
0xaf: {  	[dreg:$0x3] =	wrdreg s4  }
0xb0: {  	[dreg:$0x4] =	wrdreg $0xC0  }
0xb1: {  	_ =	task [dreg:s7], $0x5FFFF  }
0xb2: {  	[dreg:$0x1] =	wrdreg $0xFFFFFFFF  }
0xb3: {  	[dreg:$0x0] =	wrdreg $0x60  }
0xb4: {  	[dreg:$0x2] =	wrdreg s17  }
0xb5: {  	[dreg:$0x3] =	wrdreg $0x9  }
0xb6: {  	_ =	task.clear_ibuf [dreg:s7], $0x4FFFF;
	_ =	strace $0x90000046  }
0xb7: {  	s29 =	simm.s32 $0x9;
	_ =	strace $0x80000048  }
0xb8: {  	_ =	swait.ge [sflag:s29], $0x1  }
0xb9: {  	[sflag:s29] =	ssyncadd.s32 $0xFFFFFFFF  }
0xba: {  	_ =	strace $0x90000048  }
0xbb: {  	_ =	sfence  }
0xbc: {  	s30 =	sld [smem:$0x0];
	_ =	sdelay $0x2  }
0xbd: {  	s31 =	sshll.u32 s1, $0xD;
	s1 =	sshrl.u32 s1, $0x2  }
0xbe: {  	s3 =	sand.u32 $0x4000, s31;
	s1 =	sadd.s32 s1, s30  }
0xbf: {  	s0 =	sor.u32 s3, s0;
	s1 =	sshll.u32 s1, $0x11  }
0xc0: {  	s0 =	sor.u32 s1, s0  }
0xc1: {  	s0 =	sadd.s32 $0x8F2B, s0  }
0xc2: {  	[sflag:s0] =	ssyncadd.remote.s32 $0x1  }
0xc3: {  	_ =	sfence.sel $0xFFFF  }
0xc4: {  	[dreg:$0x0] =	wrdreg $0xFFFFFFFF;
	(pc) =	sbr.abs _section_cstart, $3  }
0xc5: {  	[dreg:$0x1] =	wrdreg $0xFFFFFFFF  }
0xc6: {  	_ =	task.clear_ibuf [dreg:s7], $0x2FFFF;
	_ =	strace $0x9FFFFFFF  }
0xc7: {  	(tm) =	ssettm $0x7FFFFFFF  }
tec
execute0_lowered:
.L_overlay_start_1:
0x0: {  	(tag) =	ssettag $0x1  }
0x1: {  	s1 =	srdreg.scid;
	s0 =	stileid.u32  }
0x2: {  	s2 =	rddreg [dreg:$0x0];
	s14 =	simm.s32 $0x80;
	s15 =	simm.s32 $0x400  }
0x3: {  	s16 =	simm.s32 $0x4000;
	s4 =	sand.u32 $0x1, s1;
	s3 =	sshll.u32 s0, $0x1  }
0x4: {  	s1 =	rddreg [dreg:$0x1];
	s13 =	sor.u32 s4, s3;
	s3 =	simm.s32 $0x0  }
0x5: {  	s5 =	ssub.s32 $0x2, s4;
	s31 =	sshll.u32 s13, $0xE;
	[smem:$0x7FF] =	sst s3  }
.Ltmp0:
0x6: {  	s6 =	sshrl.u32 s5, $0x1;
	p0 =	sne.s32 s13, $0x0;
	(pc) =	sbr.rel .LBB2_1-.Ltmp0, $4  }
0x7: {  	s13 =	simm.s32 $0x1;
	s4 =	sadd.s32 s2, s31;
	_ =	strace $0x80000047  }
0x8: {  	s12 =	ssub.s32 s5, s6;
	s5 =	sadd.s32 $0x800, s4;
	s6 =	sadd.s32 $0x1000, s4  }
0x9: {  	v0 =	vimm.f32 $1.000000000e+00;
	vm0 =	vcmask $0x300;
	s7 =	sadd.s32 $0x1800, s4;
	s8 =	sadd.s32 $0x2000, s4;
	s9 =	sadd.s32 $0x2800, s4  }
0xa: {  	v2 =	vimm.f32 $0.0e+00;
	v1 =	vsel vm0, $0x0, v0;
	s10 =	sadd.s32 $0x3000, s4;
	s11 =	sadd.s32 $0x3800, s4;
	s12 =	smax.u32 s12, $0x1  }
.LBB2_20:
0xb: {  	[tilespmem:s18+$0x4070] =	vst v2  }
0xc: {  	[tilespmem:s18+$0x4000] =	vst v2  }
0xd: {  	[tilespmem:s18+$0x4010] =	vst v2  }
0xe: {  	[tilespmem:s18+$0x4020] =	vst v2  }
0xf: {  	[tilespmem:s18+$0x4030] =	vst v2  }
0x10: {  	[tilespmem:s18+$0x4040] =	vst v2  }
0x11: {  	[tilespmem:s18+$0x4050] =	vst v2  }
0x12: {  	[tilespmem:s18+$0x4060] =	vst v2  }
0x13: {  	[hbm4b:s2+s14] =	stream.strided.scatter [tilespmem:s16], [sflag:$0x1], $0x800, s15, s14, $0x38;
	[tilespmem:$0x4800] =	vst v63  }
0x14: {  	_ =	swait.ge [sflag:s13], $0x800  }
0x15: {  	[sflag:s13] =	ssyncset.done $0x0  }
0x16: {  	[sflag:s13] =	ssyncadd.s32 $0xFFFFF800  }
.LBB2_21:
0x17: {  	s3 =	sadd.s32 $0x1, s3  }
0x18: {  	p1 =	sne.s32 s3, s12  }
.Ltmp1:
0x19: {  	_ = 	snop;
	(pc) =	sbr.rel @!p1 .LBB2_22-.Ltmp1, $1  }
0x1a: {  	_ =	sdelay $0x3  }
.LBB2_1:
0x1b: {  	s17 =	simm.s32 $0x0;
	s18 =	simm.s32 $0x1000  }
.LBB2_2:
0x1c: {  	p1 =	sne.s32 s18, $0xF000;
	[tilespmem:s17+$0x70] =	vst v0  }
0x1d: {  	[tilespmem:s17+$0x0] =	vst v0  }
0x1e: {  	[tilespmem:s17+$0x10] =	vst v0  }
.Ltmp2:
0x1f: {  	[tilespmem:s17+$0x20] =	vst v0;
	(pc) =	sbr.rel @p1 .LBB2_2-.Ltmp2, $4  }
0x20: {  	[tilespmem:s17+$0x30] =	vst v0  }
0x21: {  	[tilespmem:s17+$0x40] =	vst v0  }
0x22: {  	[tilespmem:s17+$0x50] =	vst v0  }
0x23: {  	[tilespmem:s17+$0x60] =	vst v0;
	s17 =	sshra.s32 s18, $0x2;
	s18 =	sadd.s32 $0x1000, s18  }
0x24: {  	[tilespmem:s17+$0x70] =	vst v0  }
0x25: {  	[tilespmem:s17+$0x0] =	vst v0  }
0x26: {  	[tilespmem:s17+$0x10] =	vst v0  }
0x27: {  	[tilespmem:s17+$0x20] =	vst v0  }
0x28: {  	[tilespmem:s17+$0x30] =	vst v0  }
0x29: {  	[tilespmem:s17+$0x40] =	vst v0  }
0x2a: {  	[tilespmem:s17+$0x50] =	vst v0  }
0x2b: {  	[tilespmem:s17+$0x60] =	vst v0  }
0x2c: {  	s17 =	simm.s32 $0x0;
	s18 =	simm.s32 $0x1000;
	[tilespmem:$0x0] =	vst v1  }
.LBB2_4:
0x2d: {  	p1 =	sne.s32 s18, $0xF000;
	[tilespmem:s17+$0xF0] =	vst v0  }
0x2e: {  	[tilespmem:s17+$0x80] =	vst v0  }
0x2f: {  	[tilespmem:s17+$0x90] =	vst v0  }
.Ltmp3:
0x30: {  	[tilespmem:s17+$0xA0] =	vst v0;
	(pc) =	sbr.rel @p1 .LBB2_4-.Ltmp3, $4  }
0x31: {  	[tilespmem:s17+$0xB0] =	vst v0  }
0x32: {  	[tilespmem:s17+$0xC0] =	vst v0  }
0x33: {  	[tilespmem:s17+$0xD0] =	vst v0  }
0x34: {  	[tilespmem:s17+$0xE0] =	vst v0;
	s17 =	sshra.s32 s18, $0x2;
	s18 =	sadd.s32 $0x1000, s18  }
0x35: {  	[tilespmem:s17+$0xF0] =	vst v0  }
0x36: {  	[tilespmem:s17+$0x80] =	vst v0  }
0x37: {  	[tilespmem:s17+$0x90] =	vst v0  }
0x38: {  	[tilespmem:s17+$0xA0] =	vst v0  }
0x39: {  	[tilespmem:s17+$0xB0] =	vst v0  }
0x3a: {  	[tilespmem:s17+$0xC0] =	vst v0  }
0x3b: {  	[tilespmem:s17+$0xD0] =	vst v0  }
0x3c: {  	[tilespmem:s17+$0xE0] =	vst v0  }
0x3d: {  	s17 =	simm.s32 $0x0;
	s18 =	simm.s32 $0x1000;
	[tilespmem:$0x80] =	vst v1  }
.LBB2_6:
0x3e: {  	p1 =	sne.s32 s18, $0xF000;
	[tilespmem:s17+$0x170] =	vst v0  }
0x3f: {  	[tilespmem:s17+$0x100] =	vst v0  }
0x40: {  	[tilespmem:s17+$0x110] =	vst v0  }
.Ltmp4:
0x41: {  	[tilespmem:s17+$0x120] =	vst v0;
	(pc) =	sbr.rel @p1 .LBB2_6-.Ltmp4, $4  }
0x42: {  	[tilespmem:s17+$0x130] =	vst v0  }
0x43: {  	[tilespmem:s17+$0x140] =	vst v0  }
0x44: {  	[tilespmem:s17+$0x150] =	vst v0  }
0x45: {  	[tilespmem:s17+$0x160] =	vst v0;
	s17 =	sshra.s32 s18, $0x2;
	s18 =	sadd.s32 $0x1000, s18  }
0x46: {  	[tilespmem:s17+$0x170] =	vst v0  }
0x47: {  	[tilespmem:s17+$0x100] =	vst v0  }
0x48: {  	[tilespmem:s17+$0x110] =	vst v0  }
0x49: {  	[tilespmem:s17+$0x120] =	vst v0  }
0x4a: {  	[tilespmem:s17+$0x130] =	vst v0  }
0x4b: {  	[tilespmem:s17+$0x140] =	vst v0  }
0x4c: {  	[tilespmem:s17+$0x150] =	vst v0  }
0x4d: {  	[tilespmem:s17+$0x160] =	vst v0  }
0x4e: {  	s17 =	simm.s32 $0x0;
	s18 =	simm.s32 $0x1000;
	[tilespmem:$0x100] =	vst v1  }
.LBB2_8:
0x4f: {  	p1 =	sne.s32 s18, $0xF000;
	[tilespmem:s17+$0x1F0] =	vst v0  }
0x50: {  	[tilespmem:s17+$0x180] =	vst v0  }
0x51: {  	[tilespmem:s17+$0x190] =	vst v0  }
.Ltmp5:
0x52: {  	[tilespmem:s17+$0x1A0] =	vst v0;
	(pc) =	sbr.rel @p1 .LBB2_8-.Ltmp5, $4  }
0x53: {  	[tilespmem:s17+$0x1B0] =	vst v0  }
0x54: {  	[tilespmem:s17+$0x1C0] =	vst v0  }
0x55: {  	[tilespmem:s17+$0x1D0] =	vst v0  }
0x56: {  	[tilespmem:s17+$0x1E0] =	vst v0;
	s17 =	sshra.s32 s18, $0x2;
	s18 =	sadd.s32 $0x1000, s18  }
0x57: {  	[tilespmem:s17+$0x1F0] =	vst v0  }
0x58: {  	[tilespmem:s17+$0x180] =	vst v0  }
0x59: {  	[tilespmem:s17+$0x190] =	vst v0  }
0x5a: {  	[tilespmem:s17+$0x1A0] =	vst v0  }
0x5b: {  	[tilespmem:s17+$0x1B0] =	vst v0  }
0x5c: {  	[tilespmem:s17+$0x1C0] =	vst v0  }
0x5d: {  	[tilespmem:s17+$0x1D0] =	vst v0  }
0x5e: {  	[tilespmem:s17+$0x1E0] =	vst v0  }
0x5f: {  	s17 =	simm.s32 $0x0;
	s18 =	simm.s32 $0x1000;
	[tilespmem:$0x180] =	vst v1  }
.LBB2_10:
0x60: {  	p1 =	sne.s32 s18, $0xF000;
	[tilespmem:s17+$0x270] =	vst v0  }
0x61: {  	[tilespmem:s17+$0x200] =	vst v0  }
0x62: {  	[tilespmem:s17+$0x210] =	vst v0  }
.Ltmp6:
0x63: {  	[tilespmem:s17+$0x220] =	vst v0;
	(pc) =	sbr.rel @p1 .LBB2_10-.Ltmp6, $4  }
0x64: {  	[tilespmem:s17+$0x230] =	vst v0  }
0x65: {  	[tilespmem:s17+$0x240] =	vst v0  }
0x66: {  	[tilespmem:s17+$0x250] =	vst v0  }
0x67: {  	[tilespmem:s17+$0x260] =	vst v0;
	s17 =	sshra.s32 s18, $0x2;
	s18 =	sadd.s32 $0x1000, s18  }
0x68: {  	[tilespmem:s17+$0x270] =	vst v0  }
0x69: {  	[tilespmem:s17+$0x200] =	vst v0  }
0x6a: {  	[tilespmem:s17+$0x210] =	vst v0  }
0x6b: {  	[tilespmem:s17+$0x220] =	vst v0  }
0x6c: {  	[tilespmem:s17+$0x230] =	vst v0  }
0x6d: {  	[tilespmem:s17+$0x240] =	vst v0  }
0x6e: {  	[tilespmem:s17+$0x250] =	vst v0  }
0x6f: {  	[tilespmem:s17+$0x260] =	vst v0  }
0x70: {  	s17 =	simm.s32 $0x0;
	s18 =	simm.s32 $0x1000;
	[tilespmem:$0x200] =	vst v1  }
.LBB2_12:
0x71: {  	p1 =	sne.s32 s18, $0xF000;
	[tilespmem:s17+$0x2F0] =	vst v0  }
0x72: {  	[tilespmem:s17+$0x280] =	vst v0  }
0x73: {  	[tilespmem:s17+$0x290] =	vst v0  }
.Ltmp7:
0x74: {  	[tilespmem:s17+$0x2A0] =	vst v0;
	(pc) =	sbr.rel @p1 .LBB2_12-.Ltmp7, $4  }
0x75: {  	[tilespmem:s17+$0x2B0] =	vst v0  }
0x76: {  	[tilespmem:s17+$0x2C0] =	vst v0  }
0x77: {  	[tilespmem:s17+$0x2D0] =	vst v0  }
0x78: {  	[tilespmem:s17+$0x2E0] =	vst v0;
	s17 =	sshra.s32 s18, $0x2;
	s18 =	sadd.s32 $0x1000, s18  }
0x79: {  	[tilespmem:s17+$0x2F0] =	vst v0  }
0x7a: {  	[tilespmem:s17+$0x280] =	vst v0  }
0x7b: {  	[tilespmem:s17+$0x290] =	vst v0  }
0x7c: {  	[tilespmem:s17+$0x2A0] =	vst v0  }
0x7d: {  	[tilespmem:s17+$0x2B0] =	vst v0  }
0x7e: {  	[tilespmem:s17+$0x2C0] =	vst v0  }
0x7f: {  	[tilespmem:s17+$0x2D0] =	vst v0  }
0x80: {  	[tilespmem:s17+$0x2E0] =	vst v0  }
0x81: {  	s17 =	simm.s32 $0x0;
	s18 =	simm.s32 $0x1000;
	[tilespmem:$0x280] =	vst v1  }
.LBB2_14:
0x82: {  	p1 =	sne.s32 s18, $0xF000;
	[tilespmem:s17+$0x370] =	vst v0  }
0x83: {  	[tilespmem:s17+$0x300] =	vst v0  }
0x84: {  	[tilespmem:s17+$0x310] =	vst v0  }
.Ltmp8:
0x85: {  	[tilespmem:s17+$0x320] =	vst v0;
	(pc) =	sbr.rel @p1 .LBB2_14-.Ltmp8, $4  }
0x86: {  	[tilespmem:s17+$0x330] =	vst v0  }
0x87: {  	[tilespmem:s17+$0x340] =	vst v0  }
0x88: {  	[tilespmem:s17+$0x350] =	vst v0  }
0x89: {  	[tilespmem:s17+$0x360] =	vst v0;
	s17 =	sshra.s32 s18, $0x2;
	s18 =	sadd.s32 $0x1000, s18  }
0x8a: {  	[tilespmem:s17+$0x370] =	vst v0  }
0x8b: {  	[tilespmem:s17+$0x300] =	vst v0  }
0x8c: {  	[tilespmem:s17+$0x310] =	vst v0  }
0x8d: {  	[tilespmem:s17+$0x320] =	vst v0  }
0x8e: {  	[tilespmem:s17+$0x330] =	vst v0  }
0x8f: {  	[tilespmem:s17+$0x340] =	vst v0  }
0x90: {  	[tilespmem:s17+$0x350] =	vst v0  }
0x91: {  	[tilespmem:s17+$0x360] =	vst v0  }
0x92: {  	s17 =	simm.s32 $0x0;
	s18 =	simm.s32 $0x1000;
	[tilespmem:$0x300] =	vst v1  }
.LBB2_16:
0x93: {  	p1 =	sne.s32 s18, $0xF000;
	[tilespmem:s17+$0x3F0] =	vst v0  }
0x94: {  	[tilespmem:s17+$0x380] =	vst v0  }
0x95: {  	[tilespmem:s17+$0x390] =	vst v0  }
.Ltmp9:
0x96: {  	[tilespmem:s17+$0x3A0] =	vst v0;
	(pc) =	sbr.rel @p1 .LBB2_16-.Ltmp9, $4  }
0x97: {  	[tilespmem:s17+$0x3B0] =	vst v0  }
0x98: {  	[tilespmem:s17+$0x3C0] =	vst v0  }
0x99: {  	[tilespmem:s17+$0x3D0] =	vst v0  }
0x9a: {  	[tilespmem:s17+$0x3E0] =	vst v0;
	s17 =	sshra.s32 s18, $0x2;
	s18 =	sadd.s32 $0x1000, s18  }
0x9b: {  	[tilespmem:s17+$0x3F0] =	vst v0  }
0x9c: {  	[tilespmem:s17+$0x380] =	vst v0  }
0x9d: {  	[tilespmem:s17+$0x390] =	vst v0  }
0x9e: {  	[tilespmem:s17+$0x3A0] =	vst v0  }
0x9f: {  	[tilespmem:s17+$0x3B0] =	vst v0  }
0xa0: {  	[tilespmem:s17+$0x3C0] =	vst v0  }
0xa1: {  	[tilespmem:s17+$0x3D0] =	vst v0  }
0xa2: {  	[tilespmem:s17+$0x3E0] =	vst v0  }
0xa3: {  	s17 =	simm.s32 $0x0;
	[tilespmem:$0x380] =	vst v1  }
0xa4: {  	[hbm4b:s4+s17] =	stream.linear.scatter [tilespmem:s17], [sflag:$0x1], $0x4000, $0x38;
	[tilespmem:$0x4800] =	vst v63  }
0xa5: {  	_ =	swait.ge [sflag:s13], $0x4000  }
0xa6: {  	[sflag:s13] =	ssyncset.done $0x0  }
0xa7: {  	[sflag:s13] =	ssyncadd.s32 $0xFFFFC000  }
0xa8: {  	[hbm4b:s5+s17] =	stream.linear.scatter [tilespmem:s17], [sflag:$0x1], $0x4000, $0x38;
	[tilespmem:$0x4800] =	vst v63  }
0xa9: {  	_ =	swait.ge [sflag:s13], $0x4000  }
0xaa: {  	[sflag:s13] =	ssyncset.done $0x0  }
0xab: {  	[sflag:s13] =	ssyncadd.s32 $0xFFFFC000  }
0xac: {  	[hbm4b:s6+s17] =	stream.linear.scatter [tilespmem:s17], [sflag:$0x1], $0x4000, $0x38;
	[tilespmem:$0x4800] =	vst v63  }
0xad: {  	_ =	swait.ge [sflag:s13], $0x4000  }
0xae: {  	[sflag:s13] =	ssyncset.done $0x0  }
0xaf: {  	[sflag:s13] =	ssyncadd.s32 $0xFFFFC000  }
0xb0: {  	[hbm4b:s7+s17] =	stream.linear.scatter [tilespmem:s17], [sflag:$0x1], $0x4000, $0x38;
	[tilespmem:$0x4800] =	vst v63  }
0xb1: {  	_ =	swait.ge [sflag:s13], $0x4000  }
0xb2: {  	[sflag:s13] =	ssyncset.done $0x0  }
0xb3: {  	[sflag:s13] =	ssyncadd.s32 $0xFFFFC000  }
0xb4: {  	[hbm4b:s8+s17] =	stream.linear.scatter [tilespmem:s17], [sflag:$0x1], $0x4000, $0x38;
	[tilespmem:$0x4800] =	vst v63  }
0xb5: {  	_ =	swait.ge [sflag:s13], $0x4000  }
0xb6: {  	[sflag:s13] =	ssyncset.done $0x0  }
0xb7: {  	[sflag:s13] =	ssyncadd.s32 $0xFFFFC000  }
0xb8: {  	[hbm4b:s9+s17] =	stream.linear.scatter [tilespmem:s17], [sflag:$0x1], $0x4000, $0x38;
	[tilespmem:$0x4800] =	vst v63  }
0xb9: {  	_ =	swait.ge [sflag:s13], $0x4000  }
0xba: {  	[sflag:s13] =	ssyncset.done $0x0  }
0xbb: {  	[sflag:s13] =	ssyncadd.s32 $0xFFFFC000  }
0xbc: {  	[hbm4b:s10+s17] =	stream.linear.scatter [tilespmem:s17], [sflag:$0x1], $0x4000, $0x38;
	[tilespmem:$0x4800] =	vst v63  }
0xbd: {  	_ =	swait.ge [sflag:s13], $0x4000  }
0xbe: {  	[sflag:s13] =	ssyncset.done $0x0  }
.Ltmp10:
0xbf: {  	[sflag:s13] =	ssyncadd.s32 $0xFFFFC000;
	(pc) =	sbr.rel @p0 .LBB2_21-.Ltmp10, $4  }
0xc0: {  	[hbm4b:s11+s17] =	stream.linear.scatter [tilespmem:s17], [sflag:$0x1], $0x4000, $0x38;
	[tilespmem:$0x4800] =	vst v63  }
0xc1: {  	_ =	swait.ge [sflag:s13], $0x4000  }
0xc2: {  	[sflag:s13] =	ssyncset.done $0x0  }
0xc3: {  	[sflag:s13] =	ssyncadd.s32 $0xFFFFC000  }
0xc4: {  	s18 =	sshra.s32 s17, $0x2;
	s17 =	sadd.s32 $0x200, s17  }
.LBB2_19:
0xc5: {  	p1 =	sne.s32 s17, $0x1E00;
	[tilespmem:s18+$0x4070] =	vst v2  }
0xc6: {  	[tilespmem:s18+$0x4000] =	vst v2  }
0xc7: {  	[tilespmem:s18+$0x4010] =	vst v2  }
.Ltmp11:
0xc8: {  	[tilespmem:s18+$0x4020] =	vst v2;
	(pc) =	sbr.rel @p1 .LBB2_19-.Ltmp11, $4  }
0xc9: {  	[tilespmem:s18+$0x4030] =	vst v2  }
0xca: {  	[tilespmem:s18+$0x4040] =	vst v2  }
0xcb: {  	[tilespmem:s18+$0x4050] =	vst v2  }
0xcc: {  	[tilespmem:s18+$0x4060] =	vst v2;
	s18 =	sshra.s32 s17, $0x2;
	s17 =	sadd.s32 $0x200, s17  }
.Ltmp12:
0xcd: {  	_ = 	snop;
	(pc) =	sbr.rel .LBB2_20-.Ltmp12, $1  }
0xce: {  	_ =	sdelay $0x3  }
.LBB2_22:
0xcf: {  	_ =	sfence.sel $0x180000  }
0xd0: {  	[bflag:$0x0] =	sbarrier.arrive $0xFFFF  }
0xd1: {  	p0 =	sne.s32 s0, $0x0;
	_ =	strace $0x90000047  }
0xd2: {  	s0 =	sadd.s32 @!p0 $0x100000, s1;
	[bflag:$0x2] =	sbarrier.arrive $0xFFFF  }
0xd3: {  	[sflag:s0] =	ssyncadd.tile.s32 @!p0 $0x1;
	_ =	shalt  }
.Lfunc_end2:
_tile_overlayer_lowered:
.L_overlay_start_2:
0xd4: {  	(tag) =	ssettag $0x2  }
0xd5: {  	s0 =	rddreg [dreg:$0x0];
	s2 =	stileid.u32  }
0xd6: {  	s1 =	rddreg [dreg:$0x1];
	p0 =	sne.s32 s2, $0x0  }
0xd7: {  	s3 =	rddreg [dreg:$0x2];
	[bflag:$0x3] =	sbarrier.arrive $0xFFFF;
	s2 =	simm.s32 @!p0 $0x1C01  }
0xd8: {  	[timem:s3], [sflag:s2] =	dma.local @!p0 [hbm:s0], s1  }
0xd9: {  	s0 =	simm.s32 @!p0 $0x1  }
0xda: {  	_ =	swait.ge @!p0 [sflag:s0], s1  }
0xdb: {  	s1 =	ssub.s32 @!p0 $0x0, s1;
	[sflag:s0] =	ssyncset.done @!p0 $0x0  }
0xdc: {  	[sflag:s0] =	ssyncadd.s32 @!p0 s1  }
0xdd: {  	[bflag:$0x3] =	sbarrier.arrive $0xFFFF  }
0xde: {  	_ =	shalt  }

</sc_bundles>
